<compile_context>
chip_gen: v7x
topology: tpu7x:2x2x1
jax: 0.10.2.dev20260603
libtpu: 0.0.44.dev20260713+nightly
codegen_flags: <defaults>
</compile_context>

<pallas_src>
import functools

import jax
import jax.numpy as jnp
from jax import lax
from jax.experimental import pallas as pl
from jax.experimental.pallas import tpu as pltpu
from jax.experimental.pallas import tpu_sc as plsc

_L = 16
_UN = 8


def _encoder_body(B, W, M, NC, NS, C, NB, bits_hbm, tbl_hbm, out_hbm,
                  tbl_v, tblp_v, bits_a, bits_b, out_v, s_in, s_out):
    NW = NC * NS
    CW = B // NW
    NCH = CW // C
    wid = lax.axis_index("s") * NC + lax.axis_index("c")

    base_col = wid * CW

    def _in_copy_a(b, g):
        col0 = base_col + g * C
        return pltpu.make_async_copy(
            bits_hbm.at[pl.ds(0, 8), pl.ds(col0, C)], bits_a[b], s_in[b])

    def _in_copy_b(b, g):
        col0 = base_col + g * C
        return pltpu.make_async_copy(
            bits_hbm.at[pl.ds(8, 2), pl.ds(col0, C)], bits_b[b], s_in[b])

    def _in_start(b, g):
        _in_copy_a(b, g).start()
        _in_copy_b(b, g).start()

    def _in_wait(b, g):
        _in_copy_a(b, g).wait()
        _in_copy_b(b, g).wait()

    def _out_copy(b, g):
        col0 = base_col + g * C
        return pltpu.make_async_copy(
            out_v[b], out_hbm.at[pl.ds(col0 * 2, C * 2)], s_out[b])

    for b in range(NB):
        _in_start(b, b)

    pltpu.sync_copy(tbl_hbm, tbl_v)

    def _ssq_body(i, acc):
        v = tbl_v[pl.ds(i * _L, _L)]
        return acc + v * v

    ssq = lax.fori_loop(0, (2 * M) // _L, _ssq_body,
                        jnp.zeros((_L,), jnp.float32))
    mean = jnp.sum(ssq) * jnp.float32(1.0 / M)
    mv = lax.broadcast_in_dim(mean, (_L,), ())
    ii = plsc.bitcast(mv, jnp.int32)
    ii = jnp.int32(0x5F3759DF) - (ii >> 1)
    y = plsc.bitcast(ii, jnp.float32)
    half = mv * jnp.float32(0.5)
    for _ in range(4):
        y = y * (jnp.float32(1.5) - half * y * y)
    inv_nf = y

    def _pack_body(i, _):
        re = tbl_v[pl.ds(i * _L, _L)] * inv_nf
        im = tbl_v[pl.ds(M + i * _L, _L)] * inv_nf
        pk = plsc.pack(re, im, format=plsc.PackFormat.INTERLEAVED)
        tblp_v[pl.ds(i * _L, _L)] = plsc.bitcast(pk, jnp.int32)
        return 0

    lax.fori_loop(0, M // _L, _pack_body, 0)

    c2 = jnp.float32(2.0)
    c4 = jnp.float32(4.0)
    c16 = jnp.float32(16.0)

    def _compute(b):
        ba = bits_a[b]
        bb = bits_b[b]
        ov = out_v[b]

        @plsc.parallel_loop(0, C // _L, unroll=_UN)
        def _group(j):
            i = j * _L
            s = pl.ds(i, _L)
            p = [ba[k, s] for k in range(8)] + [bb[k, s] for k in range(W - 8)]
            s01 = p[0] * c2 + p[1]
            s23 = p[2] * c2 + p[3]
            s45 = p[4] * c2 + p[5]
            s67 = p[6] * c2 + p[7]
            s89 = p[8] * c2 + p[9]
            t0 = s01 * c4 + s23
            t1 = s45 * c4 + s67
            acc = (t0 * c16 + t1) * c4 + s89
            idx = acc.astype(jnp.int32)
            pk = plsc.load_gather(tblp_v, [idx])
            re, im = plsc.unpack(plsc.bitcast(pk, jnp.bfloat16),
                                 format=plsc.PackFormat.INTERLEAVED)
            off = ((i >> 7) << 8) + (i & 127)
            ov[pl.ds(off, _L)] = re
            ov[pl.ds(off + 128, _L)] = im

    def _round(gg, _):
        for b in range(NB):
            g = gg * NB + b
            _in_wait(b, g)

            @pl.when(gg > 0)
            def _wait_out():
                _out_copy(b, g).wait()

            _compute(b)
            _out_copy(b, g).start()

            @pl.when(gg < NCH // NB - 1)
            def _next_in():
                _in_start(b, g + NB)

        return 0

    lax.fori_loop(0, NCH // NB, _round, 0)
    for b in range(NB):
        _out_copy(b, NCH - NB + b).wait()


@jax.jit
def _encode(bits_t, tbl_flat):
    W, B = bits_t.shape
    M = tbl_flat.shape[0] // 2
    info = plsc.get_sparse_core_info()
    NC, NS = info.num_cores, info.num_subcores
    C = 2048
    NB = 4
    mesh = plsc.VectorSubcoreMesh(core_axis_name="c", subcore_axis_name="s")

    def _body(bits_hbm, tbl_hbm, out_hbm, tbl_v, tblp_v, *rest):
        bits_a = rest[0:NB]
        bits_b = rest[NB:2 * NB]
        out_v = rest[2 * NB:3 * NB]
        s_in = rest[3 * NB:4 * NB]
        s_out = rest[4 * NB:5 * NB]
        _encoder_body(B, W, M, NC, NS, C, NB, bits_hbm, tbl_hbm, out_hbm,
                      tbl_v, tblp_v, bits_a, bits_b, out_v, s_in, s_out)

    k = pl.kernel(
        _body,
        mesh=mesh,
        compiler_params=pltpu.CompilerParams(
            needs_layout_passes=False, use_tc_tiling_on_sc=True),
        out_type=jax.ShapeDtypeStruct((B * 2,), jnp.float32),
        scratch_types=(
            [pltpu.VMEM((2 * M,), jnp.float32), pltpu.VMEM((M,), jnp.int32)]
            + [pltpu.VMEM((8, C), jnp.float32) for _ in range(NB)]
            + [pltpu.VMEM((2, C), jnp.float32) for _ in range(NB)]
            + [pltpu.VMEM((C * 2,), jnp.float32) for _ in range(NB)]
            + [pltpu.SemaphoreType.DMA for _ in range(2 * NB)]
        ),
    )
    out1d = k(bits_t, tbl_flat)
    return jnp.swapaxes(out1d.reshape(B // 128, 2, 128), 1, 2).reshape(B, 2)


def kernel(bit_sequence, matrix):
    return _encode(bit_sequence.T, matrix.T.reshape(-1))

# --- scband reference (transcript-rebuilt; emitter-appended) ---
"""Pipeline reference for scband-encoder-16724602651243 (READ-ONLY COPY).

The authoritative reference and input builder live on the scoring server;
editing this copy changes nothing except your own understanding.
"""

import jax, jax.numpy as jnp
import numpy as np

NUM_ROWS = 1024
BATCH = 1048576
W = 10  # log2(NUM_ROWS)


def gray_qam_table(M):
    # Gray-mapped square QAM constellation, matching tu.grayMapping(M, 'qam') semantics
    m = int(np.sqrt(M))
    nbits = int(np.log2(m))
    idx = np.arange(m)
    gray = idx ^ (idx >> 1)
    levels = (2 * idx - (m - 1)).astype(np.float32)
    lev = np.empty(m, dtype=np.float32)
    lev[gray] = levels
    all_idx = np.arange(M)
    i_bits = all_idx >> nbits
    q_bits = all_idx & (m - 1)
    table = np.stack([lev[i_bits], lev[q_bits]], axis=1)  # [M, 2] (real, imag)
    return table


def setup_inputs(seed: int = 0) -> dict:
    key = jax.random.key(seed)
    k1, _ = jax.random.split(key)
    bit_sequence = jax.random.randint(k1, (BATCH, W), 0, 2).astype(jnp.float32)
    matrix = jnp.asarray(gray_qam_table(NUM_ROWS), dtype=jnp.float32)  # learned param, gray-QAM init
    return {"bit_sequence": bit_sequence, "matrix": matrix}


def reference(bit_sequence, matrix):
    w = bit_sequence.shape[1]
    powers_of_two = jnp.power(2.0, jnp.arange(w - 1, -1, -1, dtype=jnp.float32))
    # map_bits_to_index
    index = jnp.matmul(bit_sequence, powers_of_two).astype(jnp.int32)
    # embedding lookup (gather)
    logits = jnp.take(matrix, index, axis=0)
    # normalize_matrix uses .detach() -> stop_gradient
    cstl = jax.lax.stop_gradient(matrix)
    mean_mag_sq = jnp.mean(cstl[:, 0] ** 2 + cstl[:, 1] ** 2)
    NF = jnp.sqrt(mean_mag_sq)
    return logits / NF

if __name__ == "__main__":
    import jax
    _d = setup_inputs()
    print(jax.jit(kernel)(*tuple(_d.values())))

</pallas_src>

<mosaic_0001>
#map = affine_map<(d0, d1) -> (0, 0)>
#map1 = affine_map<(d0, d1) -> (0)>
module attributes {stable_mosaic.version = 14 : i64} {
  func.func @_body(%arg0: i32, %arg1: i32, %arg2: memref<10x1048576xf32, #tpu.memory_space<hbm>>, %arg3: memref<2048xf32, #tpu.memory_space<hbm>>, %arg4: memref<2097152xf32, #tpu.memory_space<hbm>>, %arg5: memref<2048xf32, #tpu.memory_space<vmem>>, %arg6: memref<1024xi32, #tpu.memory_space<vmem>>, %arg7: memref<8x2048xf32, #tpu.memory_space<vmem>>, %arg8: memref<8x2048xf32, #tpu.memory_space<vmem>>, %arg9: memref<8x2048xf32, #tpu.memory_space<vmem>>, %arg10: memref<8x2048xf32, #tpu.memory_space<vmem>>, %arg11: memref<2x2048xf32, #tpu.memory_space<vmem>>, %arg12: memref<2x2048xf32, #tpu.memory_space<vmem>>, %arg13: memref<2x2048xf32, #tpu.memory_space<vmem>>, %arg14: memref<2x2048xf32, #tpu.memory_space<vmem>>, %arg15: memref<4096xf32, #tpu.memory_space<vmem>>, %arg16: memref<4096xf32, #tpu.memory_space<vmem>>, %arg17: memref<4096xf32, #tpu.memory_space<vmem>>, %arg18: memref<4096xf32, #tpu.memory_space<vmem>>, %arg19: memref<!tpu.dma_semaphore, #tpu.memory_space<semaphore_mem>>, %arg20: memref<!tpu.dma_semaphore, #tpu.memory_space<semaphore_mem>>, %arg21: memref<!tpu.dma_semaphore, #tpu.memory_space<semaphore_mem>>, %arg22: memref<!tpu.dma_semaphore, #tpu.memory_space<semaphore_mem>>, %arg23: memref<!tpu.dma_semaphore, #tpu.memory_space<semaphore_mem>>, %arg24: memref<!tpu.dma_semaphore, #tpu.memory_space<semaphore_mem>>, %arg25: memref<!tpu.dma_semaphore, #tpu.memory_space<semaphore_mem>>, %arg26: memref<!tpu.dma_semaphore, #tpu.memory_space<semaphore_mem>>) attributes {dimension_semantics = [#tpu.dimension_semantics<core_parallel>, #tpu.dimension_semantics<subcore_parallel>], iteration_bounds = array<i64: 2, 16>, scalar_prefetch = 0 : i64, scratch_operands = 22 : i64, tpu.core_type = #tpu.core_type<sc_vector_subcore>, window_params = [{transform_indices = #map}, {transform_indices = #map1}, {transform_indices = #map1}]} {
    %mul3A = arith.constant 2 : i32
    %mul3A_0 = arith.muli %arg1, %mul3A : i32
    %add3A = arith.addi %mul3A_0, %arg0 : i32
    %mul3A_1 = arith.constant 32768 : i32
    %mul3A_2 = arith.muli %add3A, %mul3A_1 : i32
    %add3A_3 = arith.constant 0 : i32
    %add3A_4 = arith.addi %mul3A_2, %add3A_3 : i32
    %dma_start3A = arith.constant 0 : i32
    %dma_start3A_5 = tpu.memref_slice %arg2[%dma_start3A, %add3A_4] : memref<10x1048576xf32, #tpu.memory_space<hbm>> -> memref<8x2048xf32, #tpu.memory_space<hbm>>
    %dma_start3A_6 = arith.constant 0 : i32
    %dma_start3A_7 = tpu.memref_slice %arg2[%dma_start3A_6, %add3A_4] : memref<10x1048576xf32, #tpu.memory_space<hbm>> -> memref<8x2048xf32, #tpu.memory_space<hbm>>
    tpu.enqueue_dma source(%dma_start3A_7 : memref<8x2048xf32, #tpu.memory_space<hbm>>) target(%arg7 : memref<8x2048xf32, #tpu.memory_space<vmem>>) target_semaphore(%arg19 : memref<!tpu.dma_semaphore, #tpu.memory_space<semaphore_mem>>)
    %add3A_8 = arith.constant 0 : i32
    %add3A_9 = arith.addi %mul3A_2, %add3A_8 : i32
    %dma_start3A_10 = arith.constant 8 : i32
    %dma_start3A_11 = tpu.memref_slice %arg2[%dma_start3A_10, %add3A_9] : memref<10x1048576xf32, #tpu.memory_space<hbm>> -> memref<2x2048xf32, #tpu.memory_space<hbm>>
    %dma_start3A_12 = arith.constant 8 : i32
    %dma_start3A_13 = tpu.memref_slice %arg2[%dma_start3A_12, %add3A_9] : memref<10x1048576xf32, #tpu.memory_space<hbm>> -> memref<2x2048xf32, #tpu.memory_space<hbm>>
    tpu.enqueue_dma source(%dma_start3A_13 : memref<2x2048xf32, #tpu.memory_space<hbm>>) target(%arg11 : memref<2x2048xf32, #tpu.memory_space<vmem>>) target_semaphore(%arg19 : memref<!tpu.dma_semaphore, #tpu.memory_space<semaphore_mem>>)
    %add3A_14 = arith.constant 2048 : i32
    %add3A_15 = arith.addi %mul3A_2, %add3A_14 : i32
    %dma_start3A_16 = arith.constant 0 : i32
    %dma_start3A_17 = tpu.memref_slice %arg2[%dma_start3A_16, %add3A_15] : memref<10x1048576xf32, #tpu.memory_space<hbm>> -> memref<8x2048xf32, #tpu.memory_space<hbm>>
    %dma_start3A_18 = arith.constant 0 : i32
    %dma_start3A_19 = tpu.memref_slice %arg2[%dma_start3A_18, %add3A_15] : memref<10x1048576xf32, #tpu.memory_space<hbm>> -> memref<8x2048xf32, #tpu.memory_space<hbm>>
    tpu.enqueue_dma source(%dma_start3A_19 : memref<8x2048xf32, #tpu.memory_space<hbm>>) target(%arg8 : memref<8x2048xf32, #tpu.memory_space<vmem>>) target_semaphore(%arg20 : memref<!tpu.dma_semaphore, #tpu.memory_space<semaphore_mem>>)
    %add3A_20 = arith.constant 2048 : i32
    %add3A_21 = arith.addi %mul3A_2, %add3A_20 : i32
    %dma_start3A_22 = arith.constant 8 : i32
    %dma_start3A_23 = tpu.memref_slice %arg2[%dma_start3A_22, %add3A_21] : memref<10x1048576xf32, #tpu.memory_space<hbm>> -> memref<2x2048xf32, #tpu.memory_space<hbm>>
    %dma_start3A_24 = arith.constant 8 : i32
    %dma_start3A_25 = tpu.memref_slice %arg2[%dma_start3A_24, %add3A_21] : memref<10x1048576xf32, #tpu.memory_space<hbm>> -> memref<2x2048xf32, #tpu.memory_space<hbm>>
    tpu.enqueue_dma source(%dma_start3A_25 : memref<2x2048xf32, #tpu.memory_space<hbm>>) target(%arg12 : memref<2x2048xf32, #tpu.memory_space<vmem>>) target_semaphore(%arg20 : memref<!tpu.dma_semaphore, #tpu.memory_space<semaphore_mem>>)
    %add3A_26 = arith.constant 4096 : i32
    %add3A_27 = arith.addi %mul3A_2, %add3A_26 : i32
    %dma_start3A_28 = arith.constant 0 : i32
    %dma_start3A_29 = tpu.memref_slice %arg2[%dma_start3A_28, %add3A_27] : memref<10x1048576xf32, #tpu.memory_space<hbm>> -> memref<8x2048xf32, #tpu.memory_space<hbm>>
    %dma_start3A_30 = arith.constant 0 : i32
    %dma_start3A_31 = tpu.memref_slice %arg2[%dma_start3A_30, %add3A_27] : memref<10x1048576xf32, #tpu.memory_space<hbm>> -> memref<8x2048xf32, #tpu.memory_space<hbm>>
    tpu.enqueue_dma source(%dma_start3A_31 : memref<8x2048xf32, #tpu.memory_space<hbm>>) target(%arg9 : memref<8x2048xf32, #tpu.memory_space<vmem>>) target_semaphore(%arg21 : memref<!tpu.dma_semaphore, #tpu.memory_space<semaphore_mem>>)
    %add3A_32 = arith.constant 4096 : i32
    %add3A_33 = arith.addi %mul3A_2, %add3A_32 : i32
    %dma_start3A_34 = arith.constant 8 : i32
    %dma_start3A_35 = tpu.memref_slice %arg2[%dma_start3A_34, %add3A_33] : memref<10x1048576xf32, #tpu.memory_space<hbm>> -> memref<2x2048xf32, #tpu.memory_space<hbm>>
    %dma_start3A_36 = arith.constant 8 : i32
    %dma_start3A_37 = tpu.memref_slice %arg2[%dma_start3A_36, %add3A_33] : memref<10x1048576xf32, #tpu.memory_space<hbm>> -> memref<2x2048xf32, #tpu.memory_space<hbm>>
    tpu.enqueue_dma source(%dma_start3A_37 : memref<2x2048xf32, #tpu.memory_space<hbm>>) target(%arg13 : memref<2x2048xf32, #tpu.memory_space<vmem>>) target_semaphore(%arg21 : memref<!tpu.dma_semaphore, #tpu.memory_space<semaphore_mem>>)
    %add3A_38 = arith.constant 6144 : i32
    %add3A_39 = arith.addi %mul3A_2, %add3A_38 : i32
    %dma_start3A_40 = arith.constant 0 : i32
    %dma_start3A_41 = tpu.memref_slice %arg2[%dma_start3A_40, %add3A_39] : memref<10x1048576xf32, #tpu.memory_space<hbm>> -> memref<8x2048xf32, #tpu.memory_space<hbm>>
    %dma_start3A_42 = arith.constant 0 : i32
    %dma_start3A_43 = tpu.memref_slice %arg2[%dma_start3A_42, %add3A_39] : memref<10x1048576xf32, #tpu.memory_space<hbm>> -> memref<8x2048xf32, #tpu.memory_space<hbm>>
    tpu.enqueue_dma source(%dma_start3A_43 : memref<8x2048xf32, #tpu.memory_space<hbm>>) target(%arg10 : memref<8x2048xf32, #tpu.memory_space<vmem>>) target_semaphore(%arg22 : memref<!tpu.dma_semaphore, #tpu.memory_space<semaphore_mem>>)
    %add3A_44 = arith.constant 6144 : i32
    %add3A_45 = arith.addi %mul3A_2, %add3A_44 : i32
    %dma_start3A_46 = arith.constant 8 : i32
    %dma_start3A_47 = tpu.memref_slice %arg2[%dma_start3A_46, %add3A_45] : memref<10x1048576xf32, #tpu.memory_space<hbm>> -> memref<2x2048xf32, #tpu.memory_space<hbm>>
    %dma_start3A_48 = arith.constant 8 : i32
    %dma_start3A_49 = tpu.memref_slice %arg2[%dma_start3A_48, %add3A_45] : memref<10x1048576xf32, #tpu.memory_space<hbm>> -> memref<2x2048xf32, #tpu.memory_space<hbm>>
    tpu.enqueue_dma source(%dma_start3A_49 : memref<2x2048xf32, #tpu.memory_space<hbm>>) target(%arg14 : memref<2x2048xf32, #tpu.memory_space<vmem>>) target_semaphore(%arg22 : memref<!tpu.dma_semaphore, #tpu.memory_space<semaphore_mem>>)
    "tpu.region"() ({
      %run_scoped3A = tpu.sem_alloc : memref<!tpu.dma_semaphore, #tpu.memory_space<semaphore_mem>>
      tpu.enqueue_dma source(%arg3 : memref<2048xf32, #tpu.memory_space<hbm>>) target(%arg5 : memref<2048xf32, #tpu.memory_space<vmem>>) target_semaphore(%run_scoped3A : memref<!tpu.dma_semaphore, #tpu.memory_space<semaphore_mem>>)
      tpu.wait_dma2 semaphore(%run_scoped3A : memref<!tpu.dma_semaphore, #tpu.memory_space<semaphore_mem>>) src(%arg3 : memref<2048xf32, #tpu.memory_space<hbm>>) dst(%arg5 : memref<2048xf32, #tpu.memory_space<vmem>>)
      tpu.yield
    }) : () -> ()
    %broadcast_in_dim3A = arith.constant 0.000000e+00 : f32
    %broadcast_in_dim3A_50 = vector.broadcast %broadcast_in_dim3A : f32 to vector<16xf32>
    %scan3A = arith.constant 0 : i32
    %scan3A_51 = arith.constant 128 : i32
    %scan3A_52 = arith.addi %scan3A, %scan3A_51 : i32
    %scan3A_53 = arith.constant 1 : i32
    %scan3A_54 = scf.for %scan3A_134 = %scan3A to %scan3A_52 step %scan3A_53 iter_args(%scan3A_135 = %broadcast_in_dim3A_50) -> (vector<16xf32>)  : i32 {
      %mul3A_136 = arith.constant 16 : i32
      %mul3A_137 = arith.muli %scan3A_134, %mul3A_136 : i32
      %get3A = arith.index_cast %mul3A_137 : i32 to index
      %get3A_138 = tpu.vector_load %arg5[%get3A] {strides = array<i32>} : memref<2048xf32, #tpu.memory_space<vmem>>, vector<16xf32>,
      %mul3A_139 = arith.mulf %get3A_138, %get3A_138 : vector<16xf32>
      %add3A_140 = arith.addf %scan3A_135, %mul3A_139 : vector<16xf32>
      scf.yield %add3A_140 : vector<16xf32>
    }
    %scan3A_55 = arith.constant 128 : i32
    %reduce_sum3A = arith.constant true
    %reduce_sum3A_56 = vector.broadcast %reduce_sum3A : i1 to vector<16xi1>
    %reduce_sum3A_57 = tpu.scan <sum>, %scan3A_54 masked %reduce_sum3A_56 : vector<16xf32>, vector<16xi1> -> vector<16xf32>
    %reduce_sum3A_58 = vector.extract %reduce_sum3A_57[15] : f32 from vector<16xf32>
    %mul3A_59 = arith.constant 9.765625E-4 : f32
    %mul3A_60 = arith.mulf %reduce_sum3A_58, %mul3A_59 : f32
    %broadcast_in_dim3A_61 = vector.broadcast %mul3A_60 : f32 to vector<16xf32>
    %bitcast3A = vector.bitcast %broadcast_in_dim3A_61 : vector<16xf32> to vector<16xi32>
    %shift_right_arithmetic3A = arith.constant 1 : i32
    %shift_right_arithmetic3A_62 = vector.broadcast %shift_right_arithmetic3A : i32 to vector<16xi32>
    %shift_right_arithmetic3A_63 = arith.shrsi %bitcast3A, %shift_right_arithmetic3A_62 : vector<16xi32>
    %sub3A = arith.constant 1597463007 : i32
    %sub3A_64 = vector.broadcast %sub3A : i32 to vector<16xi32>
    %sub3A_65 = arith.subi %sub3A_64, %shift_right_arithmetic3A_63 : vector<16xi32>
    %bitcast3A_66 = vector.bitcast %sub3A_65 : vector<16xi32> to vector<16xf32>
    %mul3A_67 = arith.constant 5.000000e-01 : f32
    %mul3A_68 = vector.broadcast %mul3A_67 : f32 to vector<16xf32>
    %mul3A_69 = arith.mulf %broadcast_in_dim3A_61, %mul3A_68 : vector<16xf32>
    %mul3A_70 = arith.mulf %mul3A_69, %bitcast3A_66 : vector<16xf32>
    %mul3A_71 = arith.mulf %mul3A_70, %bitcast3A_66 : vector<16xf32>
    %sub3A_72 = arith.constant 1.500000e+00 : f32
    %sub3A_73 = vector.broadcast %sub3A_72 : f32 to vector<16xf32>
    %sub3A_74 = arith.subf %sub3A_73, %mul3A_71 : vector<16xf32>
    %mul3A_75 = arith.mulf %bitcast3A_66, %sub3A_74 : vector<16xf32>
    %mul3A_76 = arith.mulf %mul3A_69, %mul3A_75 : vector<16xf32>
    %mul3A_77 = arith.mulf %mul3A_76, %mul3A_75 : vector<16xf32>
    %sub3A_78 = arith.constant 1.500000e+00 : f32
    %sub3A_79 = vector.broadcast %sub3A_78 : f32 to vector<16xf32>
    %sub3A_80 = arith.subf %sub3A_79, %mul3A_77 : vector<16xf32>
    %mul3A_81 = arith.mulf %mul3A_75, %sub3A_80 : vector<16xf32>
    %mul3A_82 = arith.mulf %mul3A_69, %mul3A_81 : vector<16xf32>
    %mul3A_83 = arith.mulf %mul3A_82, %mul3A_81 : vector<16xf32>
    %sub3A_84 = arith.constant 1.500000e+00 : f32
    %sub3A_85 = vector.broadcast %sub3A_84 : f32 to vector<16xf32>
    %sub3A_86 = arith.subf %sub3A_85, %mul3A_83 : vector<16xf32>
    %mul3A_87 = arith.mulf %mul3A_81, %sub3A_86 : vector<16xf32>
    %mul3A_88 = arith.mulf %mul3A_69, %mul3A_87 : vector<16xf32>
    %mul3A_89 = arith.mulf %mul3A_88, %mul3A_87 : vector<16xf32>
    %sub3A_90 = arith.constant 1.500000e+00 : f32
    %sub3A_91 = vector.broadcast %sub3A_90 : f32 to vector<16xf32>
    %sub3A_92 = arith.subf %sub3A_91, %mul3A_89 : vector<16xf32>
    %mul3A_93 = arith.mulf %mul3A_87, %sub3A_92 : vector<16xf32>
    %scan3A_94 = arith.constant 0 : i32
    %scan3A_95 = arith.constant 0 : i32
    %scan3A_96 = arith.constant 64 : i32
    %scan3A_97 = arith.addi %scan3A_95, %scan3A_96 : i32
    %scan3A_98 = arith.constant 1 : i32
    %scan3A_99 = scf.for %scan3A_134 = %scan3A_95 to %scan3A_97 step %scan3A_98 iter_args(%scan3A_135 = %scan3A_94) -> (i32)  : i32 {
      %mul3A_136 = arith.constant 16 : i32
      %mul3A_137 = arith.muli %scan3A_134, %mul3A_136 : i32
      %get3A = arith.index_cast %mul3A_137 : i32 to index
      %get3A_138 = tpu.vector_load %arg5[%get3A] {strides = array<i32>} : memref<2048xf32, #tpu.memory_space<vmem>>, vector<16xf32>,
      %mul3A_139 = arith.mulf %get3A_138, %mul3A_93 : vector<16xf32>
      %mul3A_140 = arith.constant 16 : i32
      %mul3A_141 = arith.muli %scan3A_134, %mul3A_140 : i32
      %add3A_142 = arith.constant 1024 : i32
      %add3A_143 = arith.addi %add3A_142, %mul3A_141 : i32
      %get3A_144 = arith.index_cast %add3A_143 : i32 to index
      %get3A_145 = tpu.vector_load %arg5[%get3A_144] {strides = array<i32>} : memref<2048xf32, #tpu.memory_space<vmem>>, vector<16xf32>,
      %mul3A_146 = arith.mulf %get3A_145, %mul3A_93 : vector<16xf32>
      %pack3A = tpu.pack_subelements %mul3A_139, %mul3A_146 {pack_format = #tpu.pack_format<interleaved>, positions = array<i32: 0, 1>} : vector<16xf32>, vector<16xf32> -> vector<32xbf16>
      %bitcast3A_147 = vector.bitcast %pack3A : vector<32xbf16> to vector<16xi32>
      %mul3A_148 = arith.constant 16 : i32
      %mul3A_149 = arith.muli %scan3A_134, %mul3A_148 : i32
      %swap3A = arith.index_cast %mul3A_149 : i32 to index
      %swap3A_150 = tpu.vector_load %arg6[%swap3A] {strides = array<i32>} : memref<1024xi32, #tpu.memory_space<vmem>>, vector<16xi32>,
      tpu.vector_store %arg6[%swap3A], %bitcast3A_147 {strides = array<i32>} : memref<1024xi32, #tpu.memory_space<vmem>>, vector<16xi32>,
      %scan3A_151 = arith.constant 0 : i32
      scf.yield %scan3A_151 : i32
    }
    %scan3A_100 = arith.constant 64 : i32
    %scan3A_101 = arith.constant 2.000000e+00 : f32
    %scan3A_102 = arith.constant 4.000000e+00 : f32
    %scan3A_103 = arith.constant 1.600000e+01 : f32
    %scan3A_104 = arith.constant 0 : i32
    %scan3A_105 = arith.constant 0 : i32
    %scan3A_106 = arith.constant 4 : i32
    %scan3A_107 = arith.addi %scan3A_105, %scan3A_106 : i32
    %scan3A_108 = arith.constant 1 : i32
    %scan3A_109 = scf.for %scan3A_134 = %scan3A_105 to %scan3A_107 step %scan3A_108 iter_args(%scan3A_135 = %scan3A_104) -> (i32)  : i32 {
      %mul3A_136 = arith.constant 4 : i32
      %mul3A_137 = arith.muli %scan3A_134, %mul3A_136 : i32
      %add3A_138 = arith.constant 0 : i32
      %add3A_139 = arith.addi %mul3A_137, %add3A_138 : i32
      %mul3A_140 = arith.constant 2048 : i32
      %mul3A_141 = arith.muli %add3A_139, %mul3A_140 : i32
      %add3A_142 = arith.addi %mul3A_2, %mul3A_141 : i32
      %dma_wait3A_143 = arith.constant 0 : i32
      %dma_wait3A_144 = tpu.memref_slice %arg2[%dma_wait3A_143, %add3A_142] : memref<10x1048576xf32, #tpu.memory_space<hbm>> -> memref<8x2048xf32, #tpu.memory_space<hbm>>
      %dma_wait3A_145 = arith.constant 0 : i32
      %dma_wait3A_146 = tpu.memref_slice %arg2[%dma_wait3A_145, %add3A_142] : memref<10x1048576xf32, #tpu.memory_space<hbm>> -> memref<8x2048xf32, #tpu.memory_space<hbm>>
      tpu.wait_dma2 semaphore(%arg19 : memref<!tpu.dma_semaphore, #tpu.memory_space<semaphore_mem>>) src(%dma_wait3A_146 : memref<8x2048xf32, #tpu.memory_space<hbm>>) dst(%arg7 : memref<8x2048xf32, #tpu.memory_space<vmem>>)
      %mul3A_147 = arith.constant 2048 : i32
      %mul3A_148 = arith.muli %add3A_139, %mul3A_147 : i32
      %add3A_149 = arith.addi %mul3A_2, %mul3A_148 : i32
      %dma_wait3A_150 = arith.constant 8 : i32
      %dma_wait3A_151 = tpu.memref_slice %arg2[%dma_wait3A_150, %add3A_149] : memref<10x1048576xf32, #tpu.memory_space<hbm>> -> memref<2x2048xf32, #tpu.memory_space<hbm>>
      %dma_wait3A_152 = arith.constant 8 : i32
      %dma_wait3A_153 = tpu.memref_slice %arg2[%dma_wait3A_152, %add3A_149] : memref<10x1048576xf32, #tpu.memory_space<hbm>> -> memref<2x2048xf32, #tpu.memory_space<hbm>>
      tpu.wait_dma2 semaphore(%arg19 : memref<!tpu.dma_semaphore, #tpu.memory_space<semaphore_mem>>) src(%dma_wait3A_153 : memref<2x2048xf32, #tpu.memory_space<hbm>>) dst(%arg11 : memref<2x2048xf32, #tpu.memory_space<vmem>>)
      %gt3A = arith.constant 0 : i32
      %gt3A_154 = arith.cmpi sgt, %scan3A_134, %gt3A : i32
      %convert_element_type3A = arith.extui %gt3A_154 : i1 to i32
      %cond3A = arith.constant 0 : i32
      %cond3A_155 = arith.cmpi ne, %convert_element_type3A, %cond3A : i32
      scf.if %cond3A_155 {
        %mul3A_284 = arith.constant 2048 : i32
        %mul3A_285 = arith.muli %add3A_139, %mul3A_284 : i32
        %add3A_286 = arith.addi %mul3A_2, %mul3A_285 : i32
        %mul3A_287 = arith.constant 2 : i32
        %mul3A_288 = arith.muli %add3A_286, %mul3A_287 : i32
        %dma_wait3A_289 = tpu.memref_slice %arg4[%mul3A_288] : memref<2097152xf32, #tpu.memory_space<hbm>> -> memref<4096xf32, #tpu.memory_space<hbm>>
        %dma_wait3A_290 = tpu.memref_slice %arg4[%mul3A_288] : memref<2097152xf32, #tpu.memory_space<hbm>> -> memref<4096xf32, #tpu.memory_space<hbm>>
        tpu.wait_dma2 semaphore(%arg23 : memref<!tpu.dma_semaphore, #tpu.memory_space<semaphore_mem>>) src(%arg15 : memref<4096xf32, #tpu.memory_space<vmem>>) dst(%dma_wait3A_290 : memref<4096xf32, #tpu.memory_space<hbm>>)
      } else {
      }
      %parallel_loop3A = arith.constant 0 : i32
      %parallel_loop3A_156 = arith.constant 128 : i32
      %parallel_loop3A_157 = arith.constant 1 : i32
      scf.for %parallel_loop3A_284 = %parallel_loop3A to %parallel_loop3A_156 step %parallel_loop3A_157  : i32 {
        %parallel_loop3A_285 = arith.constant 16 : i32
        %parallel_loop3A_286 = arith.muli %parallel_loop3A_284, %parallel_loop3A_285 : i32
        %parallel_loop3A_287 = arith.constant 0 : i32
        %parallel_loop3A_288 = arith.index_cast %parallel_loop3A_287 : i32 to index
        %parallel_loop3A_289 = arith.index_cast %parallel_loop3A_286 : i32 to index
        %parallel_loop3A_290 = tpu.vector_load %arg7[%parallel_loop3A_288, %parallel_loop3A_289] {strides = array<i32>} : memref<8x2048xf32, #tpu.memory_space<vmem>>, vector<16xf32>,
        %parallel_loop3A_291 = arith.constant 1 : i32
        %parallel_loop3A_292 = arith.index_cast %parallel_loop3A_291 : i32 to index
        %parallel_loop3A_293 = arith.index_cast %parallel_loop3A_286 : i32 to index
        %parallel_loop3A_294 = tpu.vector_load %arg7[%parallel_loop3A_292, %parallel_loop3A_293] {strides = array<i32>} : memref<8x2048xf32, #tpu.memory_space<vmem>>, vector<16xf32>,
        %parallel_loop3A_295 = arith.constant 2 : i32
        %parallel_loop3A_296 = arith.index_cast %parallel_loop3A_295 : i32 to index
        %parallel_loop3A_297 = arith.index_cast %parallel_loop3A_286 : i32 to index
        %parallel_loop3A_298 = tpu.vector_load %arg7[%parallel_loop3A_296, %parallel_loop3A_297] {strides = array<i32>} : memref<8x2048xf32, #tpu.memory_space<vmem>>, vector<16xf32>,
        %parallel_loop3A_299 = arith.constant 3 : i32
        %parallel_loop3A_300 = arith.index_cast %parallel_loop3A_299 : i32 to index
        %parallel_loop3A_301 = arith.index_cast %parallel_loop3A_286 : i32 to index
        %parallel_loop3A_302 = tpu.vector_load %arg7[%parallel_loop3A_300, %parallel_loop3A_301] {strides = array<i32>} : memref<8x2048xf32, #tpu.memory_space<vmem>>, vector<16xf32>,
        %parallel_loop3A_303 = arith.constant 4 : i32
        %parallel_loop3A_304 = arith.index_cast %parallel_loop3A_303 : i32 to index
        %parallel_loop3A_305 = arith.index_cast %parallel_loop3A_286 : i32 to index
        %parallel_loop3A_306 = tpu.vector_load %arg7[%parallel_loop3A_304, %parallel_loop3A_305] {strides = array<i32>} : memref<8x2048xf32, #tpu.memory_space<vmem>>, vector<16xf32>,
        %parallel_loop3A_307 = arith.constant 5 : i32
        %parallel_loop3A_308 = arith.index_cast %parallel_loop3A_307 : i32 to index
        %parallel_loop3A_309 = arith.index_cast %parallel_loop3A_286 : i32 to index
        %parallel_loop3A_310 = tpu.vector_load %arg7[%parallel_loop3A_308, %parallel_loop3A_309] {strides = array<i32>} : memref<8x2048xf32, #tpu.memory_space<vmem>>, vector<16xf32>,
        %parallel_loop3A_311 = arith.constant 6 : i32
        %parallel_loop3A_312 = arith.index_cast %parallel_loop3A_311 : i32 to index
        %parallel_loop3A_313 = arith.index_cast %parallel_loop3A_286 : i32 to index
        %parallel_loop3A_314 = tpu.vector_load %arg7[%parallel_loop3A_312, %parallel_loop3A_313] {strides = array<i32>} : memref<8x2048xf32, #tpu.memory_space<vmem>>, vector<16xf32>,
        %parallel_loop3A_315 = arith.constant 7 : i32
        %parallel_loop3A_316 = arith.index_cast %parallel_loop3A_315 : i32 to index
        %parallel_loop3A_317 = arith.index_cast %parallel_loop3A_286 : i32 to index
        %parallel_loop3A_318 = tpu.vector_load %arg7[%parallel_loop3A_316, %parallel_loop3A_317] {strides = array<i32>} : memref<8x2048xf32, #tpu.memory_space<vmem>>, vector<16xf32>,
        %parallel_loop3A_319 = arith.constant 0 : i32
        %parallel_loop3A_320 = arith.index_cast %parallel_loop3A_319 : i32 to index
        %parallel_loop3A_321 = arith.index_cast %parallel_loop3A_286 : i32 to index
        %parallel_loop3A_322 = tpu.vector_load %arg11[%parallel_loop3A_320, %parallel_loop3A_321] {strides = array<i32>} : memref<2x2048xf32, #tpu.memory_space<vmem>>, vector<16xf32>,
        %parallel_loop3A_323 = arith.constant 1 : i32
        %parallel_loop3A_324 = arith.index_cast %parallel_loop3A_323 : i32 to index
        %parallel_loop3A_325 = arith.index_cast %parallel_loop3A_286 : i32 to index
        %parallel_loop3A_326 = tpu.vector_load %arg11[%parallel_loop3A_324, %parallel_loop3A_325] {strides = array<i32>} : memref<2x2048xf32, #tpu.memory_space<vmem>>, vector<16xf32>,
        %parallel_loop3A_327 = vector.broadcast %scan3A_101 : f32 to vector<16xf32>
        %parallel_loop3A_328 = arith.mulf %parallel_loop3A_290, %parallel_loop3A_327 : vector<16xf32>
        %parallel_loop3A_329 = arith.addf %parallel_loop3A_328, %parallel_loop3A_294 : vector<16xf32>
        %parallel_loop3A_330 = vector.broadcast %scan3A_101 : f32 to vector<16xf32>
        %parallel_loop3A_331 = arith.mulf %parallel_loop3A_298, %parallel_loop3A_330 : vector<16xf32>
        %parallel_loop3A_332 = arith.addf %parallel_loop3A_331, %parallel_loop3A_302 : vector<16xf32>
        %parallel_loop3A_333 = vector.broadcast %scan3A_101 : f32 to vector<16xf32>
        %parallel_loop3A_334 = arith.mulf %parallel_loop3A_306, %parallel_loop3A_333 : vector<16xf32>
        %parallel_loop3A_335 = arith.addf %parallel_loop3A_334, %parallel_loop3A_310 : vector<16xf32>
        %parallel_loop3A_336 = vector.broadcast %scan3A_101 : f32 to vector<16xf32>
        %parallel_loop3A_337 = arith.mulf %parallel_loop3A_314, %parallel_loop3A_336 : vector<16xf32>
        %parallel_loop3A_338 = arith.addf %parallel_loop3A_337, %parallel_loop3A_318 : vector<16xf32>
        %parallel_loop3A_339 = vector.broadcast %scan3A_101 : f32 to vector<16xf32>
        %parallel_loop3A_340 = arith.mulf %parallel_loop3A_322, %parallel_loop3A_339 : vector<16xf32>
        %parallel_loop3A_341 = arith.addf %parallel_loop3A_340, %parallel_loop3A_326 : vector<16xf32>
        %parallel_loop3A_342 = vector.broadcast %scan3A_102 : f32 to vector<16xf32>
        %parallel_loop3A_343 = arith.mulf %parallel_loop3A_329, %parallel_loop3A_342 : vector<16xf32>
        %parallel_loop3A_344 = arith.addf %parallel_loop3A_343, %parallel_loop3A_332 : vector<16xf32>
        %parallel_loop3A_345 = vector.broadcast %scan3A_102 : f32 to vector<16xf32>
        %parallel_loop3A_346 = arith.mulf %parallel_loop3A_335, %parallel_loop3A_345 : vector<16xf32>
        %parallel_loop3A_347 = arith.addf %parallel_loop3A_346, %parallel_loop3A_338 : vector<16xf32>
        %parallel_loop3A_348 = vector.broadcast %scan3A_103 : f32 to vector<16xf32>
        %parallel_loop3A_349 = arith.mulf %parallel_loop3A_344, %parallel_loop3A_348 : vector<16xf32>
        %parallel_loop3A_350 = arith.addf %parallel_loop3A_349, %parallel_loop3A_347 : vector<16xf32>
        %parallel_loop3A_351 = vector.broadcast %scan3A_102 : f32 to vector<16xf32>
        %parallel_loop3A_352 = arith.mulf %parallel_loop3A_350, %parallel_loop3A_351 : vector<16xf32>
        %parallel_loop3A_353 = arith.addf %parallel_loop3A_352, %parallel_loop3A_341 : vector<16xf32>
        %parallel_loop3A_354 = arith.fptosi %parallel_loop3A_353 : vector<16xf32> to vector<16xi32>
        %parallel_loop3A_355 = tpu.vector_load_idx %arg6[%parallel_loop3A_354] : memref<1024xi32, #tpu.memory_space<vmem>>[vector<16xi32>], vector<16xi32>,
        %parallel_loop3A_356 = vector.bitcast %parallel_loop3A_355 : vector<16xi32> to vector<32xbf16>
        %parallel_loop3A_357 = tpu.unpack_subelements %parallel_loop3A_356, 0 {pack_format = #tpu.pack_format<interleaved>} : vector<32xbf16> -> vector<16xf32>
        %parallel_loop3A_358 = tpu.unpack_subelements %parallel_loop3A_356, 1 {pack_format = #tpu.pack_format<interleaved>} : vector<32xbf16> -> vector<16xf32>
        %parallel_loop3A_359 = arith.constant 7 : i32
        %parallel_loop3A_360 = arith.shrsi %parallel_loop3A_286, %parallel_loop3A_359 : i32
        %parallel_loop3A_361 = arith.constant 8 : i32
        %parallel_loop3A_362 = arith.shli %parallel_loop3A_360, %parallel_loop3A_361 : i32
        %parallel_loop3A_363 = arith.constant 127 : i32
        %parallel_loop3A_364 = arith.andi %parallel_loop3A_286, %parallel_loop3A_363 : i32
        %parallel_loop3A_365 = arith.addi %parallel_loop3A_362, %parallel_loop3A_364 : i32
        %parallel_loop3A_366 = arith.index_cast %parallel_loop3A_365 : i32 to index
        %parallel_loop3A_367 = tpu.vector_load %arg15[%parallel_loop3A_366] {strides = array<i32>} : memref<4096xf32, #tpu.memory_space<vmem>>, vector<16xf32>,
        tpu.vector_store %arg15[%parallel_loop3A_366], %parallel_loop3A_357 {strides = array<i32>} : memref<4096xf32, #tpu.memory_space<vmem>>, vector<16xf32>,
        %parallel_loop3A_368 = arith.constant 128 : i32
        %parallel_loop3A_369 = arith.addi %parallel_loop3A_365, %parallel_loop3A_368 : i32
        %parallel_loop3A_370 = arith.index_cast %parallel_loop3A_369 : i32 to index
        %parallel_loop3A_371 = tpu.vector_load %arg15[%parallel_loop3A_370] {strides = array<i32>} : memref<4096xf32, #tpu.memory_space<vmem>>, vector<16xf32>,
        tpu.vector_store %arg15[%parallel_loop3A_370], %parallel_loop3A_358 {strides = array<i32>} : memref<4096xf32, #tpu.memory_space<vmem>>, vector<16xf32>,
      } {sc.loop_unroll_factor = 8 : i64, sc.parallel_access}
      %mul3A_158 = arith.constant 2048 : i32
      %mul3A_159 = arith.muli %add3A_139, %mul3A_158 : i32
      %add3A_160 = arith.addi %mul3A_2, %mul3A_159 : i32
      %mul3A_161 = arith.constant 2 : i32
      %mul3A_162 = arith.muli %add3A_160, %mul3A_161 : i32
      %dma_start3A_163 = tpu.memref_slice %arg4[%mul3A_162] : memref<2097152xf32, #tpu.memory_space<hbm>> -> memref<4096xf32, #tpu.memory_space<hbm>>
      %dma_start3A_164 = tpu.memref_slice %arg4[%mul3A_162] : memref<2097152xf32, #tpu.memory_space<hbm>> -> memref<4096xf32, #tpu.memory_space<hbm>>
      tpu.enqueue_dma source(%arg15 : memref<4096xf32, #tpu.memory_space<vmem>>) target(%dma_start3A_164 : memref<4096xf32, #tpu.memory_space<hbm>>) target_semaphore(%arg23 : memref<!tpu.dma_semaphore, #tpu.memory_space<semaphore_mem>>)
      %lt3A = arith.constant 3 : i32
      %lt3A_165 = arith.cmpi slt, %scan3A_134, %lt3A : i32
      %convert_element_type3A_166 = arith.extui %lt3A_165 : i1 to i32
      %cond3A_167 = arith.constant 0 : i32
      %cond3A_168 = arith.cmpi ne, %convert_element_type3A_166, %cond3A_167 : i32
      scf.if %cond3A_168 {
        %add3A_284 = arith.constant 4 : i32
        %add3A_285 = arith.addi %add3A_139, %add3A_284 : i32
        %mul3A_286 = arith.constant 2048 : i32
        %mul3A_287 = arith.muli %add3A_285, %mul3A_286 : i32
        %add3A_288 = arith.addi %mul3A_2, %mul3A_287 : i32
        %dma_start3A_289 = arith.constant 0 : i32
        %dma_start3A_290 = tpu.memref_slice %arg2[%dma_start3A_289, %add3A_288] : memref<10x1048576xf32, #tpu.memory_space<hbm>> -> memref<8x2048xf32, #tpu.memory_space<hbm>>
        %dma_start3A_291 = arith.constant 0 : i32
        %dma_start3A_292 = tpu.memref_slice %arg2[%dma_start3A_291, %add3A_288] : memref<10x1048576xf32, #tpu.memory_space<hbm>> -> memref<8x2048xf32, #tpu.memory_space<hbm>>
        tpu.enqueue_dma source(%dma_start3A_292 : memref<8x2048xf32, #tpu.memory_space<hbm>>) target(%arg7 : memref<8x2048xf32, #tpu.memory_space<vmem>>) target_semaphore(%arg19 : memref<!tpu.dma_semaphore, #tpu.memory_space<semaphore_mem>>)
        %mul3A_293 = arith.constant 2048 : i32
        %mul3A_294 = arith.muli %add3A_285, %mul3A_293 : i32
        %add3A_295 = arith.addi %mul3A_2, %mul3A_294 : i32
        %dma_start3A_296 = arith.constant 8 : i32
        %dma_start3A_297 = tpu.memref_slice %arg2[%dma_start3A_296, %add3A_295] : memref<10x1048576xf32, #tpu.memory_space<hbm>> -> memref<2x2048xf32, #tpu.memory_space<hbm>>
        %dma_start3A_298 = arith.constant 8 : i32
        %dma_start3A_299 = tpu.memref_slice %arg2[%dma_start3A_298, %add3A_295] : memref<10x1048576xf32, #tpu.memory_space<hbm>> -> memref<2x2048xf32, #tpu.memory_space<hbm>>
        tpu.enqueue_dma source(%dma_start3A_299 : memref<2x2048xf32, #tpu.memory_space<hbm>>) target(%arg11 : memref<2x2048xf32, #tpu.memory_space<vmem>>) target_semaphore(%arg19 : memref<!tpu.dma_semaphore, #tpu.memory_space<semaphore_mem>>)
      } else {
      }
      %mul3A_169 = arith.constant 4 : i32
      %mul3A_170 = arith.muli %scan3A_134, %mul3A_169 : i32
      %add3A_171 = arith.constant 1 : i32
      %add3A_172 = arith.addi %mul3A_170, %add3A_171 : i32
      %mul3A_173 = arith.constant 2048 : i32
      %mul3A_174 = arith.muli %add3A_172, %mul3A_173 : i32
      %add3A_175 = arith.addi %mul3A_2, %mul3A_174 : i32
      %dma_wait3A_176 = arith.constant 0 : i32
      %dma_wait3A_177 = tpu.memref_slice %arg2[%dma_wait3A_176, %add3A_175] : memref<10x1048576xf32, #tpu.memory_space<hbm>> -> memref<8x2048xf32, #tpu.memory_space<hbm>>
      %dma_wait3A_178 = arith.constant 0 : i32
      %dma_wait3A_179 = tpu.memref_slice %arg2[%dma_wait3A_178, %add3A_175] : memref<10x1048576xf32, #tpu.memory_space<hbm>> -> memref<8x2048xf32, #tpu.memory_space<hbm>>
      tpu.wait_dma2 semaphore(%arg20 : memref<!tpu.dma_semaphore, #tpu.memory_space<semaphore_mem>>) src(%dma_wait3A_179 : memref<8x2048xf32, #tpu.memory_space<hbm>>) dst(%arg8 : memref<8x2048xf32, #tpu.memory_space<vmem>>)
      %mul3A_180 = arith.constant 2048 : i32
      %mul3A_181 = arith.muli %add3A_172, %mul3A_180 : i32
      %add3A_182 = arith.addi %mul3A_2, %mul3A_181 : i32
      %dma_wait3A_183 = arith.constant 8 : i32
      %dma_wait3A_184 = tpu.memref_slice %arg2[%dma_wait3A_183, %add3A_182] : memref<10x1048576xf32, #tpu.memory_space<hbm>> -> memref<2x2048xf32, #tpu.memory_space<hbm>>
      %dma_wait3A_185 = arith.constant 8 : i32
      %dma_wait3A_186 = tpu.memref_slice %arg2[%dma_wait3A_185, %add3A_182] : memref<10x1048576xf32, #tpu.memory_space<hbm>> -> memref<2x2048xf32, #tpu.memory_space<hbm>>
      tpu.wait_dma2 semaphore(%arg20 : memref<!tpu.dma_semaphore, #tpu.memory_space<semaphore_mem>>) src(%dma_wait3A_186 : memref<2x2048xf32, #tpu.memory_space<hbm>>) dst(%arg12 : memref<2x2048xf32, #tpu.memory_space<vmem>>)
      %gt3A_187 = arith.constant 0 : i32
      %gt3A_188 = arith.cmpi sgt, %scan3A_134, %gt3A_187 : i32
      %convert_element_type3A_189 = arith.extui %gt3A_188 : i1 to i32
      %cond3A_190 = arith.constant 0 : i32
      %cond3A_191 = arith.cmpi ne, %convert_element_type3A_189, %cond3A_190 : i32
      scf.if %cond3A_191 {
        %mul3A_284 = arith.constant 2048 : i32
        %mul3A_285 = arith.muli %add3A_172, %mul3A_284 : i32
        %add3A_286 = arith.addi %mul3A_2, %mul3A_285 : i32
        %mul3A_287 = arith.constant 2 : i32
        %mul3A_288 = arith.muli %add3A_286, %mul3A_287 : i32
        %dma_wait3A_289 = tpu.memref_slice %arg4[%mul3A_288] : memref<2097152xf32, #tpu.memory_space<hbm>> -> memref<4096xf32, #tpu.memory_space<hbm>>
        %dma_wait3A_290 = tpu.memref_slice %arg4[%mul3A_288] : memref<2097152xf32, #tpu.memory_space<hbm>> -> memref<4096xf32, #tpu.memory_space<hbm>>
        tpu.wait_dma2 semaphore(%arg24 : memref<!tpu.dma_semaphore, #tpu.memory_space<semaphore_mem>>) src(%arg16 : memref<4096xf32, #tpu.memory_space<vmem>>) dst(%dma_wait3A_290 : memref<4096xf32, #tpu.memory_space<hbm>>)
      } else {
      }
      %parallel_loop3A_192 = arith.constant 0 : i32
      %parallel_loop3A_193 = arith.constant 128 : i32
      %parallel_loop3A_194 = arith.constant 1 : i32
      scf.for %parallel_loop3A_284 = %parallel_loop3A_192 to %parallel_loop3A_193 step %parallel_loop3A_194  : i32 {
        %parallel_loop3A_285 = arith.constant 16 : i32
        %parallel_loop3A_286 = arith.muli %parallel_loop3A_284, %parallel_loop3A_285 : i32
        %parallel_loop3A_287 = arith.constant 0 : i32
        %parallel_loop3A_288 = arith.index_cast %parallel_loop3A_287 : i32 to index
        %parallel_loop3A_289 = arith.index_cast %parallel_loop3A_286 : i32 to index
        %parallel_loop3A_290 = tpu.vector_load %arg8[%parallel_loop3A_288, %parallel_loop3A_289] {strides = array<i32>} : memref<8x2048xf32, #tpu.memory_space<vmem>>, vector<16xf32>,
        %parallel_loop3A_291 = arith.constant 1 : i32
        %parallel_loop3A_292 = arith.index_cast %parallel_loop3A_291 : i32 to index
        %parallel_loop3A_293 = arith.index_cast %parallel_loop3A_286 : i32 to index
        %parallel_loop3A_294 = tpu.vector_load %arg8[%parallel_loop3A_292, %parallel_loop3A_293] {strides = array<i32>} : memref<8x2048xf32, #tpu.memory_space<vmem>>, vector<16xf32>,
        %parallel_loop3A_295 = arith.constant 2 : i32
        %parallel_loop3A_296 = arith.index_cast %parallel_loop3A_295 : i32 to index
        %parallel_loop3A_297 = arith.index_cast %parallel_loop3A_286 : i32 to index
        %parallel_loop3A_298 = tpu.vector_load %arg8[%parallel_loop3A_296, %parallel_loop3A_297] {strides = array<i32>} : memref<8x2048xf32, #tpu.memory_space<vmem>>, vector<16xf32>,
        %parallel_loop3A_299 = arith.constant 3 : i32
        %parallel_loop3A_300 = arith.index_cast %parallel_loop3A_299 : i32 to index
        %parallel_loop3A_301 = arith.index_cast %parallel_loop3A_286 : i32 to index
        %parallel_loop3A_302 = tpu.vector_load %arg8[%parallel_loop3A_300, %parallel_loop3A_301] {strides = array<i32>} : memref<8x2048xf32, #tpu.memory_space<vmem>>, vector<16xf32>,
        %parallel_loop3A_303 = arith.constant 4 : i32
        %parallel_loop3A_304 = arith.index_cast %parallel_loop3A_303 : i32 to index
        %parallel_loop3A_305 = arith.index_cast %parallel_loop3A_286 : i32 to index
        %parallel_loop3A_306 = tpu.vector_load %arg8[%parallel_loop3A_304, %parallel_loop3A_305] {strides = array<i32>} : memref<8x2048xf32, #tpu.memory_space<vmem>>, vector<16xf32>,
        %parallel_loop3A_307 = arith.constant 5 : i32
        %parallel_loop3A_308 = arith.index_cast %parallel_loop3A_307 : i32 to index
        %parallel_loop3A_309 = arith.index_cast %parallel_loop3A_286 : i32 to index
        %parallel_loop3A_310 = tpu.vector_load %arg8[%parallel_loop3A_308, %parallel_loop3A_309] {strides = array<i32>} : memref<8x2048xf32, #tpu.memory_space<vmem>>, vector<16xf32>,
        %parallel_loop3A_311 = arith.constant 6 : i32
        %parallel_loop3A_312 = arith.index_cast %parallel_loop3A_311 : i32 to index
        %parallel_loop3A_313 = arith.index_cast %parallel_loop3A_286 : i32 to index
        %parallel_loop3A_314 = tpu.vector_load %arg8[%parallel_loop3A_312, %parallel_loop3A_313] {strides = array<i32>} : memref<8x2048xf32, #tpu.memory_space<vmem>>, vector<16xf32>,
        %parallel_loop3A_315 = arith.constant 7 : i32
        %parallel_loop3A_316 = arith.index_cast %parallel_loop3A_315 : i32 to index
        %parallel_loop3A_317 = arith.index_cast %parallel_loop3A_286 : i32 to index
        %parallel_loop3A_318 = tpu.vector_load %arg8[%parallel_loop3A_316, %parallel_loop3A_317] {strides = array<i32>} : memref<8x2048xf32, #tpu.memory_space<vmem>>, vector<16xf32>,
        %parallel_loop3A_319 = arith.constant 0 : i32
        %parallel_loop3A_320 = arith.index_cast %parallel_loop3A_319 : i32 to index
        %parallel_loop3A_321 = arith.index_cast %parallel_loop3A_286 : i32 to index
        %parallel_loop3A_322 = tpu.vector_load %arg12[%parallel_loop3A_320, %parallel_loop3A_321] {strides = array<i32>} : memref<2x2048xf32, #tpu.memory_space<vmem>>, vector<16xf32>,
        %parallel_loop3A_323 = arith.constant 1 : i32
        %parallel_loop3A_324 = arith.index_cast %parallel_loop3A_323 : i32 to index
        %parallel_loop3A_325 = arith.index_cast %parallel_loop3A_286 : i32 to index
        %parallel_loop3A_326 = tpu.vector_load %arg12[%parallel_loop3A_324, %parallel_loop3A_325] {strides = array<i32>} : memref<2x2048xf32, #tpu.memory_space<vmem>>, vector<16xf32>,
        %parallel_loop3A_327 = vector.broadcast %scan3A_101 : f32 to vector<16xf32>
        %parallel_loop3A_328 = arith.mulf %parallel_loop3A_290, %parallel_loop3A_327 : vector<16xf32>
        %parallel_loop3A_329 = arith.addf %parallel_loop3A_328, %parallel_loop3A_294 : vector<16xf32>
        %parallel_loop3A_330 = vector.broadcast %scan3A_101 : f32 to vector<16xf32>
        %parallel_loop3A_331 = arith.mulf %parallel_loop3A_298, %parallel_loop3A_330 : vector<16xf32>
        %parallel_loop3A_332 = arith.addf %parallel_loop3A_331, %parallel_loop3A_302 : vector<16xf32>
        %parallel_loop3A_333 = vector.broadcast %scan3A_101 : f32 to vector<16xf32>
        %parallel_loop3A_334 = arith.mulf %parallel_loop3A_306, %parallel_loop3A_333 : vector<16xf32>
        %parallel_loop3A_335 = arith.addf %parallel_loop3A_334, %parallel_loop3A_310 : vector<16xf32>
        %parallel_loop3A_336 = vector.broadcast %scan3A_101 : f32 to vector<16xf32>
        %parallel_loop3A_337 = arith.mulf %parallel_loop3A_314, %parallel_loop3A_336 : vector<16xf32>
        %parallel_loop3A_338 = arith.addf %parallel_loop3A_337, %parallel_loop3A_318 : vector<16xf32>
        %parallel_loop3A_339 = vector.broadcast %scan3A_101 : f32 to vector<16xf32>
        %parallel_loop3A_340 = arith.mulf %parallel_loop3A_322, %parallel_loop3A_339 : vector<16xf32>
        %parallel_loop3A_341 = arith.addf %parallel_loop3A_340, %parallel_loop3A_326 : vector<16xf32>
        %parallel_loop3A_342 = vector.broadcast %scan3A_102 : f32 to vector<16xf32>
        %parallel_loop3A_343 = arith.mulf %parallel_loop3A_329, %parallel_loop3A_342 : vector<16xf32>
        %parallel_loop3A_344 = arith.addf %parallel_loop3A_343, %parallel_loop3A_332 : vector<16xf32>
        %parallel_loop3A_345 = vector.broadcast %scan3A_102 : f32 to vector<16xf32>
        %parallel_loop3A_346 = arith.mulf %parallel_loop3A_335, %parallel_loop3A_345 : vector<16xf32>
        %parallel_loop3A_347 = arith.addf %parallel_loop3A_346, %parallel_loop3A_338 : vector<16xf32>
        %parallel_loop3A_348 = vector.broadcast %scan3A_103 : f32 to vector<16xf32>
        %parallel_loop3A_349 = arith.mulf %parallel_loop3A_344, %parallel_loop3A_348 : vector<16xf32>
        %parallel_loop3A_350 = arith.addf %parallel_loop3A_349, %parallel_loop3A_347 : vector<16xf32>
        %parallel_loop3A_351 = vector.broadcast %scan3A_102 : f32 to vector<16xf32>
        %parallel_loop3A_352 = arith.mulf %parallel_loop3A_350, %parallel_loop3A_351 : vector<16xf32>
        %parallel_loop3A_353 = arith.addf %parallel_loop3A_352, %parallel_loop3A_341 : vector<16xf32>
        %parallel_loop3A_354 = arith.fptosi %parallel_loop3A_353 : vector<16xf32> to vector<16xi32>
        %parallel_loop3A_355 = tpu.vector_load_idx %arg6[%parallel_loop3A_354] : memref<1024xi32, #tpu.memory_space<vmem>>[vector<16xi32>], vector<16xi32>,
        %parallel_loop3A_356 = vector.bitcast %parallel_loop3A_355 : vector<16xi32> to vector<32xbf16>
        %parallel_loop3A_357 = tpu.unpack_subelements %parallel_loop3A_356, 0 {pack_format = #tpu.pack_format<interleaved>} : vector<32xbf16> -> vector<16xf32>
        %parallel_loop3A_358 = tpu.unpack_subelements %parallel_loop3A_356, 1 {pack_format = #tpu.pack_format<interleaved>} : vector<32xbf16> -> vector<16xf32>
        %parallel_loop3A_359 = arith.constant 7 : i32
        %parallel_loop3A_360 = arith.shrsi %parallel_loop3A_286, %parallel_loop3A_359 : i32
        %parallel_loop3A_361 = arith.constant 8 : i32
        %parallel_loop3A_362 = arith.shli %parallel_loop3A_360, %parallel_loop3A_361 : i32
        %parallel_loop3A_363 = arith.constant 127 : i32
        %parallel_loop3A_364 = arith.andi %parallel_loop3A_286, %parallel_loop3A_363 : i32
        %parallel_loop3A_365 = arith.addi %parallel_loop3A_362, %parallel_loop3A_364 : i32
        %parallel_loop3A_366 = arith.index_cast %parallel_loop3A_365 : i32 to index
        %parallel_loop3A_367 = tpu.vector_load %arg16[%parallel_loop3A_366] {strides = array<i32>} : memref<4096xf32, #tpu.memory_space<vmem>>, vector<16xf32>,
        tpu.vector_store %arg16[%parallel_loop3A_366], %parallel_loop3A_357 {strides = array<i32>} : memref<4096xf32, #tpu.memory_space<vmem>>, vector<16xf32>,
        %parallel_loop3A_368 = arith.constant 128 : i32
        %parallel_loop3A_369 = arith.addi %parallel_loop3A_365, %parallel_loop3A_368 : i32
        %parallel_loop3A_370 = arith.index_cast %parallel_loop3A_369 : i32 to index
        %parallel_loop3A_371 = tpu.vector_load %arg16[%parallel_loop3A_370] {strides = array<i32>} : memref<4096xf32, #tpu.memory_space<vmem>>, vector<16xf32>,
        tpu.vector_store %arg16[%parallel_loop3A_370], %parallel_loop3A_358 {strides = array<i32>} : memref<4096xf32, #tpu.memory_space<vmem>>, vector<16xf32>,
      } {sc.loop_unroll_factor = 8 : i64, sc.parallel_access}
      %mul3A_195 = arith.constant 2048 : i32
      %mul3A_196 = arith.muli %add3A_172, %mul3A_195 : i32
      %add3A_197 = arith.addi %mul3A_2, %mul3A_196 : i32
      %mul3A_198 = arith.constant 2 : i32
      %mul3A_199 = arith.muli %add3A_197, %mul3A_198 : i32
      %dma_start3A_200 = tpu.memref_slice %arg4[%mul3A_199] : memref<2097152xf32, #tpu.memory_space<hbm>> -> memref<4096xf32, #tpu.memory_space<hbm>>
      %dma_start3A_201 = tpu.memref_slice %arg4[%mul3A_199] : memref<2097152xf32, #tpu.memory_space<hbm>> -> memref<4096xf32, #tpu.memory_space<hbm>>
      tpu.enqueue_dma source(%arg16 : memref<4096xf32, #tpu.memory_space<vmem>>) target(%dma_start3A_201 : memref<4096xf32, #tpu.memory_space<hbm>>) target_semaphore(%arg24 : memref<!tpu.dma_semaphore, #tpu.memory_space<semaphore_mem>>)
      %lt3A_202 = arith.constant 3 : i32
      %lt3A_203 = arith.cmpi slt, %scan3A_134, %lt3A_202 : i32
      %convert_element_type3A_204 = arith.extui %lt3A_203 : i1 to i32
      %cond3A_205 = arith.constant 0 : i32
      %cond3A_206 = arith.cmpi ne, %convert_element_type3A_204, %cond3A_205 : i32
      scf.if %cond3A_206 {
        %add3A_284 = arith.constant 4 : i32
        %add3A_285 = arith.addi %add3A_172, %add3A_284 : i32
        %mul3A_286 = arith.constant 2048 : i32
        %mul3A_287 = arith.muli %add3A_285, %mul3A_286 : i32
        %add3A_288 = arith.addi %mul3A_2, %mul3A_287 : i32
        %dma_start3A_289 = arith.constant 0 : i32
        %dma_start3A_290 = tpu.memref_slice %arg2[%dma_start3A_289, %add3A_288] : memref<10x1048576xf32, #tpu.memory_space<hbm>> -> memref<8x2048xf32, #tpu.memory_space<hbm>>
        %dma_start3A_291 = arith.constant 0 : i32
        %dma_start3A_292 = tpu.memref_slice %arg2[%dma_start3A_291, %add3A_288] : memref<10x1048576xf32, #tpu.memory_space<hbm>> -> memref<8x2048xf32, #tpu.memory_space<hbm>>
        tpu.enqueue_dma source(%dma_start3A_292 : memref<8x2048xf32, #tpu.memory_space<hbm>>) target(%arg8 : memref<8x2048xf32, #tpu.memory_space<vmem>>) target_semaphore(%arg20 : memref<!tpu.dma_semaphore, #tpu.memory_space<semaphore_mem>>)
        %mul3A_293 = arith.constant 2048 : i32
        %mul3A_294 = arith.muli %add3A_285, %mul3A_293 : i32
        %add3A_295 = arith.addi %mul3A_2, %mul3A_294 : i32
        %dma_start3A_296 = arith.constant 8 : i32
        %dma_start3A_297 = tpu.memref_slice %arg2[%dma_start3A_296, %add3A_295] : memref<10x1048576xf32, #tpu.memory_space<hbm>> -> memref<2x2048xf32, #tpu.memory_space<hbm>>
        %dma_start3A_298 = arith.constant 8 : i32
        %dma_start3A_299 = tpu.memref_slice %arg2[%dma_start3A_298, %add3A_295] : memref<10x1048576xf32, #tpu.memory_space<hbm>> -> memref<2x2048xf32, #tpu.memory_space<hbm>>
        tpu.enqueue_dma source(%dma_start3A_299 : memref<2x2048xf32, #tpu.memory_space<hbm>>) target(%arg12 : memref<2x2048xf32, #tpu.memory_space<vmem>>) target_semaphore(%arg20 : memref<!tpu.dma_semaphore, #tpu.memory_space<semaphore_mem>>)
      } else {
      }
      %mul3A_207 = arith.constant 4 : i32
      %mul3A_208 = arith.muli %scan3A_134, %mul3A_207 : i32
      %add3A_209 = arith.constant 2 : i32
      %add3A_210 = arith.addi %mul3A_208, %add3A_209 : i32
      %mul3A_211 = arith.constant 2048 : i32
      %mul3A_212 = arith.muli %add3A_210, %mul3A_211 : i32
      %add3A_213 = arith.addi %mul3A_2, %mul3A_212 : i32
      %dma_wait3A_214 = arith.constant 0 : i32
      %dma_wait3A_215 = tpu.memref_slice %arg2[%dma_wait3A_214, %add3A_213] : memref<10x1048576xf32, #tpu.memory_space<hbm>> -> memref<8x2048xf32, #tpu.memory_space<hbm>>
      %dma_wait3A_216 = arith.constant 0 : i32
      %dma_wait3A_217 = tpu.memref_slice %arg2[%dma_wait3A_216, %add3A_213] : memref<10x1048576xf32, #tpu.memory_space<hbm>> -> memref<8x2048xf32, #tpu.memory_space<hbm>>
      tpu.wait_dma2 semaphore(%arg21 : memref<!tpu.dma_semaphore, #tpu.memory_space<semaphore_mem>>) src(%dma_wait3A_217 : memref<8x2048xf32, #tpu.memory_space<hbm>>) dst(%arg9 : memref<8x2048xf32, #tpu.memory_space<vmem>>)
      %mul3A_218 = arith.constant 2048 : i32
      %mul3A_219 = arith.muli %add3A_210, %mul3A_218 : i32
      %add3A_220 = arith.addi %mul3A_2, %mul3A_219 : i32
      %dma_wait3A_221 = arith.constant 8 : i32
      %dma_wait3A_222 = tpu.memref_slice %arg2[%dma_wait3A_221, %add3A_220] : memref<10x1048576xf32, #tpu.memory_space<hbm>> -> memref<2x2048xf32, #tpu.memory_space<hbm>>
      %dma_wait3A_223 = arith.constant 8 : i32
      %dma_wait3A_224 = tpu.memref_slice %arg2[%dma_wait3A_223, %add3A_220] : memref<10x1048576xf32, #tpu.memory_space<hbm>> -> memref<2x2048xf32, #tpu.memory_space<hbm>>
      tpu.wait_dma2 semaphore(%arg21 : memref<!tpu.dma_semaphore, #tpu.memory_space<semaphore_mem>>) src(%dma_wait3A_224 : memref<2x2048xf32, #tpu.memory_space<hbm>>) dst(%arg13 : memref<2x2048xf32, #tpu.memory_space<vmem>>)
      %gt3A_225 = arith.constant 0 : i32
      %gt3A_226 = arith.cmpi sgt, %scan3A_134, %gt3A_225 : i32
      %convert_element_type3A_227 = arith.extui %gt3A_226 : i1 to i32
      %cond3A_228 = arith.constant 0 : i32
      %cond3A_229 = arith.cmpi ne, %convert_element_type3A_227, %cond3A_228 : i32
      scf.if %cond3A_229 {
        %mul3A_284 = arith.constant 2048 : i32
        %mul3A_285 = arith.muli %add3A_210, %mul3A_284 : i32
        %add3A_286 = arith.addi %mul3A_2, %mul3A_285 : i32
        %mul3A_287 = arith.constant 2 : i32
        %mul3A_288 = arith.muli %add3A_286, %mul3A_287 : i32
        %dma_wait3A_289 = tpu.memref_slice %arg4[%mul3A_288] : memref<2097152xf32, #tpu.memory_space<hbm>> -> memref<4096xf32, #tpu.memory_space<hbm>>
        %dma_wait3A_290 = tpu.memref_slice %arg4[%mul3A_288] : memref<2097152xf32, #tpu.memory_space<hbm>> -> memref<4096xf32, #tpu.memory_space<hbm>>
        tpu.wait_dma2 semaphore(%arg25 : memref<!tpu.dma_semaphore, #tpu.memory_space<semaphore_mem>>) src(%arg17 : memref<4096xf32, #tpu.memory_space<vmem>>) dst(%dma_wait3A_290 : memref<4096xf32, #tpu.memory_space<hbm>>)
      } else {
      }
      %parallel_loop3A_230 = arith.constant 0 : i32
      %parallel_loop3A_231 = arith.constant 128 : i32
      %parallel_loop3A_232 = arith.constant 1 : i32
      scf.for %parallel_loop3A_284 = %parallel_loop3A_230 to %parallel_loop3A_231 step %parallel_loop3A_232  : i32 {
        %parallel_loop3A_285 = arith.constant 16 : i32
        %parallel_loop3A_286 = arith.muli %parallel_loop3A_284, %parallel_loop3A_285 : i32
        %parallel_loop3A_287 = arith.constant 0 : i32
        %parallel_loop3A_288 = arith.index_cast %parallel_loop3A_287 : i32 to index
        %parallel_loop3A_289 = arith.index_cast %parallel_loop3A_286 : i32 to index
        %parallel_loop3A_290 = tpu.vector_load %arg9[%parallel_loop3A_288, %parallel_loop3A_289] {strides = array<i32>} : memref<8x2048xf32, #tpu.memory_space<vmem>>, vector<16xf32>,
        %parallel_loop3A_291 = arith.constant 1 : i32
        %parallel_loop3A_292 = arith.index_cast %parallel_loop3A_291 : i32 to index
        %parallel_loop3A_293 = arith.index_cast %parallel_loop3A_286 : i32 to index
        %parallel_loop3A_294 = tpu.vector_load %arg9[%parallel_loop3A_292, %parallel_loop3A_293] {strides = array<i32>} : memref<8x2048xf32, #tpu.memory_space<vmem>>, vector<16xf32>,
        %parallel_loop3A_295 = arith.constant 2 : i32
        %parallel_loop3A_296 = arith.index_cast %parallel_loop3A_295 : i32 to index
        %parallel_loop3A_297 = arith.index_cast %parallel_loop3A_286 : i32 to index
        %parallel_loop3A_298 = tpu.vector_load %arg9[%parallel_loop3A_296, %parallel_loop3A_297] {strides = array<i32>} : memref<8x2048xf32, #tpu.memory_space<vmem>>, vector<16xf32>,
        %parallel_loop3A_299 = arith.constant 3 : i32
        %parallel_loop3A_300 = arith.index_cast %parallel_loop3A_299 : i32 to index
        %parallel_loop3A_301 = arith.index_cast %parallel_loop3A_286 : i32 to index
        %parallel_loop3A_302 = tpu.vector_load %arg9[%parallel_loop3A_300, %parallel_loop3A_301] {strides = array<i32>} : memref<8x2048xf32, #tpu.memory_space<vmem>>, vector<16xf32>,
        %parallel_loop3A_303 = arith.constant 4 : i32
        %parallel_loop3A_304 = arith.index_cast %parallel_loop3A_303 : i32 to index
        %parallel_loop3A_305 = arith.index_cast %parallel_loop3A_286 : i32 to index
        %parallel_loop3A_306 = tpu.vector_load %arg9[%parallel_loop3A_304, %parallel_loop3A_305] {strides = array<i32>} : memref<8x2048xf32, #tpu.memory_space<vmem>>, vector<16xf32>,
        %parallel_loop3A_307 = arith.constant 5 : i32
        %parallel_loop3A_308 = arith.index_cast %parallel_loop3A_307 : i32 to index
        %parallel_loop3A_309 = arith.index_cast %parallel_loop3A_286 : i32 to index
        %parallel_loop3A_310 = tpu.vector_load %arg9[%parallel_loop3A_308, %parallel_loop3A_309] {strides = array<i32>} : memref<8x2048xf32, #tpu.memory_space<vmem>>, vector<16xf32>,
        %parallel_loop3A_311 = arith.constant 6 : i32
        %parallel_loop3A_312 = arith.index_cast %parallel_loop3A_311 : i32 to index
        %parallel_loop3A_313 = arith.index_cast %parallel_loop3A_286 : i32 to index
        %parallel_loop3A_314 = tpu.vector_load %arg9[%parallel_loop3A_312, %parallel_loop3A_313] {strides = array<i32>} : memref<8x2048xf32, #tpu.memory_space<vmem>>, vector<16xf32>,
        %parallel_loop3A_315 = arith.constant 7 : i32
        %parallel_loop3A_316 = arith.index_cast %parallel_loop3A_315 : i32 to index
        %parallel_loop3A_317 = arith.index_cast %parallel_loop3A_286 : i32 to index
        %parallel_loop3A_318 = tpu.vector_load %arg9[%parallel_loop3A_316, %parallel_loop3A_317] {strides = array<i32>} : memref<8x2048xf32, #tpu.memory_space<vmem>>, vector<16xf32>,
        %parallel_loop3A_319 = arith.constant 0 : i32
        %parallel_loop3A_320 = arith.index_cast %parallel_loop3A_319 : i32 to index
        %parallel_loop3A_321 = arith.index_cast %parallel_loop3A_286 : i32 to index
        %parallel_loop3A_322 = tpu.vector_load %arg13[%parallel_loop3A_320, %parallel_loop3A_321] {strides = array<i32>} : memref<2x2048xf32, #tpu.memory_space<vmem>>, vector<16xf32>,
        %parallel_loop3A_323 = arith.constant 1 : i32
        %parallel_loop3A_324 = arith.index_cast %parallel_loop3A_323 : i32 to index
        %parallel_loop3A_325 = arith.index_cast %parallel_loop3A_286 : i32 to index
        %parallel_loop3A_326 = tpu.vector_load %arg13[%parallel_loop3A_324, %parallel_loop3A_325] {strides = array<i32>} : memref<2x2048xf32, #tpu.memory_space<vmem>>, vector<16xf32>,
        %parallel_loop3A_327 = vector.broadcast %scan3A_101 : f32 to vector<16xf32>
        %parallel_loop3A_328 = arith.mulf %parallel_loop3A_290, %parallel_loop3A_327 : vector<16xf32>
        %parallel_loop3A_329 = arith.addf %parallel_loop3A_328, %parallel_loop3A_294 : vector<16xf32>
        %parallel_loop3A_330 = vector.broadcast %scan3A_101 : f32 to vector<16xf32>
        %parallel_loop3A_331 = arith.mulf %parallel_loop3A_298, %parallel_loop3A_330 : vector<16xf32>
        %parallel_loop3A_332 = arith.addf %parallel_loop3A_331, %parallel_loop3A_302 : vector<16xf32>
        %parallel_loop3A_333 = vector.broadcast %scan3A_101 : f32 to vector<16xf32>
        %parallel_loop3A_334 = arith.mulf %parallel_loop3A_306, %parallel_loop3A_333 : vector<16xf32>
        %parallel_loop3A_335 = arith.addf %parallel_loop3A_334, %parallel_loop3A_310 : vector<16xf32>
        %parallel_loop3A_336 = vector.broadcast %scan3A_101 : f32 to vector<16xf32>
        %parallel_loop3A_337 = arith.mulf %parallel_loop3A_314, %parallel_loop3A_336 : vector<16xf32>
        %parallel_loop3A_338 = arith.addf %parallel_loop3A_337, %parallel_loop3A_318 : vector<16xf32>
        %parallel_loop3A_339 = vector.broadcast %scan3A_101 : f32 to vector<16xf32>
        %parallel_loop3A_340 = arith.mulf %parallel_loop3A_322, %parallel_loop3A_339 : vector<16xf32>
        %parallel_loop3A_341 = arith.addf %parallel_loop3A_340, %parallel_loop3A_326 : vector<16xf32>
        %parallel_loop3A_342 = vector.broadcast %scan3A_102 : f32 to vector<16xf32>
        %parallel_loop3A_343 = arith.mulf %parallel_loop3A_329, %parallel_loop3A_342 : vector<16xf32>
        %parallel_loop3A_344 = arith.addf %parallel_loop3A_343, %parallel_loop3A_332 : vector<16xf32>
        %parallel_loop3A_345 = vector.broadcast %scan3A_102 : f32 to vector<16xf32>
        %parallel_loop3A_346 = arith.mulf %parallel_loop3A_335, %parallel_loop3A_345 : vector<16xf32>
        %parallel_loop3A_347 = arith.addf %parallel_loop3A_346, %parallel_loop3A_338 : vector<16xf32>
        %parallel_loop3A_348 = vector.broadcast %scan3A_103 : f32 to vector<16xf32>
        %parallel_loop3A_349 = arith.mulf %parallel_loop3A_344, %parallel_loop3A_348 : vector<16xf32>
        %parallel_loop3A_350 = arith.addf %parallel_loop3A_349, %parallel_loop3A_347 : vector<16xf32>
        %parallel_loop3A_351 = vector.broadcast %scan3A_102 : f32 to vector<16xf32>
        %parallel_loop3A_352 = arith.mulf %parallel_loop3A_350, %parallel_loop3A_351 : vector<16xf32>
        %parallel_loop3A_353 = arith.addf %parallel_loop3A_352, %parallel_loop3A_341 : vector<16xf32>
        %parallel_loop3A_354 = arith.fptosi %parallel_loop3A_353 : vector<16xf32> to vector<16xi32>
        %parallel_loop3A_355 = tpu.vector_load_idx %arg6[%parallel_loop3A_354] : memref<1024xi32, #tpu.memory_space<vmem>>[vector<16xi32>], vector<16xi32>,
        %parallel_loop3A_356 = vector.bitcast %parallel_loop3A_355 : vector<16xi32> to vector<32xbf16>
        %parallel_loop3A_357 = tpu.unpack_subelements %parallel_loop3A_356, 0 {pack_format = #tpu.pack_format<interleaved>} : vector<32xbf16> -> vector<16xf32>
        %parallel_loop3A_358 = tpu.unpack_subelements %parallel_loop3A_356, 1 {pack_format = #tpu.pack_format<interleaved>} : vector<32xbf16> -> vector<16xf32>
        %parallel_loop3A_359 = arith.constant 7 : i32
        %parallel_loop3A_360 = arith.shrsi %parallel_loop3A_286, %parallel_loop3A_359 : i32
        %parallel_loop3A_361 = arith.constant 8 : i32
        %parallel_loop3A_362 = arith.shli %parallel_loop3A_360, %parallel_loop3A_361 : i32
        %parallel_loop3A_363 = arith.constant 127 : i32
        %parallel_loop3A_364 = arith.andi %parallel_loop3A_286, %parallel_loop3A_363 : i32
        %parallel_loop3A_365 = arith.addi %parallel_loop3A_362, %parallel_loop3A_364 : i32
        %parallel_loop3A_366 = arith.index_cast %parallel_loop3A_365 : i32 to index
        %parallel_loop3A_367 = tpu.vector_load %arg17[%parallel_loop3A_366] {strides = array<i32>} : memref<4096xf32, #tpu.memory_space<vmem>>, vector<16xf32>,
        tpu.vector_store %arg17[%parallel_loop3A_366], %parallel_loop3A_357 {strides = array<i32>} : memref<4096xf32, #tpu.memory_space<vmem>>, vector<16xf32>,
        %parallel_loop3A_368 = arith.constant 128 : i32
        %parallel_loop3A_369 = arith.addi %parallel_loop3A_365, %parallel_loop3A_368 : i32
        %parallel_loop3A_370 = arith.index_cast %parallel_loop3A_369 : i32 to index
        %parallel_loop3A_371 = tpu.vector_load %arg17[%parallel_loop3A_370] {strides = array<i32>} : memref<4096xf32, #tpu.memory_space<vmem>>, vector<16xf32>,
        tpu.vector_store %arg17[%parallel_loop3A_370], %parallel_loop3A_358 {strides = array<i32>} : memref<4096xf32, #tpu.memory_space<vmem>>, vector<16xf32>,
      } {sc.loop_unroll_factor = 8 : i64, sc.parallel_access}
      %mul3A_233 = arith.constant 2048 : i32
      %mul3A_234 = arith.muli %add3A_210, %mul3A_233 : i32
      %add3A_235 = arith.addi %mul3A_2, %mul3A_234 : i32
      %mul3A_236 = arith.constant 2 : i32
      %mul3A_237 = arith.muli %add3A_235, %mul3A_236 : i32
      %dma_start3A_238 = tpu.memref_slice %arg4[%mul3A_237] : memref<2097152xf32, #tpu.memory_space<hbm>> -> memref<4096xf32, #tpu.memory_space<hbm>>
      %dma_start3A_239 = tpu.memref_slice %arg4[%mul3A_237] : memref<2097152xf32, #tpu.memory_space<hbm>> -> memref<4096xf32, #tpu.memory_space<hbm>>
      tpu.enqueue_dma source(%arg17 : memref<4096xf32, #tpu.memory_space<vmem>>) target(%dma_start3A_239 : memref<4096xf32, #tpu.memory_space<hbm>>) target_semaphore(%arg25 : memref<!tpu.dma_semaphore, #tpu.memory_space<semaphore_mem>>)
      %lt3A_240 = arith.constant 3 : i32
      %lt3A_241 = arith.cmpi slt, %scan3A_134, %lt3A_240 : i32
      %convert_element_type3A_242 = arith.extui %lt3A_241 : i1 to i32
      %cond3A_243 = arith.constant 0 : i32
      %cond3A_244 = arith.cmpi ne, %convert_element_type3A_242, %cond3A_243 : i32
      scf.if %cond3A_244 {
        %add3A_284 = arith.constant 4 : i32
        %add3A_285 = arith.addi %add3A_210, %add3A_284 : i32
        %mul3A_286 = arith.constant 2048 : i32
        %mul3A_287 = arith.muli %add3A_285, %mul3A_286 : i32
        %add3A_288 = arith.addi %mul3A_2, %mul3A_287 : i32
        %dma_start3A_289 = arith.constant 0 : i32
        %dma_start3A_290 = tpu.memref_slice %arg2[%dma_start3A_289, %add3A_288] : memref<10x1048576xf32, #tpu.memory_space<hbm>> -> memref<8x2048xf32, #tpu.memory_space<hbm>>
        %dma_start3A_291 = arith.constant 0 : i32
        %dma_start3A_292 = tpu.memref_slice %arg2[%dma_start3A_291, %add3A_288] : memref<10x1048576xf32, #tpu.memory_space<hbm>> -> memref<8x2048xf32, #tpu.memory_space<hbm>>
        tpu.enqueue_dma source(%dma_start3A_292 : memref<8x2048xf32, #tpu.memory_space<hbm>>) target(%arg9 : memref<8x2048xf32, #tpu.memory_space<vmem>>) target_semaphore(%arg21 : memref<!tpu.dma_semaphore, #tpu.memory_space<semaphore_mem>>)
        %mul3A_293 = arith.constant 2048 : i32
        %mul3A_294 = arith.muli %add3A_285, %mul3A_293 : i32
        %add3A_295 = arith.addi %mul3A_2, %mul3A_294 : i32
        %dma_start3A_296 = arith.constant 8 : i32
        %dma_start3A_297 = tpu.memref_slice %arg2[%dma_start3A_296, %add3A_295] : memref<10x1048576xf32, #tpu.memory_space<hbm>> -> memref<2x2048xf32, #tpu.memory_space<hbm>>
        %dma_start3A_298 = arith.constant 8 : i32
        %dma_start3A_299 = tpu.memref_slice %arg2[%dma_start3A_298, %add3A_295] : memref<10x1048576xf32, #tpu.memory_space<hbm>> -> memref<2x2048xf32, #tpu.memory_space<hbm>>
        tpu.enqueue_dma source(%dma_start3A_299 : memref<2x2048xf32, #tpu.memory_space<hbm>>) target(%arg13 : memref<2x2048xf32, #tpu.memory_space<vmem>>) target_semaphore(%arg21 : memref<!tpu.dma_semaphore, #tpu.memory_space<semaphore_mem>>)
      } else {
      }
      %mul3A_245 = arith.constant 4 : i32
      %mul3A_246 = arith.muli %scan3A_134, %mul3A_245 : i32
      %add3A_247 = arith.constant 3 : i32
      %add3A_248 = arith.addi %mul3A_246, %add3A_247 : i32
      %mul3A_249 = arith.constant 2048 : i32
      %mul3A_250 = arith.muli %add3A_248, %mul3A_249 : i32
      %add3A_251 = arith.addi %mul3A_2, %mul3A_250 : i32
      %dma_wait3A_252 = arith.constant 0 : i32
      %dma_wait3A_253 = tpu.memref_slice %arg2[%dma_wait3A_252, %add3A_251] : memref<10x1048576xf32, #tpu.memory_space<hbm>> -> memref<8x2048xf32, #tpu.memory_space<hbm>>
      %dma_wait3A_254 = arith.constant 0 : i32
      %dma_wait3A_255 = tpu.memref_slice %arg2[%dma_wait3A_254, %add3A_251] : memref<10x1048576xf32, #tpu.memory_space<hbm>> -> memref<8x2048xf32, #tpu.memory_space<hbm>>
      tpu.wait_dma2 semaphore(%arg22 : memref<!tpu.dma_semaphore, #tpu.memory_space<semaphore_mem>>) src(%dma_wait3A_255 : memref<8x2048xf32, #tpu.memory_space<hbm>>) dst(%arg10 : memref<8x2048xf32, #tpu.memory_space<vmem>>)
      %mul3A_256 = arith.constant 2048 : i32
      %mul3A_257 = arith.muli %add3A_248, %mul3A_256 : i32
      %add3A_258 = arith.addi %mul3A_2, %mul3A_257 : i32
      %dma_wait3A_259 = arith.constant 8 : i32
      %dma_wait3A_260 = tpu.memref_slice %arg2[%dma_wait3A_259, %add3A_258] : memref<10x1048576xf32, #tpu.memory_space<hbm>> -> memref<2x2048xf32, #tpu.memory_space<hbm>>
      %dma_wait3A_261 = arith.constant 8 : i32
      %dma_wait3A_262 = tpu.memref_slice %arg2[%dma_wait3A_261, %add3A_258] : memref<10x1048576xf32, #tpu.memory_space<hbm>> -> memref<2x2048xf32, #tpu.memory_space<hbm>>
      tpu.wait_dma2 semaphore(%arg22 : memref<!tpu.dma_semaphore, #tpu.memory_space<semaphore_mem>>) src(%dma_wait3A_262 : memref<2x2048xf32, #tpu.memory_space<hbm>>) dst(%arg14 : memref<2x2048xf32, #tpu.memory_space<vmem>>)
      %gt3A_263 = arith.constant 0 : i32
      %gt3A_264 = arith.cmpi sgt, %scan3A_134, %gt3A_263 : i32
      %convert_element_type3A_265 = arith.extui %gt3A_264 : i1 to i32
      %cond3A_266 = arith.constant 0 : i32
      %cond3A_267 = arith.cmpi ne, %convert_element_type3A_265, %cond3A_266 : i32
      scf.if %cond3A_267 {
        %mul3A_284 = arith.constant 2048 : i32
        %mul3A_285 = arith.muli %add3A_248, %mul3A_284 : i32
        %add3A_286 = arith.addi %mul3A_2, %mul3A_285 : i32
        %mul3A_287 = arith.constant 2 : i32
        %mul3A_288 = arith.muli %add3A_286, %mul3A_287 : i32
        %dma_wait3A_289 = tpu.memref_slice %arg4[%mul3A_288] : memref<2097152xf32, #tpu.memory_space<hbm>> -> memref<4096xf32, #tpu.memory_space<hbm>>
        %dma_wait3A_290 = tpu.memref_slice %arg4[%mul3A_288] : memref<2097152xf32, #tpu.memory_space<hbm>> -> memref<4096xf32, #tpu.memory_space<hbm>>
        tpu.wait_dma2 semaphore(%arg26 : memref<!tpu.dma_semaphore, #tpu.memory_space<semaphore_mem>>) src(%arg18 : memref<4096xf32, #tpu.memory_space<vmem>>) dst(%dma_wait3A_290 : memref<4096xf32, #tpu.memory_space<hbm>>)
      } else {
      }
      %parallel_loop3A_268 = arith.constant 0 : i32
      %parallel_loop3A_269 = arith.constant 128 : i32
      %parallel_loop3A_270 = arith.constant 1 : i32
      scf.for %parallel_loop3A_284 = %parallel_loop3A_268 to %parallel_loop3A_269 step %parallel_loop3A_270  : i32 {
        %parallel_loop3A_285 = arith.constant 16 : i32
        %parallel_loop3A_286 = arith.muli %parallel_loop3A_284, %parallel_loop3A_285 : i32
        %parallel_loop3A_287 = arith.constant 0 : i32
        %parallel_loop3A_288 = arith.index_cast %parallel_loop3A_287 : i32 to index
        %parallel_loop3A_289 = arith.index_cast %parallel_loop3A_286 : i32 to index
        %parallel_loop3A_290 = tpu.vector_load %arg10[%parallel_loop3A_288, %parallel_loop3A_289] {strides = array<i32>} : memref<8x2048xf32, #tpu.memory_space<vmem>>, vector<16xf32>,
        %parallel_loop3A_291 = arith.constant 1 : i32
        %parallel_loop3A_292 = arith.index_cast %parallel_loop3A_291 : i32 to index
        %parallel_loop3A_293 = arith.index_cast %parallel_loop3A_286 : i32 to index
        %parallel_loop3A_294 = tpu.vector_load %arg10[%parallel_loop3A_292, %parallel_loop3A_293] {strides = array<i32>} : memref<8x2048xf32, #tpu.memory_space<vmem>>, vector<16xf32>,
        %parallel_loop3A_295 = arith.constant 2 : i32
        %parallel_loop3A_296 = arith.index_cast %parallel_loop3A_295 : i32 to index
        %parallel_loop3A_297 = arith.index_cast %parallel_loop3A_286 : i32 to index
        %parallel_loop3A_298 = tpu.vector_load %arg10[%parallel_loop3A_296, %parallel_loop3A_297] {strides = array<i32>} : memref<8x2048xf32, #tpu.memory_space<vmem>>, vector<16xf32>,
        %parallel_loop3A_299 = arith.constant 3 : i32
        %parallel_loop3A_300 = arith.index_cast %parallel_loop3A_299 : i32 to index
        %parallel_loop3A_301 = arith.index_cast %parallel_loop3A_286 : i32 to index
        %parallel_loop3A_302 = tpu.vector_load %arg10[%parallel_loop3A_300, %parallel_loop3A_301] {strides = array<i32>} : memref<8x2048xf32, #tpu.memory_space<vmem>>, vector<16xf32>,
        %parallel_loop3A_303 = arith.constant 4 : i32
        %parallel_loop3A_304 = arith.index_cast %parallel_loop3A_303 : i32 to index
        %parallel_loop3A_305 = arith.index_cast %parallel_loop3A_286 : i32 to index
        %parallel_loop3A_306 = tpu.vector_load %arg10[%parallel_loop3A_304, %parallel_loop3A_305] {strides = array<i32>} : memref<8x2048xf32, #tpu.memory_space<vmem>>, vector<16xf32>,
        %parallel_loop3A_307 = arith.constant 5 : i32
        %parallel_loop3A_308 = arith.index_cast %parallel_loop3A_307 : i32 to index
        %parallel_loop3A_309 = arith.index_cast %parallel_loop3A_286 : i32 to index
        %parallel_loop3A_310 = tpu.vector_load %arg10[%parallel_loop3A_308, %parallel_loop3A_309] {strides = array<i32>} : memref<8x2048xf32, #tpu.memory_space<vmem>>, vector<16xf32>,
        %parallel_loop3A_311 = arith.constant 6 : i32
        %parallel_loop3A_312 = arith.index_cast %parallel_loop3A_311 : i32 to index
        %parallel_loop3A_313 = arith.index_cast %parallel_loop3A_286 : i32 to index
        %parallel_loop3A_314 = tpu.vector_load %arg10[%parallel_loop3A_312, %parallel_loop3A_313] {strides = array<i32>} : memref<8x2048xf32, #tpu.memory_space<vmem>>, vector<16xf32>,
        %parallel_loop3A_315 = arith.constant 7 : i32
        %parallel_loop3A_316 = arith.index_cast %parallel_loop3A_315 : i32 to index
        %parallel_loop3A_317 = arith.index_cast %parallel_loop3A_286 : i32 to index
        %parallel_loop3A_318 = tpu.vector_load %arg10[%parallel_loop3A_316, %parallel_loop3A_317] {strides = array<i32>} : memref<8x2048xf32, #tpu.memory_space<vmem>>, vector<16xf32>,
        %parallel_loop3A_319 = arith.constant 0 : i32
        %parallel_loop3A_320 = arith.index_cast %parallel_loop3A_319 : i32 to index
        %parallel_loop3A_321 = arith.index_cast %parallel_loop3A_286 : i32 to index
        %parallel_loop3A_322 = tpu.vector_load %arg14[%parallel_loop3A_320, %parallel_loop3A_321] {strides = array<i32>} : memref<2x2048xf32, #tpu.memory_space<vmem>>, vector<16xf32>,
        %parallel_loop3A_323 = arith.constant 1 : i32
        %parallel_loop3A_324 = arith.index_cast %parallel_loop3A_323 : i32 to index
        %parallel_loop3A_325 = arith.index_cast %parallel_loop3A_286 : i32 to index
        %parallel_loop3A_326 = tpu.vector_load %arg14[%parallel_loop3A_324, %parallel_loop3A_325] {strides = array<i32>} : memref<2x2048xf32, #tpu.memory_space<vmem>>, vector<16xf32>,
        %parallel_loop3A_327 = vector.broadcast %scan3A_101 : f32 to vector<16xf32>
        %parallel_loop3A_328 = arith.mulf %parallel_loop3A_290, %parallel_loop3A_327 : vector<16xf32>
        %parallel_loop3A_329 = arith.addf %parallel_loop3A_328, %parallel_loop3A_294 : vector<16xf32>
        %parallel_loop3A_330 = vector.broadcast %scan3A_101 : f32 to vector<16xf32>
        %parallel_loop3A_331 = arith.mulf %parallel_loop3A_298, %parallel_loop3A_330 : vector<16xf32>
        %parallel_loop3A_332 = arith.addf %parallel_loop3A_331, %parallel_loop3A_302 : vector<16xf32>
        %parallel_loop3A_333 = vector.broadcast %scan3A_101 : f32 to vector<16xf32>
        %parallel_loop3A_334 = arith.mulf %parallel_loop3A_306, %parallel_loop3A_333 : vector<16xf32>
        %parallel_loop3A_335 = arith.addf %parallel_loop3A_334, %parallel_loop3A_310 : vector<16xf32>
        %parallel_loop3A_336 = vector.broadcast %scan3A_101 : f32 to vector<16xf32>
        %parallel_loop3A_337 = arith.mulf %parallel_loop3A_314, %parallel_loop3A_336 : vector<16xf32>
        %parallel_loop3A_338 = arith.addf %parallel_loop3A_337, %parallel_loop3A_318 : vector<16xf32>
        %parallel_loop3A_339 = vector.broadcast %scan3A_101 : f32 to vector<16xf32>
        %parallel_loop3A_340 = arith.mulf %parallel_loop3A_322, %parallel_loop3A_339 : vector<16xf32>
        %parallel_loop3A_341 = arith.addf %parallel_loop3A_340, %parallel_loop3A_326 : vector<16xf32>
        %parallel_loop3A_342 = vector.broadcast %scan3A_102 : f32 to vector<16xf32>
        %parallel_loop3A_343 = arith.mulf %parallel_loop3A_329, %parallel_loop3A_342 : vector<16xf32>
        %parallel_loop3A_344 = arith.addf %parallel_loop3A_343, %parallel_loop3A_332 : vector<16xf32>
        %parallel_loop3A_345 = vector.broadcast %scan3A_102 : f32 to vector<16xf32>
        %parallel_loop3A_346 = arith.mulf %parallel_loop3A_335, %parallel_loop3A_345 : vector<16xf32>
        %parallel_loop3A_347 = arith.addf %parallel_loop3A_346, %parallel_loop3A_338 : vector<16xf32>
        %parallel_loop3A_348 = vector.broadcast %scan3A_103 : f32 to vector<16xf32>
        %parallel_loop3A_349 = arith.mulf %parallel_loop3A_344, %parallel_loop3A_348 : vector<16xf32>
        %parallel_loop3A_350 = arith.addf %parallel_loop3A_349, %parallel_loop3A_347 : vector<16xf32>
        %parallel_loop3A_351 = vector.broadcast %scan3A_102 : f32 to vector<16xf32>
        %parallel_loop3A_352 = arith.mulf %parallel_loop3A_350, %parallel_loop3A_351 : vector<16xf32>
        %parallel_loop3A_353 = arith.addf %parallel_loop3A_352, %parallel_loop3A_341 : vector<16xf32>
        %parallel_loop3A_354 = arith.fptosi %parallel_loop3A_353 : vector<16xf32> to vector<16xi32>
        %parallel_loop3A_355 = tpu.vector_load_idx %arg6[%parallel_loop3A_354] : memref<1024xi32, #tpu.memory_space<vmem>>[vector<16xi32>], vector<16xi32>,
        %parallel_loop3A_356 = vector.bitcast %parallel_loop3A_355 : vector<16xi32> to vector<32xbf16>
        %parallel_loop3A_357 = tpu.unpack_subelements %parallel_loop3A_356, 0 {pack_format = #tpu.pack_format<interleaved>} : vector<32xbf16> -> vector<16xf32>
        %parallel_loop3A_358 = tpu.unpack_subelements %parallel_loop3A_356, 1 {pack_format = #tpu.pack_format<interleaved>} : vector<32xbf16> -> vector<16xf32>
        %parallel_loop3A_359 = arith.constant 7 : i32
        %parallel_loop3A_360 = arith.shrsi %parallel_loop3A_286, %parallel_loop3A_359 : i32
        %parallel_loop3A_361 = arith.constant 8 : i32
        %parallel_loop3A_362 = arith.shli %parallel_loop3A_360, %parallel_loop3A_361 : i32
        %parallel_loop3A_363 = arith.constant 127 : i32
        %parallel_loop3A_364 = arith.andi %parallel_loop3A_286, %parallel_loop3A_363 : i32
        %parallel_loop3A_365 = arith.addi %parallel_loop3A_362, %parallel_loop3A_364 : i32
        %parallel_loop3A_366 = arith.index_cast %parallel_loop3A_365 : i32 to index
        %parallel_loop3A_367 = tpu.vector_load %arg18[%parallel_loop3A_366] {strides = array<i32>} : memref<4096xf32, #tpu.memory_space<vmem>>, vector<16xf32>,
        tpu.vector_store %arg18[%parallel_loop3A_366], %parallel_loop3A_357 {strides = array<i32>} : memref<4096xf32, #tpu.memory_space<vmem>>, vector<16xf32>,
        %parallel_loop3A_368 = arith.constant 128 : i32
        %parallel_loop3A_369 = arith.addi %parallel_loop3A_365, %parallel_loop3A_368 : i32
        %parallel_loop3A_370 = arith.index_cast %parallel_loop3A_369 : i32 to index
        %parallel_loop3A_371 = tpu.vector_load %arg18[%parallel_loop3A_370] {strides = array<i32>} : memref<4096xf32, #tpu.memory_space<vmem>>, vector<16xf32>,
        tpu.vector_store %arg18[%parallel_loop3A_370], %parallel_loop3A_358 {strides = array<i32>} : memref<4096xf32, #tpu.memory_space<vmem>>, vector<16xf32>,
      } {sc.loop_unroll_factor = 8 : i64, sc.parallel_access}
      %mul3A_271 = arith.constant 2048 : i32
      %mul3A_272 = arith.muli %add3A_248, %mul3A_271 : i32
      %add3A_273 = arith.addi %mul3A_2, %mul3A_272 : i32
      %mul3A_274 = arith.constant 2 : i32
      %mul3A_275 = arith.muli %add3A_273, %mul3A_274 : i32
      %dma_start3A_276 = tpu.memref_slice %arg4[%mul3A_275] : memref<2097152xf32, #tpu.memory_space<hbm>> -> memref<4096xf32, #tpu.memory_space<hbm>>
      %dma_start3A_277 = tpu.memref_slice %arg4[%mul3A_275] : memref<2097152xf32, #tpu.memory_space<hbm>> -> memref<4096xf32, #tpu.memory_space<hbm>>
      tpu.enqueue_dma source(%arg18 : memref<4096xf32, #tpu.memory_space<vmem>>) target(%dma_start3A_277 : memref<4096xf32, #tpu.memory_space<hbm>>) target_semaphore(%arg26 : memref<!tpu.dma_semaphore, #tpu.memory_space<semaphore_mem>>)
      %lt3A_278 = arith.constant 3 : i32
      %lt3A_279 = arith.cmpi slt, %scan3A_134, %lt3A_278 : i32
      %convert_element_type3A_280 = arith.extui %lt3A_279 : i1 to i32
      %cond3A_281 = arith.constant 0 : i32
      %cond3A_282 = arith.cmpi ne, %convert_element_type3A_280, %cond3A_281 : i32
      scf.if %cond3A_282 {
        %add3A_284 = arith.constant 4 : i32
        %add3A_285 = arith.addi %add3A_248, %add3A_284 : i32
        %mul3A_286 = arith.constant 2048 : i32
        %mul3A_287 = arith.muli %add3A_285, %mul3A_286 : i32
        %add3A_288 = arith.addi %mul3A_2, %mul3A_287 : i32
        %dma_start3A_289 = arith.constant 0 : i32
        %dma_start3A_290 = tpu.memref_slice %arg2[%dma_start3A_289, %add3A_288] : memref<10x1048576xf32, #tpu.memory_space<hbm>> -> memref<8x2048xf32, #tpu.memory_space<hbm>>
        %dma_start3A_291 = arith.constant 0 : i32
        %dma_start3A_292 = tpu.memref_slice %arg2[%dma_start3A_291, %add3A_288] : memref<10x1048576xf32, #tpu.memory_space<hbm>> -> memref<8x2048xf32, #tpu.memory_space<hbm>>
        tpu.enqueue_dma source(%dma_start3A_292 : memref<8x2048xf32, #tpu.memory_space<hbm>>) target(%arg10 : memref<8x2048xf32, #tpu.memory_space<vmem>>) target_semaphore(%arg22 : memref<!tpu.dma_semaphore, #tpu.memory_space<semaphore_mem>>)
        %mul3A_293 = arith.constant 2048 : i32
        %mul3A_294 = arith.muli %add3A_285, %mul3A_293 : i32
        %add3A_295 = arith.addi %mul3A_2, %mul3A_294 : i32
        %dma_start3A_296 = arith.constant 8 : i32
        %dma_start3A_297 = tpu.memref_slice %arg2[%dma_start3A_296, %add3A_295] : memref<10x1048576xf32, #tpu.memory_space<hbm>> -> memref<2x2048xf32, #tpu.memory_space<hbm>>
        %dma_start3A_298 = arith.constant 8 : i32
        %dma_start3A_299 = tpu.memref_slice %arg2[%dma_start3A_298, %add3A_295] : memref<10x1048576xf32, #tpu.memory_space<hbm>> -> memref<2x2048xf32, #tpu.memory_space<hbm>>
        tpu.enqueue_dma source(%dma_start3A_299 : memref<2x2048xf32, #tpu.memory_space<hbm>>) target(%arg14 : memref<2x2048xf32, #tpu.memory_space<vmem>>) target_semaphore(%arg22 : memref<!tpu.dma_semaphore, #tpu.memory_space<semaphore_mem>>)
      } else {
      }
      %scan3A_283 = arith.constant 0 : i32
      scf.yield %scan3A_283 : i32
    }
    %scan3A_110 = arith.constant 4 : i32
    %add3A_111 = arith.constant 24576 : i32
    %add3A_112 = arith.addi %mul3A_2, %add3A_111 : i32
    %mul3A_113 = arith.constant 2 : i32
    %mul3A_114 = arith.muli %add3A_112, %mul3A_113 : i32
    %dma_wait3A = tpu.memref_slice %arg4[%mul3A_114] : memref<2097152xf32, #tpu.memory_space<hbm>> -> memref<4096xf32, #tpu.memory_space<hbm>>
    %dma_wait3A_115 = tpu.memref_slice %arg4[%mul3A_114] : memref<2097152xf32, #tpu.memory_space<hbm>> -> memref<4096xf32, #tpu.memory_space<hbm>>
    tpu.wait_dma2 semaphore(%arg23 : memref<!tpu.dma_semaphore, #tpu.memory_space<semaphore_mem>>) src(%arg15 : memref<4096xf32, #tpu.memory_space<vmem>>) dst(%dma_wait3A_115 : memref<4096xf32, #tpu.memory_space<hbm>>)
    %add3A_116 = arith.constant 26624 : i32
    %add3A_117 = arith.addi %mul3A_2, %add3A_116 : i32
    %mul3A_118 = arith.constant 2 : i32
    %mul3A_119 = arith.muli %add3A_117, %mul3A_118 : i32
    %dma_wait3A_120 = tpu.memref_slice %arg4[%mul3A_119] : memref<2097152xf32, #tpu.memory_space<hbm>> -> memref<4096xf32, #tpu.memory_space<hbm>>
    %dma_wait3A_121 = tpu.memref_slice %arg4[%mul3A_119] : memref<2097152xf32, #tpu.memory_space<hbm>> -> memref<4096xf32, #tpu.memory_space<hbm>>
    tpu.wait_dma2 semaphore(%arg24 : memref<!tpu.dma_semaphore, #tpu.memory_space<semaphore_mem>>) src(%arg16 : memref<4096xf32, #tpu.memory_space<vmem>>) dst(%dma_wait3A_121 : memref<4096xf32, #tpu.memory_space<hbm>>)
    %add3A_122 = arith.constant 28672 : i32
    %add3A_123 = arith.addi %mul3A_2, %add3A_122 : i32
    %mul3A_124 = arith.constant 2 : i32
    %mul3A_125 = arith.muli %add3A_123, %mul3A_124 : i32
    %dma_wait3A_126 = tpu.memref_slice %arg4[%mul3A_125] : memref<2097152xf32, #tpu.memory_space<hbm>> -> memref<4096xf32, #tpu.memory_space<hbm>>
    %dma_wait3A_127 = tpu.memref_slice %arg4[%mul3A_125] : memref<2097152xf32, #tpu.memory_space<hbm>> -> memref<4096xf32, #tpu.memory_space<hbm>>
    tpu.wait_dma2 semaphore(%arg25 : memref<!tpu.dma_semaphore, #tpu.memory_space<semaphore_mem>>) src(%arg17 : memref<4096xf32, #tpu.memory_space<vmem>>) dst(%dma_wait3A_127 : memref<4096xf32, #tpu.memory_space<hbm>>)
    %add3A_128 = arith.constant 30720 : i32
    %add3A_129 = arith.addi %mul3A_2, %add3A_128 : i32
    %mul3A_130 = arith.constant 2 : i32
    %mul3A_131 = arith.muli %add3A_129, %mul3A_130 : i32
    %dma_wait3A_132 = tpu.memref_slice %arg4[%mul3A_131] : memref<2097152xf32, #tpu.memory_space<hbm>> -> memref<4096xf32, #tpu.memory_space<hbm>>
    %dma_wait3A_133 = tpu.memref_slice %arg4[%mul3A_131] : memref<2097152xf32, #tpu.memory_space<hbm>> -> memref<4096xf32, #tpu.memory_space<hbm>>
    tpu.wait_dma2 semaphore(%arg26 : memref<!tpu.dma_semaphore, #tpu.memory_space<semaphore_mem>>) src(%arg18 : memref<4096xf32, #tpu.memory_space<vmem>>) dst(%dma_wait3A_133 : memref<4096xf32, #tpu.memory_space<hbm>>)
    return
  }
}

</mosaic_0001>

<sc_bundles>
// kernel: _encode.3.cloned.1.call-start
scs
__scs_entry_jumppad:
0x0: {  	(pc) =	sbr.rel $0x88, $3  }
0x1: {  	(tag) =	ssettag $0x0;
	lr =	simm.s32 $0x1  }
0x2: {  	[smem:$0x3F9F] =	sst lr;
	_ =	strace $0xD0000000  }
0x3: {  	_ = 	snop  }
0x4: {  	_ = 	snop  }
0x5: {  	_ = 	snop  }
0x6: {  	_ = 	snop  }
0x7: {  	_ = 	snop  }
__scs_overlays_trampoline_lowered:
0x8: {  	[smem:$0x3FAE] =	sst s0  }
0x9: {  	[smem:$0x3FAF] =	sst s1  }
0xa: {  	[smem:$0x3FB0] =	sst s2  }
0xb: {  	[smem:$0x3FB1] =	sst s3  }
0xc: {  	[smem:$0x3FB2] =	sst s4  }
0xd: {  	[smem:$0x3FB3] =	sst s5  }
0xe: {  	[smem:$0x3FB4] =	sst s6  }
0xf: {  	[smem:$0x3FB5] =	sst s7  }
0x10: {  	[smem:$0x3FB6] =	sst s8  }
0x11: {  	[smem:$0x3FB7] =	sst s9;
	s0 =	simm.s32 @!p0 $0x0  }
0x12: {  	s1 =	sld [smem:$0x3F9D];
	s0 =	simm.s32 @p0 $0x1  }
0x13: {  	[smem:$0x3FB8] =	sst s0;
	s0 =	simm.s32 @!p1 $0x0  }
0x14: {  	s2 =	sld [smem:$0x3F9C];
	s0 =	simm.s32 @p1 $0x1  }
0x15: {  	[smem:$0x3FB9] =	sst s0;
	s0 =	simm.s32 @!p2 $0x0  }
0x16: {  	s3 =	sld [smem:$0x3FDB];
	s0 =	simm.s32 @p2 $0x1  }
0x17: {  	s4 =	simm.s32 $0x1BF5;
	[smem:$0x3FBB] =	sst s0  }
0x18: {  	s0 =	sld [smem:$0x3F9E];
	_ =	swait.ge [sflag:s4], $0x0  }
0x19: {  	s7 =	sld [smem:$0x3F9F]  }
0x1a: {  	s8 =	sadd.s32 $0xFFFFE003, lr  }
0x1b: {  	s9 =	sadd.s32 $0xFFFFFEF7, lr;
	s5 =	simm.s32 $0xFFFFFFFF;
	p2 =	slt.u32 s8, $0xFFFFF086  }
0x1c: {  	p1 =	slt.u32 s9, $0xF7A;
	s5 =	simm.s32 @!p2 $0x0  }
0x1d: {  	s5 =	simm.s32 @p1 $0x1;
	p0 =	seq.s32 s7, s2  }
0x1e: {  	s7 =	smul.u32 @!p0 $0xF7A, s2;
	p2 =	seq.s32 @!p0 s5, $0x0  }
0x1f: {  	s9 =	smul.u32 $0xF7A, s1;
	s8 =	simm.s32 @!p0 $0x1BF5;
	p2 =	por !p2, p0  }
0x20: {  	[sflag:s8] =	ssyncset.s32 @!p0 $0xFFFFF086;
	s6 =	sadd.s32 @!p0 s3, s7;
	s7 =	simm.s32 @!p0 $0x108  }
0x21: {  	s3 =	sadd.s32 s3, s9;
	s6 =	sadd.s32 @!p0 $0x88, s6;
	s7 =	simm.s32 @p2 $0x1082  }
0x22: {  	[simem:s7], [sflag:s8] =	dma.local @!p0 [hbm:s6], $0xF7A  }
0x23: {  	s9 =	sor.u32 $0xD0000000, s2;
	s6 =	simm.s32 $0x108;
	_ =	swait.ge @!p0 [sflag:s8], $0x0  }
0x24: {  	s3 =	sadd.s32 $0x88, s3;
	s6 =	simm.s32 @!p1 $0x1082;
	[sflag:s4] =	ssyncset.s32 $0xFFFFF086  }
0x25: {  	[simem:s6], [sflag:s4] =	dma.local [hbm:s3], $0xF7A  }
0x26: {  	[smem:$0x3F9F] =	sst s1;
	(tag) =	ssettag s2;
	_ =	strace s9  }
0x27: {  	s1 =	sld [smem:$0x3FAF]  }
0x28: {  	s2 =	sld [smem:$0x3FB0]  }
0x29: {  	s4 =	sld [smem:$0x3FB2]  }
0x2a: {  	p0 =	seq.s32 s5, $0x0;
	s5 =	sld [smem:$0x3FB3]  }
0x2b: {  	s6 =	sld [smem:$0x3FB4]  }
0x2c: {  	s7 =	sld [smem:$0x3FB5]  }
0x2d: {  	s3 =	simm.s32 $0x108;
	s8 =	sld [smem:$0x3FB6]  }
0x2e: {  	s3 =	simm.s32 @!p0 $0x1082;
	s9 =	sld [smem:$0x3FB7]  }
0x2f: {  	lr =	sadd.s32 s0, s3;
	s0 =	sld [smem:$0x3FAE]  }
0x30: {  	s3 =	sld [smem:$0x3FB1]  }
0x31: {  	[smem:$0x3FBA] =	sst s10  }
0x32: {  	s10 =	sld [smem:$0x3FB8];
	_ =	sdelay $0x3  }
0x33: {  	p0 =	seq.s32 s10, $0x1;
	s10 =	sld [smem:$0x3FBA];
	_ =	sdelay $0x3  }
0x34: {  	[smem:$0x3FBA] =	sst s10  }
0x35: {  	s10 =	sld [smem:$0x3FB9];
	_ =	sdelay $0x3  }
0x36: {  	p1 =	seq.s32 s10, $0x1;
	s10 =	sld [smem:$0x3FBA];
	_ =	sdelay $0x3  }
0x37: {  	[smem:$0x3FBA] =	sst s10  }
0x38: {  	s10 =	sld [smem:$0x3FBB]  }
0x39: {  	_ = 	snop;
	(pc) =	sbr.ind lr, $3  }
0x3a: {  	_ = 	snop  }
0x3b: {  	_ = 	snop  }
0x3c: {  	p2 =	seq.s32 s10, $0x1;
	s10 =	sld [smem:$0x3FBA]  }
0x3d: {  	_ =	shalt  }
0x3e: {  	_ =	shalt  }
0x3f: {  	_ =	shalt  }
0x40: {  	_ =	shalt  }
0x41: {  	_ =	shalt  }
0x42: {  	_ =	shalt  }
0x43: {  	_ =	shalt  }
0x44: {  	_ =	shalt  }
0x45: {  	_ =	shalt  }
0x46: {  	_ =	shalt  }
0x47: {  	_ =	shalt  }
0x48: {  	_ =	shalt  }
0x49: {  	_ =	shalt  }
0x4a: {  	_ =	shalt  }
0x4b: {  	_ =	shalt  }
0x4c: {  	_ =	shalt  }
0x4d: {  	_ =	shalt  }
0x4e: {  	_ =	shalt  }
0x4f: {  	_ =	shalt  }
0x50: {  	_ =	shalt  }
0x51: {  	_ =	shalt  }
0x52: {  	_ =	shalt  }
0x53: {  	_ =	shalt  }
0x54: {  	_ =	shalt  }
0x55: {  	_ =	shalt  }
0x56: {  	_ =	shalt  }
0x57: {  	_ =	shalt  }
0x58: {  	_ =	shalt  }
0x59: {  	_ =	shalt  }
0x5a: {  	_ =	shalt  }
0x5b: {  	_ =	shalt  }
0x5c: {  	_ =	shalt  }
0x5d: {  	_ =	shalt  }
0x5e: {  	_ =	shalt  }
0x5f: {  	_ =	shalt  }
0x60: {  	_ =	shalt  }
0x61: {  	_ =	shalt  }
0x62: {  	_ =	shalt  }
0x63: {  	_ =	shalt  }
0x64: {  	_ =	shalt  }
0x65: {  	_ =	shalt  }
0x66: {  	_ =	shalt  }
0x67: {  	_ =	shalt  }
0x68: {  	_ =	shalt  }
0x69: {  	_ =	shalt  }
0x6a: {  	_ =	shalt  }
0x6b: {  	_ =	shalt  }
0x6c: {  	_ =	shalt  }
0x6d: {  	_ =	shalt  }
0x6e: {  	_ =	shalt  }
0x6f: {  	_ =	shalt  }
0x70: {  	_ =	shalt  }
0x71: {  	_ =	shalt  }
0x72: {  	_ =	shalt  }
0x73: {  	_ =	shalt  }
0x74: {  	_ =	shalt  }
0x75: {  	_ =	shalt  }
0x76: {  	_ =	shalt  }
0x77: {  	_ =	shalt  }
0x78: {  	_ =	shalt  }
0x79: {  	_ =	shalt  }
0x7a: {  	_ =	shalt  }
0x7b: {  	_ =	shalt  }
0x7c: {  	_ =	shalt  }
0x7d: {  	_ =	shalt  }
0x7e: {  	_ =	shalt  }
0x7f: {  	_ =	shalt  }
0x80: {  	_ =	shalt  }
0x81: {  	_ =	shalt  }
0x82: {  	_ =	shalt  }
0x83: {  	_ =	shalt  }
0x84: {  	_ =	shalt  }
0x85: {  	_ =	shalt  }
0x86: {  	_ =	shalt  }
0x87: {  	_ =	shalt  }
.Lfunc_end0:
.L_simem_size_0:
called_computation_lowered:
.L_overlay_start_0:
0x88: {  	s2 =	sld [smem:$0x3FD9]  }
0x89: {  	s3 =	sld [smem:$0x3FFE];
	_ =	sdelay $0x1  }
0x8a: {  	s1 =	srdreg.scid  }
0x8b: {  	s0 =	sand.u32 $0x1, s1  }
0x8c: {  	s18 =	sshll.u32 s0, $0xA;
	s2 =	sadd.s32 s3, s2  }
0x8d: {  	s2 =	sadd.s32 s2, s18  }
0x8e: {  	[smem:$0x3FC6] =	sst s2  }
0x8f: {  	_ = 	snop  }
0x90: {  	s2 =	sld [smem:$0x3FC9]  }
0x91: {  	s19 =	sld [smem:$0x3FC8]  }
0x92: {  	s4 =	sld [smem:$0x3FD0];
	(tm) =	ssettm $0x1  }
0x93: {  	s5 =	sld [smem:$0x3FFB];
	_ =	sdelay $0x3  }
0x94: {  	_ =	strace s5  }
0x95: {  	s5 =	sld [smem:$0x3FFC];
	_ =	sdelay $0x3  }
0x96: {  	_ =	strace s5  }
0x97: {  	s5 =	sld [smem:$0x3FFD];
	_ =	sdelay $0x3  }
0x98: {  	_ =	strace s5  }
0x99: {  	_ =	strace $0x8FFFFFFF  }
0x9a: {  	s20 =	sld [smem:$0x3FDB];
	_ =	sdelay $0x1  }
0x9b: {  	s6 =	simm.s32 $_scs_section_size  }
0x9c: {  	s7 =	simm.s32 $_size__tile_overlayer_lowered;
	s8 =	simm.s32 $_tile_overlayer_lowered  }
0x9d: {  	s23 =	simm.s32 $0x1BFF;
	s22 =	sshll.u32 s8, $0x1;
	s5 =	sadd.s32 s6, s20  }
0x9e: {  	s9 =	simm.s32 $0x0;
	s21 =	sshll.u32 s7, $0x1;
	s7 =	sadd.s32 s22, s5  }
0x9f: {  	[timem:s9], [sflag:s23] =	dma.local [hbm:s7], s21  }
0xa0: {  	_ =	swait.ge [sflag:s23], s21  }
0xa1: {  	s6 =	ssub.s32 $0x0, s21;
	[sflag:s23] =	ssyncset.done $0x0  }
0xa2: {  	[sflag:s23] =	ssyncadd.s32 s6;
	_ =	sdelay $0x1  }
0xa3: {  	s24 =	simm.s32 $0x1B8B  }
0xa4: {  	_ =	swait.ge [sflag:s24], $0x1  }
0xa5: {  	[sflag:s24] =	ssyncset.done $0x0  }
0xa6: {  	s25 =	simm.s32 $0x1B8E;
	[sflag:s24] =	ssyncadd.s32 $0xFFFFFFFF  }
0xa7: {  	s26 =	simm.s32 $execute0_lowered;
	[smem:$0x3FD2] =	sst s25  }
0xa8: {  	s6 =	sshll.u32 s26, $0x1;
	_ =	strace $0x80000046;
	[dreg:$0x1] =	wrdreg $0xFFFFFFFF  }
0xa9: {  	s28 =	simm.s32 $_size_execute0_lowered;
	s5 =	sadd.s32 s5, s6;
	[dreg:$0x0] =	wrdreg $0x0  }
0xaa: {  	s6 =	sshll.u32 s28, $0x1;
	[dreg:$0x2] =	wrdreg s5  }
0xab: {  	[dreg:$0x3] =	wrdreg s6  }
0xac: {  	[dreg:$0x4] =	wrdreg $0xC0  }
0xad: {  	_ =	task [dreg:s9], $0x5FFFF  }
0xae: {  	[dreg:$0x1] =	wrdreg $0xFFFFFFFF  }
0xaf: {  	[dreg:$0x0] =	wrdreg $0x60  }
0xb0: {  	[dreg:$0x2] =	wrdreg s2  }
0xb1: {  	[dreg:$0x3] =	wrdreg s19  }
0xb2: {  	[dreg:$0x4] =	wrdreg s4  }
0xb3: {  	[dreg:$0x5] =	wrdreg $0x9  }
0xb4: {  	_ =	task.clear_ibuf [dreg:s9], $0x6FFFF;
	_ =	strace $0x90000046  }
0xb5: {  	s29 =	simm.s32 $0x9;
	_ =	strace $0x80000048  }
0xb6: {  	_ =	swait.ge [sflag:s29], $0x1  }
0xb7: {  	[sflag:s29] =	ssyncadd.s32 $0xFFFFFFFF  }
0xb8: {  	_ =	strace $0x90000048  }
0xb9: {  	_ =	sfence  }
0xba: {  	s30 =	sld [smem:$0x0];
	_ =	sdelay $0x2  }
0xbb: {  	s31 =	sshll.u32 s1, $0xD;
	s1 =	sshrl.u32 s1, $0x2  }
0xbc: {  	s3 =	sand.u32 $0x4000, s31;
	s1 =	sadd.s32 s1, s30  }
0xbd: {  	s0 =	sor.u32 s3, s0;
	s1 =	sshll.u32 s1, $0x11  }
0xbe: {  	s0 =	sor.u32 s1, s0  }
0xbf: {  	s0 =	sadd.s32 $0x8F2B, s0  }
0xc0: {  	[sflag:s0] =	ssyncadd.remote.s32 $0x1  }
0xc1: {  	_ =	sfence.sel $0xFFFF  }
0xc2: {  	[dreg:$0x0] =	wrdreg $0xFFFFFFFF;
	(pc) =	sbr.abs _section_cstart, $3  }
0xc3: {  	[dreg:$0x1] =	wrdreg $0xFFFFFFFF  }
0xc4: {  	_ =	task.clear_ibuf [dreg:s9], $0x2FFFF;
	_ =	strace $0x9FFFFFFF  }
0xc5: {  	(tm) =	ssettm $0x7FFFFFFF  }
tec
execute0_lowered:
.L_overlay_start_1:
0x0: {  	(tag) =	ssettag $0x1  }
0x1: {  	s1 =	rddreg [dreg:$0x0]  }
0x2: {  	s4 =	rddreg [dreg:$0x2]  }
0x3: {  	s0 =	srdreg.scid;
	s5 =	simm.s32 $0x0;
	s2 =	stileid.u32  }
0x4: {  	s31 =	simm.s32 $0xCC00;
	s28 =	simm.s32 $0x15C00;
	s29 =	simm.s32 $0x3  }
0x5: {  	s30 =	simm.s32 $0x16C00;
	s9 =	simm.s32 $0x4;
	s0 =	sand.u32 $0x1, s0  }
0x6: {  	s10 =	simm.s32 $0x17C00;
	s2 =	sshll.u32 s2, $0x10;
	s3 =	sshll.u32 s0, $0xF  }
0x7: {  	[smem:$0x7FF] =	sst s5;
	s8 =	sadd.s32 $0x100000, s1;
	s6 =	sor.u32 s3, s2  }
0x8: {  	s11 =	simm.s32 $0x0;
	_ =	strace $0x80000047;
	s20 =	sadd.s32 s6, s8  }
0x9: {  	s0 =	ssub.s32 $0x2, s0;
	s3 =	sadd.s32 s1, s6;
	[dreg:$0x5] =	wrdreg s20  }
0xa: {  	s19 =	sshrl.u32 s0, $0x1;
	s21 =	sadd.s32 $0x800, s3;
	[dreg:$0x4] =	wrdreg s3  }
0xb: {  	s2 =	simm.s32 $0x1;
	s22 =	sadd.s32 $0x100800, s3;
	[dreg:$0x6] =	wrdreg s21  }
0xc: {  	s0 =	ssub.s32 s0, s19;
	s23 =	sadd.s32 $0x1000, s3;
	[dreg:$0x7] =	wrdreg s22  }
0xd: {  	s16 =	sshll.u32 s6, $0x1;
	s24 =	sadd.s32 $0x101000, s3;
	[dreg:$0x8] =	wrdreg s23  }
0xe: {  	s17 =	sor.u32 $0x2000, s6;
	s25 =	sadd.s32 $0x1800, s3;
	[dreg:$0x9] =	wrdreg s24  }
.Ltmp0:
0xf: {  	s26 =	sadd.s32 $0x101800, s3;
	[dreg:$0xa] =	wrdreg s25;
	(pc) =	sbr.rel .LBB2_1-.Ltmp0, $4  }
0x10: {  	s18 =	sor.u32 $0x2800, s6;
	s0 =	smax.u32 s0, $0x1;
	[dreg:$0xb] =	wrdreg s26  }
0x11: {  	s19 =	sor.u32 $0x3000, s6;
	s20 =	sor.u32 $0x3800, s6;
	[dreg:$0xc] =	wrdreg s0  }
0x12: {  	s23 =	simm.s32 $0x100;
	s24 =	simm.s32 $0x400;
	s0 =	simm.s32 $0x13C00  }
0x13: {  	s22 =	simm.s32 $0x800;
	s25 =	simm.s32 $0x14C00;
	s26 =	simm.s32 $0x2  }
.LBB2_16:
0x14: {  	s3 =	simm.s32 $0x5  }
0x15: {  	_ =	swait.ge [sflag:s3], $0x1000  }
0x16: {  	[sflag:s3] =	ssyncset.done $0x0  }
0x17: {  	s14 =	simm.s32 $0x6;
	[sflag:s3] =	ssyncadd.s32 $0xFFFFF000  }
0x18: {  	_ =	swait.ge [sflag:s14], $0x1000  }
0x19: {  	[sflag:s14] =	ssyncset.done $0x0  }
0x1a: {  	s15 =	simm.s32 $0x7;
	[sflag:s14] =	ssyncadd.s32 $0xFFFFF000  }
0x1b: {  	_ =	swait.ge [sflag:s15], $0x1000  }
0x1c: {  	[sflag:s15] =	ssyncset.done $0x0  }
0x1d: {  	s7 =	simm.s32 $0x8;
	[sflag:s15] =	ssyncadd.s32 $0xFFFFF000  }
0x1e: {  	_ =	swait.ge [sflag:s7], $0x1000  }
0x1f: {  	s11 =	rddreg [dreg:$0xd]  }
0x20: {  	s21 =	rddreg [dreg:$0xc];
	s11 =	sadd.s32 $0x1, s11  }
0x21: {  	p0 =	sne.s32 s11, s21  }
.Ltmp1:
0x22: {  	_ = 	snop;
	(pc) =	sbr.rel @!p0 .LBB2_17-.Ltmp1, $3  }
0x23: {  	_ =	sdelay $0x1  }
0x24: {  	[sflag:s7] =	ssyncset.done $0x0  }
0x25: {  	[sflag:s7] =	ssyncadd.s32 $0xFFFFF000  }
.LBB2_1:
0x26: {  	[dreg:$0xd] =	wrdreg s11  }
0x27: {  	s3 =	rddreg [dreg:$0x4];
	s7 =	simm.s32 $0xC00  }
0x28: {  	[tilespmem:s7], [sflag:$0x1] =	stream.linear.gather [hbm4b:s3+s5], $0x4000, $0x38;
	[tilespmem:$0x18C00] =	vst v63  }
0x29: {  	s15 =	rddreg [dreg:$0x5];
	s21 =	simm.s32 $0x10C00  }
0x2a: {  	[tilespmem:s21], [sflag:$0x1] =	stream.strided.gather [hbm4b:s15+s23], $0x1000, s24, s23, $0x38;
	[tilespmem:$0x18C00] =	vst v63  }
0x2b: {  	s11 =	rddreg [dreg:$0x6];
	s12 =	simm.s32 $0x4C00  }
0x2c: {  	[tilespmem:s12], [sflag:$0x2] =	stream.linear.gather [hbm4b:s11+s5], $0x4000, $0x38;
	[tilespmem:$0x18C00] =	vst v63  }
0x2d: {  	s13 =	rddreg [dreg:$0x7];
	s14 =	simm.s32 $0x11C00  }
0x2e: {  	[tilespmem:s14], [sflag:$0x2] =	stream.strided.gather [hbm4b:s13+s23], $0x1000, s24, s23, $0x38;
	[tilespmem:$0x18C00] =	vst v63  }
0x2f: {  	s15 =	rddreg [dreg:$0x8];
	s21 =	simm.s32 $0x8C00  }
0x30: {  	[tilespmem:s21], [sflag:$0x3] =	stream.linear.gather [hbm4b:s15+s5], $0x4000, $0x38;
	[tilespmem:$0x18C00] =	vst v63  }
0x31: {  	s7 =	rddreg [dreg:$0x9];
	s11 =	simm.s32 $0x12C00  }
0x32: {  	[tilespmem:s11], [sflag:$0x3] =	stream.strided.gather [hbm4b:s7+s23], $0x1000, s24, s23, $0x38;
	[tilespmem:$0x18C00] =	vst v63  }
0x33: {  	s12 =	rddreg [dreg:$0xa]  }
0x34: {  	[tilespmem:s31], [sflag:$0x4] =	stream.linear.gather [hbm4b:s12+s5], $0x4000, $0x38;
	[tilespmem:$0x18C00] =	vst v63  }
0x35: {  	s13 =	rddreg [dreg:$0xb]  }
0x36: {  	[tilespmem:s0], [sflag:$0x4] =	stream.strided.gather [hbm4b:s13+s23], $0x1000, s24, s23, $0x38;
	[tilespmem:$0x18C00] =	vst v63  }
0x37: {  	s14 =	rddreg [dreg:$0x1];
	s15 =	simm.s32 $0x9  }
0x38: {  	[tilespmem:s5], [sflag:$0x9] =	stream.linear.gather [hbm4b:s14+s5], $0x800, $0x38;
	[tilespmem:$0x18C00] =	vst v63  }
0x39: {  	_ =	swait.ge [sflag:s15], $0x800  }
0x3a: {  	[sflag:s15] =	ssyncset.done $0x0  }
0x3b: {  	s21 =	simm.s32 $0x0;
	[sflag:s15] =	ssyncadd.s32 $0xFFFFF800  }
0x3c: {  	v1 =	vld [tilespmem:s21+$0x0]  }
0x3d: {  	v0 =	vimm.f32 $0.0e+00;
	s3 =	simm.s32 $0x40  }
.LBB2_2:
0x3e: {  	p0 =	sne.s32 s3, $0x1FC0  }
.Ltmp2:
0x3f: {  	_ = 	snop;
	(pc) =	sbr.rel @p0 .LBB2_2-.Ltmp2, $4  }
0x40: {  	_ = 	snop  }
0x41: {  	s7 =	sshra.s32 s3, $0x2;
	s3 =	sadd.s32 $0x40, s3;
	v2 =	vmul.f32 v1, v1  }
0x42: {  	v1 =	vld [tilespmem:s7+$0x0]  }
0x43: {  	v0 =	vadd.f32 v2, v0  }
0x44: {  	_ =	sdelay $0x2  }
0x45: {  	v1 =	vmul.f32 v1, v1;
	_ =	sdelay $0x1  }
0x46: {  	v0 =	vadd.f32 v1, v0;
	_ =	sdelay $0x1  }
0x47: {  	(xrf2) =	vadd.scan.msk.f32 $0xffff, v0;
	_ =	sdelay $0x9  }
0x48: {  	v0, _, _ =	vpop (xrf2)  }
0x49: {  	(v2sf) =	vpush v0, $0xF;
	_ =	sdelay $0xe  }
0x4a: {  	s3 =	spop (v2sf)  }
0x4b: {  	s3 =	smul.f32 $9.765625000e-04, s3;
	_ =	sdelay $0x1  }
0x4c: {  	v0 =	vmov s3  }
0x4d: {  	v1 =	vshra.s32 v0, $0x1;
	v0 =	vmul.f32 $5.000000000e-01, v0  }
0x4e: {  	v1 =	vsub.s32 $0x5F3759DF, v1  }
0x4f: {  	v2 =	vmul.f32 v1, v0;
	_ =	sdelay $0x1  }
0x50: {  	v2 =	vmul.f32 v1, v2;
	_ =	sdelay $0x1  }
0x51: {  	v2 =	vsub.f32 $1.500000000e+00, v2;
	_ =	sdelay $0x1  }
0x52: {  	v1 =	vmul.f32 v1, v2;
	_ =	sdelay $0x1  }
0x53: {  	v2 =	vmul.f32 v1, v0;
	_ =	sdelay $0x1  }
0x54: {  	v2 =	vmul.f32 v2, v1;
	_ =	sdelay $0x1  }
0x55: {  	v2 =	vsub.f32 $1.500000000e+00, v2;
	_ =	sdelay $0x1  }
0x56: {  	v1 =	vmul.f32 v2, v1;
	_ =	sdelay $0x1  }
0x57: {  	v2 =	vmul.f32 v1, v0;
	_ =	sdelay $0x1  }
0x58: {  	v2 =	vmul.f32 v2, v1;
	_ =	sdelay $0x1  }
0x59: {  	v2 =	vsub.f32 $1.500000000e+00, v2;
	_ =	sdelay $0x1  }
0x5a: {  	v1 =	vmul.f32 v2, v1;
	_ =	sdelay $0x1  }
0x5b: {  	s21 =	simm.s32 $0x0;
	v0 =	vmul.f32 v1, v0  }
0x5c: {  	s15 =	sand.u32 $0x3F0, s21  }
0x5d: {  	v3 =	vld [tilespmem:s15+$0x400];
	v0 =	vmul.f32 v0, v1  }
0x5e: {  	v2 =	vld [tilespmem:s21+$0x0]  }
0x5f: {  	v0 =	vsub.f32 $1.500000000e+00, v0;
	_ =	sdelay $0x1  }
0x60: {  	v0 =	vmul.f32 v0, v1;
	_ =	sdelay $0x1  }
0x61: {  	v1 =	vmul.f32 v2, v0;
	v2 =	vmul.f32 v3, v0;
	_ =	sdelay $0x1  }
0x62: {  	s3 =	simm.s32 $0x800;
	v1 =	vpack.i.f32.bf16 v2, v1  }
0x63: {  	s7 =	simm.s32 $0x10;
	[tilespmem:s3+$0x0] =	vst v1  }
0x64: {  	s11 =	simm.s32 $0x20;
	s12 =	sand.u32 $0x3F0, s7;
	v1 =	vld [tilespmem:s7+$0x0]  }
.LBB2_4:
0x65: {  	p0 =	sne.s32 s11, $0x3F0;
	v2 =	vld [tilespmem:s12+$0x400];
	_ =	sdelay $0x4  }
.Ltmp3:
0x66: {  	v1 =	vmul.f32 v1, v0;
	v2 =	vmul.f32 v2, v0;
	(pc) =	sbr.rel @p0 .LBB2_4-.Ltmp3, $4  }
0x67: {  	_ = 	snop  }
0x68: {  	s3 =	sadd.s32 $0x10, s3;
	v1 =	vpack.i.f32.bf16 v2, v1  }
0x69: {  	s7 =	sadd.s32 $0x10, s7;
	[tilespmem:s3+$0x0] =	vst v1  }
0x6a: {  	s12 =	sand.u32 $0x3F0, s11;
	s11 =	sadd.s32 $0x10, s11;
	v1 =	vld [tilespmem:s7+$0x0]  }
0x6b: {  	v2 =	vld [tilespmem:s12+$0x400];
	_ =	sdelay $0x4  }
0x6c: {  	v1 =	vmul.f32 v1, v0;
	v63 =	vmul.f32 v2, v0;
	_ =	sdelay $0x1  }
0x6d: {  	s3 =	sadd.s32 $0x10, s3;
	v0 =	vpack.i.f32.bf16 v63, v1  }
0x6e: {  	[tilespmem:s3+$0x0] =	vst v0  }
.LBB2_6:
0x6f: {  	_ =	swait.ge [sflag:s2], $0x4000  }
0x70: {  	[sflag:s2] =	ssyncset.done $0x0  }
0x71: {  	[sflag:s2] =	ssyncadd.s32 $0xFFFFC000  }
0x72: {  	_ =	swait.ge [sflag:s2], $0x1000  }
0x73: {  	p0 =	seq.s32 s21, $0x0;
	[sflag:s2] =	ssyncset.done $0x0  }
0x74: {  	s3 =	simm.s32 @!p0 $0x5;
	[sflag:s2] =	ssyncadd.s32 $0xFFFFF000  }
0x75: {  	_ =	swait.ge @!p0 [sflag:s3], $0x1000  }
0x76: {  	[sflag:s3] =	ssyncset.done @!p0 $0x0  }
0x77: {  	s7 =	simm.s32 $0xE00;
	[sflag:s3] =	ssyncadd.s32 @!p0 $0xFFFFF000  }
0x78: {  	v0 =	vld [tilespmem:s7+$0xFFFFFFF0]  }
0x79: {  	v1 =	vld [tilespmem:s7+$0xFFFFFEF0]  }
0x7a: {  	v2 =	vld [tilespmem:s7+$0xFFFFFE70]  }
0x7b: {  	v3 =	vld [tilespmem:s7+$0xFFFFFF70]  }
0x7c: {  	v4 =	vld [tilespmem:s7+$0x70]  }
0x7d: {  	v5 =	vld [tilespmem:s7+$0x170]  }
0x7e: {  	v6 =	vld [tilespmem:s7+$0xF0]  }
0x7f: {  	v7 =	vld [tilespmem:s7+$0xFFFFFE10]  }
0x80: {  	v8 =	vld [tilespmem:s7+$0x1F0]  }
0x81: {  	v9 =	vld [tilespmem:s7+$0xFFFFFE20]  }
0x82: {  	v10 =	vld [tilespmem:s7+$0xFFFFFE40]  }
0x83: {  	v11 =	vld [tilespmem:s7+$0xFFFFFE80]  }
0x84: {  	v12 =	vld [tilespmem:s7+$0x0]  }
0x85: {  	v13 =	vld [tilespmem:s7+$0xFFFFFF10]  }
0x86: {  	v14 =	vld [tilespmem:s7+$0xFFFFFEA0]  }
0x87: {  	v15 =	vld [tilespmem:s7+$0xFFFFFF20]  }
0x88: {  	v16 =	vld [tilespmem:s7+$0x20]  }
0x89: {  	v17 =	vld [tilespmem:s7+$0xFFFFFEB0]  }
0x8a: {  	v18 =	vld [tilespmem:s7+$0xFFFFFF30]  }
0x8b: {  	v19 =	vld [tilespmem:s7+$0x30]  }
0x8c: {  	v20 =	vld [tilespmem:s7+$0xFFFFFEC0]  }
0x8d: {  	v21 =	vld [tilespmem:s7+$0xFFFFFF40]  }
0x8e: {  	v22 =	vld [tilespmem:s7+$0x40]  }
0x8f: {  	v23 =	vld [tilespmem:s7+$0xFFFFFED0]  }
0x90: {  	v24 =	vld [tilespmem:s7+$0xFFFFFF50]  }
0x91: {  	v25 =	vld [tilespmem:s7+$0x50]  }
0x92: {  	v26 =	vld [tilespmem:s7+$0xFFFFFEE0]  }
0x93: {  	v27 =	vld [tilespmem:s7+$0xFFFFFF60]  }
0x94: {  	v28 =	vld [tilespmem:s7+$0x60]  }
0x95: {  	v29 =	vld [tilespmem:s7+$0xFFFFFF80]  }
0x96: {  	v30 =	vld [tilespmem:s7+$0x80]  }
0x97: {  	v31 =	vld [tilespmem:s7+$0x100]  }
0x98: {  	v32 =	vld [tilespmem:s7+$0xFFFFFF90]  }
0x99: {  	v33 =	vld [tilespmem:s7+$0x90]  }
0x9a: {  	v34 =	vld [tilespmem:s7+$0x110]  }
0x9b: {  	v35 =	vld [tilespmem:s7+$0xFFFFFFA0]  }
0x9c: {  	v36 =	vld [tilespmem:s7+$0xA0]  }
0x9d: {  	v37 =	vld [tilespmem:s7+$0x120]  }
0x9e: {  	v38 =	vld [tilespmem:s7+$0xFFFFFFB0]  }
0x9f: {  	v39 =	vld [tilespmem:s7+$0xB0]  }
0xa0: {  	v40 =	vld [tilespmem:s7+$0x130]  }
0xa1: {  	v41 =	vld [tilespmem:s7+$0xFFFFFFC0]  }
0xa2: {  	v42 =	vld [tilespmem:s7+$0xC0]  }
0xa3: {  	v43 =	vld [tilespmem:s7+$0x140]  }
0xa4: {  	v44 =	vld [tilespmem:s7+$0xFFFFFFD0]  }
0xa5: {  	v45 =	vld [tilespmem:s7+$0xD0]  }
0xa6: {  	v46 =	vld [tilespmem:s7+$0x150]  }
0xa7: {  	v47 =	vld [tilespmem:s7+$0xFFFFFFE0]  }
0xa8: {  	v48 =	vld [tilespmem:s7+$0xE0]  }
0xa9: {  	v49 =	vld [tilespmem:s7+$0x180]  }
0xaa: {  	v59 =	vld [tilespmem:s7+$0x1A0]  }
0xab: {  	v60 =	vld [tilespmem:s7+$0x1B0]  }
0xac: {  	s15 =	simm.s32 $0x1200;
	v50 =	vld [tilespmem:s7+$0x1C0]  }
0xad: {  	v51 =	vld [tilespmem:s15+$0xFFFFFFF0]  }
0xae: {  	v52 =	vld [tilespmem:s15+$0xFFFFFEF0]  }
0xaf: {  	v55 =	vld [tilespmem:s15+$0xFFFFFE70]  }
0xb0: {  	v56 =	vld [tilespmem:s15+$0xFFFFFF70];
	v2 =	vadd.f32 v2, v2;
	v3 =	vadd.f32 v3, v3  }
0xb1: {  	v57 =	vld [tilespmem:s15+$0x70];
	v5 =	vadd.f32 v5, v5;
	v7 =	vadd.f32 v7, v7  }
0xb2: {  	v9 =	vadd.f32 v9, v9;
	v58 =	vadd.f32 v43, v43;
	v43 =	vld [tilespmem:s15+$0x60]  }
0xb3: {  	s14 =	simm.s32 $0x10C80;
	v1 =	vadd.f32 v1, v2;
	v2 =	vadd.f32 v4, v4;
	v4 =	vld [tilespmem:s7+$0xFFFFFE30]  }
0xb4: {  	v24 =	vadd.f32 v24, v24;
	v0 =	vadd.f32 v0, v3;
	v3 =	vld [tilespmem:s14+$0xFFFFFFF0]  }
0xb5: {  	v18 =	vadd.f32 v18, v18;
	v5 =	vadd.f32 v8, v5;
	v8 =	vld [tilespmem:s7+$0xFFFFFE60]  }
0xb6: {  	v21 =	vadd.f32 v21, v21;
	v44 =	vadd.f32 v44, v24;
	v24 =	vld [tilespmem:s14+$0x40]  }
0xb7: {  	v19 =	vadd.f32 v19, v19;
	v18 =	vadd.f32 v38, v18;
	v38 =	vld [tilespmem:s14+$0x50]  }
0xb8: {  	v25 =	vadd.f32 v25, v25;
	v21 =	vadd.f32 v41, v21;
	v41 =	vld [tilespmem:s15+$0xFFFFFE20]  }
0xb9: {  	v28 =	vadd.f32 v28, v28;
	v19 =	vadd.f32 v39, v19;
	v39 =	vld [tilespmem:s15+$0xFFFFFE40]  }
0xba: {  	v31 =	vadd.f32 v31, v31;
	v25 =	vadd.f32 v45, v25;
	v45 =	vld [tilespmem:s15+$0xFFFFFE80]  }
0xbb: {  	v28 =	vadd.f32 v48, v28;
	v48 =	vld [tilespmem:s15+$0x0];
	v2 =	vadd.f32 v6, v2;
	v1 =	vmul.f32 $4.000000000e+00, v1  }
0xbc: {  	v22 =	vadd.f32 v22, v22;
	v54 =	vadd.f32 v49, v31;
	v49 =	vld [tilespmem:s15+$0xFFFFFE90]  }
0xbd: {  	v27 =	vadd.f32 v27, v27;
	v6 =	vld [tilespmem:s7+$0xFFFFFE50];
	v0 =	vadd.f32 v0, v1;
	v1 =	vmul.f32 $4.000000000e+00, v2  }
0xbe: {  	v37 =	vadd.f32 v37, v37;
	v2 =	vld [tilespmem:s14+$0x70];
	v4 =	vadd.f32 v4, v4  }
0xbf: {  	v9 =	vadd.f32 v14, v9;
	v1 =	vadd.f32 v5, v1;
	v5 =	vld [tilespmem:s7+$0xFFFFFE00]  }
0xc0: {  	v14 =	vadd.f32 v17, v4;
	v17 =	vadd.f32 v59, v37;
	v59 =	vld [tilespmem:s15+$0xF0]  }
0xc1: {  	v3 =	vadd.f32 v3, v3;
	v0 =	vmul.f32 $1.600000000e+01, v0;
	v37 =	vadd.f32 v50, v58;
	v50 =	vld [tilespmem:s15+$0xFFFFFF10]  }
0xc2: {  	v6 =	vadd.f32 v6, v6;
	v4 =	vadd.f32 v8, v8;
	v58 =	vld [tilespmem:s15+$0x30]  }
0xc3: {  	v0 =	vadd.f32 v1, v0;
	v1 =	vld [tilespmem:s7+$0xFFFFFF00];
	v2 =	vadd.f32 v2, v3  }
0xc4: {  	v3 =	vld [tilespmem:s7+$0xFFFFFE90];
	v23 =	vadd.f32 v23, v6;
	v6 =	vadd.f32 v12, v12  }
0xc5: {  	v34 =	vadd.f32 v34, v34;
	v12 =	vadd.f32 v26, v4;
	v26 =	vld [tilespmem:s7+$0x1D0];
	v14 =	vmul.f32 $4.000000000e+00, v14  }
0xc6: {  	v40 =	vadd.f32 v40, v40;
	v61 =	vadd.f32 v30, v6;
	v6 =	vld [tilespmem:s14+$0xFFFFFFA0]  }
0xc7: {  	v22 =	vadd.f32 v42, v22;
	v0 =	vmul.f32 $4.000000000e+00, v0;
	v14 =	vadd.f32 v18, v14;
	v18 =	vld [tilespmem:s14+$0x10]  }
0xc8: {  	v31 =	vadd.f32 v55, v55;
	v5 =	vadd.f32 v5, v5;
	v42 =	vmul.f32 $4.000000000e+00, v23;
	v23 =	vld [tilespmem:s14+$0x60]  }
0xc9: {  	v27 =	vadd.f32 v47, v27;
	v22 =	vmul.f32 $4.000000000e+00, v22;
	v0 =	vadd.f32 v0, v2;
	v2 =	vld [tilespmem:s7+$0x10]  }
0xca: {  	v31 =	vadd.f32 v52, v31;
	v5 =	vadd.f32 v11, v5;
	v11 =	vld [tilespmem:s7+$0x160]  }
0xcb: {  	v22 =	vadd.f32 v37, v22;
	v53 =	vmul.f32 $4.000000000e+00, v61;
	v61 =	vadd.f32 v46, v46;
	v46 =	vld [tilespmem:s15+$0xFFFFFF00]  }
0xcc: {  	v12 =	vmul.f32 $4.000000000e+00, v12;
	v3 =	vadd.f32 v3, v7;
	v7 =	vadd.f32 v10, v10;
	v10 =	vld [tilespmem:s7+$0x190]  }
0xcd: {  	v37 =	vadd.f32 v39, v39;
	v1 =	vadd.f32 v1, v1;
	v4 =	vmul.f32 $4.000000000e+00, v5;
	v5 =	vld [tilespmem:s14+$0xFFFFFF80]  }
0xce: {  	v12 =	vadd.f32 v27, v12;
	v27 =	vadd.f32 v54, v53;
	v53 =	vld [tilespmem:s15+$0xFFFFFEA0]  }
0xcf: {  	v1 =	vadd.f32 v29, v1;
	v29 =	vadd.f32 v57, v57;
	v54 =	vld [tilespmem:s15+$0xFFFFFF20]  }
0xd0: {  	v26 =	vadd.f32 v26, v61;
	v57 =	vld [tilespmem:s15+$0xFFFFFF30];
	v8 =	vadd.f32 v20, v7  }
0xd1: {  	v61 =	vld [tilespmem:s15+$0x50];
	v7 =	vadd.f32 v13, v13;
	v20 =	vadd.f32 v60, v40  }
0xd2: {  	v25 =	vmul.f32 $4.000000000e+00, v25;
	v13 =	vld [tilespmem:s7+$0x1E0];
	v6 =	vadd.f32 v6, v6;
	v2 =	vadd.f32 v2, v2  }
0xd3: {  	v19 =	vmul.f32 $4.000000000e+00, v19;
	v60 =	vld [tilespmem:s15+$0x1F0];
	v30 =	vadd.f32 v1, v4;
	v4 =	vadd.f32 v15, v15  }
0xd4: {  	v40 =	vld [tilespmem:s15+$0x80];
	v29 =	vadd.f32 v59, v29;
	v25 =	vadd.f32 v26, v25  }
0xd5: {  	v1 =	vmul.f32 $4.000000000e+00, v3;
	v3 =	vadd.f32 v32, v7;
	v7 =	vld [tilespmem:s14+$0xFFFFFF90];
	v19 =	vadd.f32 v20, v19  }
0xd6: {  	v14 =	vmul.f32 $1.600000000e+01, v14;
	v32 =	vld [tilespmem:s14+$0x0];
	v11 =	vadd.f32 v11, v11;
	v26 =	vadd.f32 v46, v46  }
0xd7: {  	v0 =	vtrunc.f32 v0;
	v20 =	vld [tilespmem:s15+$0xFFFFFE30];
	v15 =	vadd.f32 v33, v2;
	v2 =	vadd.f32 v16, v16  }
0xd8: {  	v8 =	vmul.f32 $4.000000000e+00, v8;
	v62 =	vadd.f32 v35, v4;
	v4 =	vld [tilespmem:s14+$0xFFFFFFC0];
	v10 =	vadd.f32 v10, v34  }
0xd9: {  	v0 =	vcvt.f32.s32 v0;
	v35 =	vld [tilespmem:s14+$0x20];
	v34 =	vadd.f32 v56, v56;
	v16 =	vadd.f32 v3, v1  }
0xda: {  	v9 =	vmul.f32 $4.000000000e+00, v9;
	v56 =	vld [tilespmem:s15+$0xFFFFFEB0];
	v8 =	vadd.f32 v21, v8;
	v21 =	vadd.f32 v44, v42  }
0xdb: {  	v31 =	vmul.f32 $4.000000000e+00, v31;
	v3 =	vld [tilespmem:s14+$0xFFFFFFB0];
	v14 =	vadd.f32 v19, v14;
	v5 =	vadd.f32 v5, v5  }
0xdc: {  	v30 =	vmul.f32 $1.600000000e+01, v30;
	v1 =	vld [tilespmem:s14+$0xFFFFFFD0];
	v63 =	vadd.f32 v36, v2;
	v9 =	vadd.f32 v62, v9  }
0xdd: {  	v42 =	vld [tilespmem:s15+$0xFFFFFE10];
	v15 =	vmul.f32 $4.000000000e+00, v15;
	v34 =	vadd.f32 v51, v34;
	v11 =	vadd.f32 v13, v11  }
0xde: {  	v28 =	vmul.f32 $4.000000000e+00, v28;
	v44 =	vld [tilespmem:s15+$0xFFFFFE60];
	v27 =	vadd.f32 v27, v30;
	v30 =	vadd.f32 v48, v48  }
0xdf: {  	v12 =	vmul.f32 $1.600000000e+01, v12;
	v0 =	vld.idx.msk [tilespmem:v0+s22+$0x0], $0xffff;
	v10 =	vadd.f32 v10, v15;
	v31 =	vadd.f32 v34, v31  }
0xe0: {  	v2 =	vld [tilespmem:s14+$0xFFFFFFE0];
	v8 =	vmul.f32 $1.600000000e+01, v8;
	v11 =	vadd.f32 v11, v28;
	v7 =	vadd.f32 v7, v7  }
0xe1: {  	s3 =	simm.s32 $0x10D80;
	v36 =	vld [tilespmem:s14+$0x30];
	v21 =	vmul.f32 $1.600000000e+01, v21;
	v5 =	vadd.f32 v32, v5;
	v20 =	vadd.f32 v20, v20  }
0xe2: {  	v62 =	vld [tilespmem:s3+$0xFFFFFFF0];
	v55 =	vmul.f32 $4.000000000e+00, v27;
	v27 =	vadd.f32 v57, v57;
	v8 =	vadd.f32 v22, v8  }
0xe3: {  	v13 =	vld [tilespmem:s15+$0xFFFFFE00];
	v33 =	vmul.f32 $4.000000000e+00, v63;
	v52 =	vadd.f32 v25, v21;
	v6 =	vadd.f32 v35, v6  }
0xe4: {  	v51 =	vld [tilespmem:s15+$0x10];
	v16 =	vmul.f32 $1.600000000e+01, v16;
	v4 =	vadd.f32 v4, v4;
	v22 =	vadd.f32 v54, v54  }
0xe5: {  	v48 =	vld [tilespmem:s15+$0xFFFFFFB0];
	v25 =	vadd.f32 v58, v58;
	v17 =	vadd.f32 v17, v33  }
0xe6: {  	v15 =	vld [tilespmem:s15+$0x170];
	v10 =	vadd.f32 v10, v16;
	v11 =	vadd.f32 v11, v12  }
0xe7: {  	v29 =	vmul.f32 $4.000000000e+00, v29;
	v34 =	vld [tilespmem:s15+$0xFFFFFE50];
	v7 =	vadd.f32 v18, v7;
	v3 =	vadd.f32 v3, v3  }
0xe8: {  	v14 =	vmul.f32 $4.000000000e+00, v14;
	v63 =	vld [tilespmem:s3+$0x70];
	v5 =	vadd.f32 v55, v5;
	v59 =	vadd.f32 v1, v1  }
0xe9: {  	v9 =	vmul.f32 $1.600000000e+01, v9;
	v57 =	vld [tilespmem:s15+$0xFFFFFFE0];
	v18 =	vadd.f32 v56, v20;
	v16 =	vadd.f32 v50, v50  }
0xea: {  	v54 =	vld [tilespmem:s15+$0xFFFFFFD0];
	v31 =	vmul.f32 $1.600000000e+01, v31;
	v20 =	vadd.f32 v40, v30;
	v33 =	vadd.f32 v62, v62  }
0xeb: {  	v58 =	vld [tilespmem:s15+$0x180];
	v4 =	vadd.f32 v24, v4;
	v8 =	vmul.f32 $4.000000000e+00, v8;
	v2 =	vadd.f32 v2, v2  }
0xec: {  	v12 =	vld [tilespmem:s15+$0x20];
	v19 =	vmul.f32 $4.000000000e+00, v52;
	v13 =	vadd.f32 v13, v13;
	v62 =	vadd.f32 v41, v41  }
0xed: {  	v55 =	vld [tilespmem:s15+$0xD0];
	v9 =	vadd.f32 v17, v9;
	v10 =	vmul.f32 $4.000000000e+00, v10;
	v3 =	vadd.f32 v36, v3  }
0xee: {  	v56 =	vld [tilespmem:s15+$0x130];
	v11 =	vmul.f32 $4.000000000e+00, v11;
	v17 =	vadd.f32 v51, v51;
	v15 =	vadd.f32 v15, v15  }
0xef: {  	v41 =	vld [tilespmem:s15+$0xFFFFFF90];
	v5 =	vtrunc.f32 v5;
	v47 =	vadd.f32 v63, v33;
	v2 =	vadd.f32 v23, v2  }
0xf0: {  	v52 =	vld [tilespmem:s15+$0xC0];
	v18 =	vmul.f32 $4.000000000e+00, v18;
	v4 =	vadd.f32 v8, v4;
	v13 =	vadd.f32 v45, v13  }
0xf1: {  	v36 =	vld [tilespmem:s15+$0xFFFFFF60];
	v20 =	vmul.f32 $4.000000000e+00, v20;
	v21 =	vadd.f32 v53, v62;
	v39 =	vadd.f32 v34, v34  }
0xf2: {  	v8 =	vld [tilespmem:s15+$0xFFFFFED0];
	v5 =	vcvt.f32.s32 v5;
	v23 =	vadd.f32 v61, v61;
	v7 =	vadd.f32 v10, v7  }
0xf3: {  	v63 =	vld [tilespmem:s15+$0xFFFFFEE0];
	v9 =	vmul.f32 $4.000000000e+00, v9;
	v3 =	vadd.f32 v14, v3;
	v15 =	vadd.f32 v60, v15  }
0xf4: {  	v45 =	vld [tilespmem:s15+$0xA0];
	v11 =	vadd.f32 v11, v2;
	v2 =	vadd.f32 v42, v42;
	v13 =	vmul.f32 $4.000000000e+00, v13  }
0xf5: {  	v53 =	vld [tilespmem:s15+$0x120];
	v12 =	vadd.f32 v12, v12;
	v21 =	vmul.f32 $4.000000000e+00, v21;
	v23 =	vadd.f32 v55, v23  }
0xf6: {  	v10 =	vld [tilespmem:s15+$0xFFFFFEC0];
	v4 =	vtrunc.f32 v4;
	v40 =	vadd.f32 v56, v56;
	v6 =	vadd.f32 v9, v6  }
0xf7: {  	v14 =	vld [tilespmem:s15+$0x40];
	v16 =	vadd.f32 v41, v16;
	v7 =	vtrunc.f32 v7;
	v15 =	vadd.f32 v15, v29  }
0xf8: {  	v42 =	vld [tilespmem:s15+$0x90];
	v3 =	vtrunc.f32 v3;
	v2 =	vadd.f32 v49, v2;
	v29 =	vadd.f32 v44, v44  }
0xf9: {  	v61 =	vld [tilespmem:s15+$0x1A0];
	v34 =	vcvt.f32.s32 v4;
	v28 =	vadd.f32 v36, v36;
	v8 =	vadd.f32 v8, v39  }
0xfa: {  	v9 =	vld [tilespmem:s15+$0xFFFFFF40];
	v11 =	vtrunc.f32 v11;
	v12 =	vadd.f32 v45, v12;
	v15 =	vadd.f32 v15, v31  }
0xfb: {  	v44 =	vld [tilespmem:s15+$0xFFFFFFA0];
	v36 =	vcvt.f32.s32 v11;
	v11 =	vadd.f32 v53, v53;
	v10 =	vadd.f32 v10, v37  }
0xfc: {  	v51 =	vld [tilespmem:s15+$0xFFFFFFC0];
	v29 =	vadd.f32 v63, v29;
	v14 =	vadd.f32 v14, v14;
	v15 =	vmul.f32 $4.000000000e+00, v15  }
0xfd: {  	v49 =	vld [tilespmem:s15+$0xB0];
	v46 =	vmul.f32 $4.000000000e+00, v2;
	v31 =	vadd.f32 v43, v43;
	v17 =	vadd.f32 v42, v17  }
0xfe: {  	v63 =	vld [tilespmem:s15+$0x1B0];
	v11 =	vadd.f32 v61, v11;
	v12 =	vmul.f32 $4.000000000e+00, v12;
	v15 =	vadd.f32 v15, v47  }
0xff: {  	v7 =	vcvt.f32.s32 v7;
	v16 =	vadd.f32 v16, v46;
	v9 =	vadd.f32 v9, v9;
	v46 =	vld [tilespmem:s3+$0xFFFFFFC0]  }
0x100: {  	v22 =	vadd.f32 v44, v22;
	v11 =	vadd.f32 v11, v12;
	v12 =	vld [tilespmem:s3+$0xFFFFFF90];
	v15 =	vtrunc.f32 v15  }
0x101: {  	v10 =	vmul.f32 $4.000000000e+00, v10;
	v44 =	vld [tilespmem:s3+$0xFFFFFFA0];
	v9 =	vadd.f32 v51, v9;
	v15 =	vcvt.f32.s32 v15  }
0x102: {  	v29 =	vmul.f32 $4.000000000e+00, v29;
	v47 =	vld [tilespmem:s15+$0x100];
	v21 =	vadd.f32 v22, v21;
	v22 =	vadd.f32 v57, v28  }
0x103: {  	v3 =	vcvt.f32.s32 v3;
	v25 =	vadd.f32 v49, v25;
	v9 =	vadd.f32 v9, v10;
	v10 =	vld [tilespmem:s15+$0xE0]  }
0x104: {  	v62 =	vld [tilespmem:s15+$0x150];
	v23 =	vmul.f32 $4.000000000e+00, v23;
	v14 =	vadd.f32 v52, v14;
	v22 =	vadd.f32 v22, v29  }
0x105: {  	v60 =	vld [tilespmem:s15+$0xFFFFFF50];
	v25 =	vmul.f32 $4.000000000e+00, v25;
	v29 =	vadd.f32 v63, v40;
	v57 =	vadd.f32 v46, v46  }
0x106: {  	v41 =	vld [tilespmem:s15+$0x1D0];
	v6 =	vtrunc.f32 v6;
	v12 =	vadd.f32 v12, v12;
	v53 =	vadd.f32 v44, v44  }
0x107: {  	v2 =	vunpack.i.u.bf16.f32 v0;
	v4 =	vadd.f32 v47, v47;
	v25 =	vadd.f32 v29, v25;
	v1 =	vld.idx.msk [tilespmem:v15+s22+$0x0], $0xffff  }
0x108: {  	v0 =	vunpack.i.l.bf16.f32 v0;
	v10 =	vadd.f32 v10, v31;
	v15 =	vadd.f32 v38, v59;
	v38 =	vld [tilespmem:s15+$0xFFFFFF80]  }
0x109: {  	v50 =	vld [tilespmem:s15+$0x110];
	v21 =	vmul.f32 $1.600000000e+01, v21;
	v4 =	vadd.f32 v58, v4;
	v31 =	vadd.f32 v62, v62  }
0x10a: {  	v45 =	vld [tilespmem:s3+$0xFFFFFFB0];
	v6 =	vcvt.f32.s32 v6;
	v15 =	vadd.f32 v19, v15;
	v19 =	vadd.f32 v60, v60  }
0x10b: {  	v8 =	vmul.f32 $4.000000000e+00, v8;
	v11 =	vadd.f32 v11, v21;
	v28 =	vadd.f32 v41, v31;
	v60 =	vld [tilespmem:s15+$0x190]  }
0x10c: {  	v37 =	vld [tilespmem:s15+$0x160];
	v17 =	vmul.f32 $4.000000000e+00, v17;
	v4 =	vadd.f32 v4, v20;
	v19 =	vadd.f32 v54, v19  }
0x10d: {  	v16 =	vmul.f32 $1.600000000e+01, v16;
	v59 =	vld [tilespmem:s15+$0x140];
	v23 =	vadd.f32 v28, v23;
	v24 =	vadd.f32 v38, v26  }
0x10e: {  	v42 =	vld [tilespmem:s15+$0x1E0];
	v14 =	vmul.f32 $4.000000000e+00, v14;
	v26 =	vadd.f32 v50, v50;
	v8 =	vadd.f32 v19, v8  }
0x10f: {  	v9 =	vmul.f32 $1.600000000e+01, v9;
	v38 =	vld [tilespmem:s15+$0x1C0];
	v13 =	vadd.f32 v24, v13;
	v24 =	vadd.f32 v48, v27  }
0x110: {  	v55 =	vld [tilespmem:s3+$0x40];
	v49 =	vmul.f32 $1.600000000e+01, v22;
	v54 =	vadd.f32 v45, v45;
	v19 =	vadd.f32 v60, v26  }
0x111: {  	v47 =	vld [tilespmem:s3+$0xFFFFFFE0];
	v27 =	vadd.f32 v37, v37;
	v8 =	vmul.f32 $1.600000000e+01, v8;
	v18 =	vadd.f32 v24, v18  }
0x112: {  	v43 =	vld [tilespmem:s3+$0xFFFFFF80];
	v13 =	vmul.f32 $1.600000000e+01, v13;
	v17 =	vadd.f32 v19, v17;
	v24 =	vadd.f32 v59, v59  }
0x113: {  	v52 =	vld [tilespmem:s3+$0x30];
	v10 =	vmul.f32 $4.000000000e+00, v10;
	v19 =	vadd.f32 v42, v27;
	v8 =	vadd.f32 v23, v8  }
0x114: {  	v56 =	vmul.f32 $4.000000000e+00, v11;
	v24 =	vadd.f32 v38, v24;
	v4 =	vadd.f32 v4, v13;
	v13 =	vld [tilespmem:s3+$0xFFFFFFD0]  }
0x115: {  	v48 =	vld [tilespmem:s3+$0x0];
	v18 =	vmul.f32 $1.600000000e+01, v18;
	v16 =	vadd.f32 v17, v16;
	v10 =	vadd.f32 v19, v10  }
0x116: {  	v15 =	vtrunc.f32 v15;
	v50 =	vld [tilespmem:s3+$0x10];
	v17 =	vadd.f32 v47, v47;
	v14 =	vadd.f32 v24, v14  }
0x117: {  	v51 =	vld [tilespmem:s3+$0x20];
	v15 =	vcvt.f32.s32 v15;
	v18 =	vadd.f32 v25, v18;
	v10 =	vadd.f32 v10, v49  }
0x118: {  	v58 =	vld [tilespmem:s3+$0x50];
	v4 =	vmul.f32 $4.000000000e+00, v4;
	v9 =	vadd.f32 v14, v9;
	v14 =	vadd.f32 v43, v43  }
0x119: {  	v16 =	vmul.f32 $4.000000000e+00, v16;
	v18 =	vmul.f32 $4.000000000e+00, v18;
	v59 =	vadd.f32 v13, v13;
	v13 =	vld.idx.msk [tilespmem:v5+s22+$0x0], $0xffff  }
0x11a: {  	v62 =	vmul.f32 $4.000000000e+00, v10;
	v5 =	vadd.f32 v52, v54;
	v11 =	vadd.f32 v48, v14;
	v14 =	vld [tilespmem:s3+$0x60]  }
0x11b: {  	v10 =	vadd.f32 v55, v57;
	v60 =	vmul.f32 $4.000000000e+00, v9;
	v9 =	vadd.f32 v50, v12  }
0x11c: {  	v61 =	vmul.f32 $4.000000000e+00, v8;
	v8 =	vld.idx.msk [tilespmem:v3+s22+$0x0], $0xffff;
	v12 =	vadd.f32 v51, v53;
	v63 =	vadd.f32 v18, v5  }
0x11d: {  	s12 =	simm.s32 $0x14C80;
	v39 =	vunpack.i.u.bf16.f32 v1;
	v4 =	vadd.f32 v4, v11;
	v11 =	vld.idx.msk [tilespmem:v7+s22+$0x0], $0xffff;
	v9 =	vadd.f32 v16, v9  }
0x11e: {  	[tilespmem:s12+$0x70] =	vst v2;
	v1 =	vunpack.i.l.bf16.f32 v1;
	v7 =	vld.idx.msk [tilespmem:v6+s22+$0x0], $0xffff;
	v6 =	vadd.f32 v56, v12;
	v12 =	vadd.f32 v58, v59  }
0x11f: {  	s11 =	simm.s32 $0x14D80;
	[tilespmem:s12+$0xFFFFFFF0] =	vst v0;
	v2 =	vtrunc.f32 v4;
	v4 =	vtrunc.f32 v9;
	v9 =	vld.idx.msk [tilespmem:v34+s22+$0x0], $0xffff;
	v17 =	vadd.f32 v14, v17  }
0x120: {  	[tilespmem:s11+$0x70] =	vst v39;
	v5 =	vtrunc.f32 v6;
	v6 =	vadd.f32 v60, v10;
	v3 =	vadd.f32 v61, v12;
	v10 =	vld.idx.msk [tilespmem:v15+s22+$0x0], $0xffff  }
0x121: {  	s13 =	simm.s32 $0x8;
	s7 =	sshll.u32 s21, $0xD;
	s14 =	simm.s32 $0x1600;
	[tilespmem:s11+$0xFFFFFFF0] =	vst v1;
	v12 =	vld.idx.msk [tilespmem:v36+s22+$0x0], $0xffff;
	v0 =	vcvt.f32.s32 v2;
	v14 =	vtrunc.f32 v63;
	v2 =	vadd.f32 v62, v17  }
.LBB2_7:
0x122: {  	v15 =	vld [tilespmem:s14+$0xFFFFFFF0];
	v1 =	vtrunc.f32 v6;
	v16 =	vtrunc.f32 v3;
	v3 =	vunpack.i.u.bf16.f32 v13  }
0x123: {  	v4 =	vcvt.f32.s32 v4;
	v17 =	vld [tilespmem:s14+$0xFFFFFEF0];
	v18 =	vtrunc.f32 v2;
	v2 =	vunpack.i.l.bf16.f32 v13;
	[tilespmem:s12+$0x0] =	vst v3  }
0x124: {  	s13 =	sadd.s32 $0x8, s13;
	v6 =	vcvt.f32.s32 v5;
	v3 =	vcvt.f32.s32 v14;
	v14 =	vunpack.i.u.bf16.f32 v11;
	v13 =	vld [tilespmem:s14+$0xFFFFFE70];
	[tilespmem:s12+$0xFFFFFF80] =	vst v2  }
0x125: {  	p1 =	slt.u32 s13, $0x78;
	v5 =	vcvt.f32.s32 v1;
	v11 =	vunpack.i.l.bf16.f32 v11;
	v2 =	vcvt.f32.s32 v16;
	v19 =	vld [tilespmem:s14+$0xFFFFFF70];
	[tilespmem:s12+$0x10] =	vst v14  }
0x126: {  	v1 =	vcvt.f32.s32 v18;
	v14 =	vld [tilespmem:s14+$0x70];
	[tilespmem:s12+$0xFFFFFF90] =	vst v11;
	v11 =	vunpack.i.u.bf16.f32 v7;
	v7 =	vunpack.i.l.bf16.f32 v7  }
0x127: {  	v18 =	vunpack.i.u.bf16.f32 v9;
	v16 =	vld [tilespmem:s14+$0x170];
	[tilespmem:s12+$0xFFFFFFA0] =	vst v7;
	v7 =	vunpack.i.u.bf16.f32 v8;
	v8 =	vunpack.i.l.bf16.f32 v8  }
0x128: {  	v9 =	vunpack.i.l.bf16.f32 v9;
	v20 =	vld [tilespmem:s14+$0xF0];
	[tilespmem:s12+$0x20] =	vst v11;
	v11 =	vunpack.i.u.bf16.f32 v10;
	v10 =	vunpack.i.l.bf16.f32 v10  }
0x129: {  	v21 =	vld [tilespmem:s14+$0xFFFFFE10];
	v13 =	vadd.f32 v13, v13;
	[tilespmem:s12+$0xFFFFFFB0] =	vst v8;
	v8 =	vunpack.i.u.bf16.f32 v12;
	v12 =	vunpack.i.l.bf16.f32 v12  }
0x12a: {  	v22 =	vld [tilespmem:s14+$0x1F0];
	v19 =	vadd.f32 v19, v19;
	[tilespmem:s12+$0x30] =	vst v7  }
0x12b: {  	v7 =	vld [tilespmem:s14+$0xFFFFFE20];
	v13 =	vadd.f32 v17, v13;
	v14 =	vadd.f32 v14, v14;
	[tilespmem:s12+$0xFFFFFFC0] =	vst v9  }
0x12c: {  	v9 =	vld [tilespmem:s14+$0xFFFFFE30];
	v16 =	vadd.f32 v16, v16;
	[tilespmem:s12+$0x40] =	vst v18  }
0x12d: {  	s3 =	sadd.s32 $0x100, s3;
	v15 =	vadd.f32 v15, v19;
	v17 =	vld [tilespmem:s14+$0xFFFFFE40];
	v14 =	vadd.f32 v20, v14;
	v13 =	vmul.f32 $4.000000000e+00, v13;
	[tilespmem:s12+$0xFFFFFFD0] =	vst v10  }
0x12e: {  	v10 =	vadd.f32 v21, v21;
	v18 =	vld [tilespmem:s3+$0xFFFFFFF0];
	[tilespmem:s12+$0x50] =	vst v11  }
0x12f: {  	v11 =	vld [tilespmem:s14+$0xFFFFFE50];
	v16 =	vadd.f32 v22, v16;
	v13 =	vadd.f32 v15, v13;
	v14 =	vmul.f32 $4.000000000e+00, v14;
	[tilespmem:s12+$0xFFFFFFE0] =	vst v12  }
0x130: {  	v7 =	vadd.f32 v7, v7;
	v12 =	vld [tilespmem:s3+$0x70];
	[tilespmem:s12+$0x60] =	vst v8;
	s12 =	smov.u32 s11  }
0x131: {  	v8 =	vadd.f32 v9, v9;
	v9 =	vld [tilespmem:s14+$0xFFFFFE60];
	v14 =	vadd.f32 v16, v14;
	v13 =	vmul.f32 $1.600000000e+01, v13  }
0x132: {  	v15 =	vld [tilespmem:s14+$0xFFFFFE00];
	v16 =	vadd.f32 v17, v17  }
0x133: {  	v17 =	vld [tilespmem:s14+$0xFFFFFE80];
	v18 =	vadd.f32 v18, v18;
	v13 =	vadd.f32 v14, v13  }
0x134: {  	v14 =	vld [tilespmem:s14+$0xFFFFFF00];
	v11 =	vadd.f32 v11, v11  }
0x135: {  	v19 =	vld [tilespmem:s14+$0x0];
	v12 =	vadd.f32 v12, v18;
	v13 =	vmul.f32 $4.000000000e+00, v13  }
0x136: {  	v18 =	vld [tilespmem:s14+$0xFFFFFE90];
	v9 =	vadd.f32 v9, v9  }
0x137: {  	v15 =	vadd.f32 v15, v15;
	v20 =	vld [tilespmem:s14+$0xFFFFFF10];
	v12 =	vadd.f32 v13, v12  }
0x138: {  	v13 =	vld [tilespmem:s14+$0x10]  }
0x139: {  	v15 =	vadd.f32 v17, v15;
	v14 =	vadd.f32 v14, v14;
	v17 =	vld [tilespmem:s14+$0xFFFFFEA0];
	v12 =	vtrunc.f32 v12  }
0x13a: {  	v19 =	vadd.f32 v19, v19;
	v21 =	vld [tilespmem:s14+$0xFFFFFF20];
	v12 =	vcvt.f32.s32 v12  }
0x13b: {  	v15 =	vmul.f32 $4.000000000e+00, v15;
	v10 =	vadd.f32 v18, v10;
	v18 =	vld [tilespmem:s14+$0x20]  }
0x13c: {  	v20 =	vadd.f32 v20, v20;
	v22 =	vld [tilespmem:s14+$0xFFFFFEB0]  }
0x13d: {  	v13 =	vadd.f32 v13, v13;
	v10 =	vmul.f32 $4.000000000e+00, v10;
	v23 =	vld [tilespmem:s14+$0xFFFFFF30]  }
0x13e: {  	v7 =	vadd.f32 v17, v7;
	v17 =	vld [tilespmem:s14+$0x30]  }
0x13f: {  	v21 =	vadd.f32 v21, v21;
	v24 =	vld [tilespmem:s14+$0xFFFFFEC0]  }
0x140: {  	v18 =	vadd.f32 v18, v18;
	v7 =	vmul.f32 $4.000000000e+00, v7;
	v12 =	vld.idx.msk [tilespmem:v12+s22+$0x0], $0xffff  }
0x141: {  	v8 =	vadd.f32 v22, v8;
	v22 =	vld [tilespmem:s14+$0xFFFFFF40]  }
0x142: {  	v23 =	vadd.f32 v23, v23;
	v25 =	vld [tilespmem:s14+$0x40]  }
0x143: {  	v17 =	vadd.f32 v17, v17;
	v8 =	vmul.f32 $4.000000000e+00, v8;
	v26 =	vld [tilespmem:s14+$0xFFFFFED0]  }
0x144: {  	v16 =	vadd.f32 v24, v16;
	v24 =	vld [tilespmem:s14+$0xFFFFFF50]  }
0x145: {  	v27 =	vld [tilespmem:s14+$0x50]  }
0x146: {  	s11 =	sadd.s32 $0x100, s11;
	v29 =	vunpack.i.u.bf16.f32 v12;
	v22 =	vadd.f32 v22, v22;
	v16 =	vmul.f32 $4.000000000e+00, v16;
	v28 =	vld [tilespmem:s14+$0xFFFFFEE0]  }
0x147: {  	v12 =	vunpack.i.l.bf16.f32 v12;
	v25 =	vadd.f32 v25, v25;
	v30 =	vld [tilespmem:s14+$0xFFFFFF60];
	[tilespmem:s11+$0x70] =	vst v29  }
0x148: {  	v11 =	vadd.f32 v26, v11;
	v26 =	vld [tilespmem:s14+$0x60];
	[tilespmem:s11+$0xFFFFFFF0] =	vst v12  }
0x149: {  	v12 =	vld [tilespmem:s14+$0xFFFFFF80];
	v24 =	vadd.f32 v24, v24  }
0x14a: {  	v29 =	vld [tilespmem:s14+$0x80];
	v27 =	vadd.f32 v27, v27;
	v11 =	vmul.f32 $4.000000000e+00, v11  }
0x14b: {  	v31 =	vld [tilespmem:s14+$0x100];
	v9 =	vadd.f32 v28, v9  }
0x14c: {  	v28 =	vld [tilespmem:s14+$0xFFFFFF90];
	v30 =	vadd.f32 v30, v30  }
0x14d: {  	v32 =	vld [tilespmem:s14+$0x90];
	v26 =	vadd.f32 v26, v26;
	v9 =	vmul.f32 $4.000000000e+00, v9  }
0x14e: {  	v12 =	vadd.f32 v12, v14;
	v14 =	vld [tilespmem:s14+$0x110]  }
0x14f: {  	v19 =	vadd.f32 v29, v19;
	v29 =	vld [tilespmem:s14+$0xFFFFFFA0]  }
0x150: {  	v31 =	vadd.f32 v31, v31;
	v12 =	vadd.f32 v12, v15;
	v15 =	vld [tilespmem:s14+$0xA0]  }
0x151: {  	v19 =	vmul.f32 $4.000000000e+00, v19;
	v20 =	vadd.f32 v28, v20;
	v28 =	vld [tilespmem:s14+$0x120]  }
0x152: {  	v12 =	vmul.f32 $1.600000000e+01, v12;
	v13 =	vadd.f32 v32, v13;
	v32 =	vld [tilespmem:s14+$0xFFFFFFB0]  }
0x153: {  	v14 =	vadd.f32 v14, v14;
	v10 =	vadd.f32 v20, v10;
	v20 =	vld [tilespmem:s14+$0xB0]  }
0x154: {  	v13 =	vmul.f32 $4.000000000e+00, v13;
	v21 =	vadd.f32 v29, v21;
	v29 =	vld [tilespmem:s14+$0x130]  }
0x155: {  	v10 =	vmul.f32 $1.600000000e+01, v10;
	v15 =	vadd.f32 v15, v18;
	v18 =	vld [tilespmem:s14+$0xFFFFFFC0]  }
0x156: {  	v28 =	vadd.f32 v28, v28;
	v7 =	vadd.f32 v21, v7;
	v21 =	vld [tilespmem:s14+$0xC0]  }
0x157: {  	v15 =	vmul.f32 $4.000000000e+00, v15;
	v23 =	vadd.f32 v32, v23;
	v32 =	vld [tilespmem:s14+$0x140]  }
0x158: {  	v7 =	vmul.f32 $1.600000000e+01, v7;
	v17 =	vadd.f32 v20, v17;
	v20 =	vld [tilespmem:s14+$0xFFFFFFD0]  }
0x159: {  	v29 =	vadd.f32 v29, v29;
	v8 =	vadd.f32 v23, v8;
	v23 =	vld [tilespmem:s14+$0xD0]  }
0x15a: {  	v17 =	vmul.f32 $4.000000000e+00, v17;
	v18 =	vadd.f32 v18, v22;
	v22 =	vld [tilespmem:s14+$0x150]  }
0x15b: {  	v8 =	vmul.f32 $1.600000000e+01, v8;
	v21 =	vadd.f32 v21, v25;
	v25 =	vld [tilespmem:s14+$0xFFFFFFE0]  }
0x15c: {  	v32 =	vadd.f32 v32, v32;
	v16 =	vadd.f32 v18, v16;
	v18 =	vld [tilespmem:s14+$0xE0]  }
0x15d: {  	v21 =	vmul.f32 $4.000000000e+00, v21;
	v20 =	vadd.f32 v20, v24;
	v24 =	vld [tilespmem:s14+$0x160]  }
0x15e: {  	v33 =	vld [tilespmem:s14+$0x180];
	v16 =	vmul.f32 $1.600000000e+01, v16;
	v23 =	vadd.f32 v23, v27  }
0x15f: {  	v27 =	vld [tilespmem:s14+$0x190];
	v22 =	vadd.f32 v22, v22;
	v11 =	vadd.f32 v20, v11  }
0x160: {  	v20 =	vld [tilespmem:s14+$0x1A0];
	v23 =	vmul.f32 $4.000000000e+00, v23;
	v25 =	vadd.f32 v25, v30  }
0x161: {  	v30 =	vld [tilespmem:s14+$0x1B0];
	v11 =	vmul.f32 $1.600000000e+01, v11;
	v18 =	vadd.f32 v18, v26  }
0x162: {  	v26 =	vld [tilespmem:s14+$0x1C0];
	v24 =	vadd.f32 v24, v24;
	v9 =	vadd.f32 v25, v9  }
0x163: {  	v25 =	vadd.f32 v33, v31;
	v31 =	vld [tilespmem:s14+$0x1D0];
	v18 =	vmul.f32 $4.000000000e+00, v18  }
0x164: {  	v14 =	vadd.f32 v27, v14;
	v27 =	vld [tilespmem:s14+$0x1E0];
	v9 =	vmul.f32 $1.600000000e+01, v9  }
0x165: {  	v33 =	vld [tilespmem:s3+$0xFFFFFF80];
	v19 =	vadd.f32 v25, v19;
	v20 =	vadd.f32 v20, v28  }
0x166: {  	v25 =	vld [tilespmem:s3+$0xFFFFFF90];
	v13 =	vadd.f32 v14, v13;
	v14 =	vadd.f32 v30, v29  }
0x167: {  	v28 =	vld [tilespmem:s3+$0xFFFFFFA0];
	v15 =	vadd.f32 v20, v15;
	v20 =	vadd.f32 v26, v32  }
0x168: {  	v26 =	vld [tilespmem:s3+$0xFFFFFFB0];
	v14 =	vadd.f32 v14, v17;
	v17 =	vadd.f32 v31, v22  }
0x169: {  	v22 =	vld [tilespmem:s3+$0xFFFFFFC0];
	v20 =	vadd.f32 v20, v21;
	v21 =	vadd.f32 v27, v24  }
0x16a: {  	v12 =	vadd.f32 v19, v12;
	v19 =	vld [tilespmem:s3+$0xFFFFFFD0];
	v17 =	vadd.f32 v17, v23  }
0x16b: {  	v10 =	vadd.f32 v13, v10;
	v13 =	vld [tilespmem:s3+$0xFFFFFFE0];
	v18 =	vadd.f32 v21, v18  }
0x16c: {  	v12 =	vmul.f32 $4.000000000e+00, v12;
	v7 =	vadd.f32 v15, v7;
	v8 =	vadd.f32 v14, v8;
	v21 =	vld [tilespmem:s3+$0x0]  }
0x16d: {  	v10 =	vmul.f32 $4.000000000e+00, v10;
	v15 =	vadd.f32 v20, v16;
	v11 =	vadd.f32 v17, v11;
	v14 =	vld [tilespmem:s3+$0x10]  }
0x16e: {  	v16 =	vadd.f32 v33, v33;
	v20 =	vmul.f32 $4.000000000e+00, v7;
	v7 =	vadd.f32 v18, v9;
	v17 =	vld [tilespmem:s3+$0x20]  }
0x16f: {  	v24 =	vmul.f32 $4.000000000e+00, v8;
	v9 =	vadd.f32 v25, v25;
	v18 =	vadd.f32 v28, v28;
	v23 =	vld [tilespmem:s3+$0x30]  }
0x170: {  	v8 =	vadd.f32 v26, v26;
	v15 =	vmul.f32 $4.000000000e+00, v15;
	v22 =	vadd.f32 v22, v22;
	v25 =	vld [tilespmem:s3+$0x40]  }
0x171: {  	v27 =	vmul.f32 $4.000000000e+00, v11;
	v19 =	vadd.f32 v19, v19;
	v28 =	vadd.f32 v13, v13;
	v26 =	vld [tilespmem:s3+$0x50]  }
0x172: {  	v11 =	vadd.f32 v21, v16;
	v16 =	vmul.f32 $4.000000000e+00, v7;
	v9 =	vadd.f32 v14, v9;
	v14 =	vld [tilespmem:s3+$0x60]  }
0x173: {  	v17 =	vadd.f32 v17, v18;
	v13 =	vld.idx.msk [tilespmem:v0+s22+$0x0], $0xffff  }
0x174: {  	v0 =	vadd.f32 v12, v11;
	v12 =	vadd.f32 v23, v8;
	v11 =	vld.idx.msk [tilespmem:v4+s22+$0x0], $0xffff  }
.Ltmp4:
0x175: {  	v4 =	vadd.f32 v10, v9;
	v10 =	vadd.f32 v25, v22;
	v7 =	vld.idx.msk [tilespmem:v6+s22+$0x0], $0xffff;
	(pc) =	sbr.rel @p1 .LBB2_7-.Ltmp4, $4  }
0x176: {  	v0 =	vtrunc.f32 v0;
	v6 =	vadd.f32 v20, v17;
	v17 =	vadd.f32 v26, v19;
	v8 =	vld.idx.msk [tilespmem:v3+s22+$0x0], $0xffff  }
0x177: {  	v4 =	vtrunc.f32 v4;
	v12 =	vadd.f32 v24, v12;
	v18 =	vadd.f32 v14, v28;
	v9 =	vld.idx.msk [tilespmem:v5+s22+$0x0], $0xffff  }
0x178: {  	v5 =	vtrunc.f32 v6;
	v6 =	vadd.f32 v15, v10;
	v3 =	vadd.f32 v27, v17;
	v10 =	vld.idx.msk [tilespmem:v2+s22+$0x0], $0xffff  }
0x179: {  	s14 =	sadd.s32 $0x400, s14;
	v0 =	vcvt.f32.s32 v0;
	v14 =	vtrunc.f32 v12;
	v2 =	vadd.f32 v16, v18;
	v12 =	vld.idx.msk [tilespmem:v1+s22+$0x0], $0xffff  }
0x17a: {  	v1 =	vunpack.i.u.bf16.f32 v13  }
0x17b: {  	v13 =	vunpack.i.l.bf16.f32 v13;
	[tilespmem:s12+$0x0] =	vst v1  }
0x17c: {  	[tilespmem:s12+$0xFFFFFF80] =	vst v13;
	v1 =	vunpack.i.u.bf16.f32 v11  }
0x17d: {  	v11 =	vunpack.i.l.bf16.f32 v11;
	[tilespmem:s12+$0x10] =	vst v1  }
0x17e: {  	[tilespmem:s12+$0xFFFFFF90] =	vst v11;
	v1 =	vunpack.i.l.bf16.f32 v7  }
0x17f: {  	v4 =	vcvt.f32.s32 v4;
	v7 =	vunpack.i.u.bf16.f32 v7;
	[tilespmem:s12+$0xFFFFFFA0] =	vst v1  }
0x180: {  	v1 =	vunpack.i.l.bf16.f32 v8;
	[tilespmem:s12+$0x20] =	vst v7  }
0x181: {  	v5 =	vcvt.f32.s32 v5;
	v7 =	vunpack.i.u.bf16.f32 v8;
	[tilespmem:s12+$0xFFFFFFB0] =	vst v1  }
0x182: {  	v8 =	vunpack.i.u.bf16.f32 v9;
	[tilespmem:s12+$0x30] =	vst v7  }
0x183: {  	v0 =	vld.idx.msk [tilespmem:v0+s22+$0x0], $0xffff;
	v1 =	vunpack.i.l.bf16.f32 v9;
	v7 =	vcvt.f32.s32 v14;
	[tilespmem:s12+$0x40] =	vst v8  }
0x184: {  	v8 =	vunpack.i.u.bf16.f32 v10;
	[tilespmem:s12+$0xFFFFFFC0] =	vst v1;
	v1 =	vtrunc.f32 v6  }
0x185: {  	v6 =	vunpack.i.l.bf16.f32 v10;
	[tilespmem:s12+$0x50] =	vst v8;
	v1 =	vcvt.f32.s32 v1;
	v4 =	vld.idx.msk [tilespmem:v4+s22+$0x0], $0xffff  }
0x186: {  	v3 =	vtrunc.f32 v3;
	v8 =	vunpack.i.u.bf16.f32 v12;
	[tilespmem:s12+$0xFFFFFFD0] =	vst v6  }
0x187: {  	v3 =	vcvt.f32.s32 v3;
	v6 =	vunpack.i.l.bf16.f32 v12;
	v5 =	vld.idx.msk [tilespmem:v5+s22+$0x0], $0xffff;
	[tilespmem:s12+$0x60] =	vst v8  }
0x188: {  	v2 =	vtrunc.f32 v2;
	[tilespmem:s12+$0xFFFFFFE0] =	vst v6;
	v6 =	vunpack.i.u.bf16.f32 v0  }
0x189: {  	v2 =	vcvt.f32.s32 v2;
	v0 =	vunpack.i.l.bf16.f32 v0;
	[tilespmem:s11+$0x0] =	vst v6;
	v7 =	vld.idx.msk [tilespmem:v7+s22+$0x0], $0xffff  }
0x18a: {  	[tilespmem:s11+$0xFFFFFF80] =	vst v0;
	v0 =	vunpack.i.u.bf16.f32 v4  }
0x18b: {  	v4 =	vunpack.i.l.bf16.f32 v4;
	v1 =	vld.idx.msk [tilespmem:v1+s22+$0x0], $0xffff;
	[tilespmem:s11+$0x10] =	vst v0  }
0x18c: {  	[tilespmem:s11+$0xFFFFFF90] =	vst v4;
	v0 =	vunpack.i.l.bf16.f32 v5  }
0x18d: {  	v3 =	vld.idx.msk [tilespmem:v3+s22+$0x0], $0xffff;
	v4 =	vunpack.i.u.bf16.f32 v5;
	[tilespmem:s11+$0xFFFFFFA0] =	vst v0  }
0x18e: {  	[tilespmem:s11+$0x20] =	vst v4;
	v0 =	vunpack.i.l.bf16.f32 v7  }
0x18f: {  	v2 =	vld.idx.msk [tilespmem:v2+s22+$0x0], $0xffff;
	v4 =	vunpack.i.u.bf16.f32 v7;
	[tilespmem:s11+$0xFFFFFFB0] =	vst v0  }
0x190: {  	[tilespmem:s11+$0x30] =	vst v4;
	v0 =	vunpack.i.l.bf16.f32 v1  }
0x191: {  	v1 =	vunpack.i.u.bf16.f32 v1;
	[tilespmem:s11+$0xFFFFFFC0] =	vst v0  }
0x192: {  	v0 =	vunpack.i.l.bf16.f32 v3;
	[tilespmem:s11+$0x40] =	vst v1  }
0x193: {  	s3 =	sshll.u32 s21, $0xE;
	v1 =	vunpack.i.u.bf16.f32 v3;
	[tilespmem:s11+$0xFFFFFFD0] =	vst v0  }
0x194: {  	s3 =	sadd.s32 s16, s3;
	v0 =	vunpack.i.l.bf16.f32 v2;
	[tilespmem:s11+$0x50] =	vst v1  }
0x195: {  	s3 =	sshrl.u32 s3, $0x3;
	v1 =	vunpack.i.u.bf16.f32 v2;
	[tilespmem:s11+$0xFFFFFFE0] =	vst v0  }
0x196: {  	p1 =	seq.s32 s21, $0x3;
	s3 =	sadd.s32 s4, s3;
	[tilespmem:s11+$0x60] =	vst v1  }
0x197: {  	[hbm4b:s3+s5] =	stream.linear.scatter [tilespmem:s25], [sflag:$0x5], $0x1000, $0x38;
	[tilespmem:$0x18C00] =	vst v63  }
0x198: {  	s13 =	simm.s32 @!p1 $0xC00;
	s3 =	sadd.s32 @!p1 s7, s17  }
0x199: {  	s12 =	simm.s32 @!p1 $0x0;
	s11 =	sadd.s32 @!p1 s1, s3;
	s3 =	sadd.s32 @!p1 s3, s8  }
0x19a: {  	[tilespmem:s13], [sflag:$0x1] =	stream.linear.gather @!p1 [hbm4b:s11+s12], $0x4000, $0x38;
	[tilespmem:$0x18C00] =	vst v63  }
0x19b: {  	s11 =	simm.s32 @!p1 $0x100;
	s12 =	simm.s32 @!p1 $0x400;
	s13 =	simm.s32 @!p1 $0x10C00  }
0x19c: {  	[tilespmem:s13], [sflag:$0x1] =	stream.strided.gather @!p1 [hbm4b:s3+s11], $0x1000, s12, s11, $0x38;
	[tilespmem:$0x18C00] =	vst v63  }
0x19d: {  	_ =	swait.ge [sflag:s26], $0x4000  }
0x19e: {  	[sflag:s26] =	ssyncset.done $0x0  }
0x19f: {  	[sflag:s26] =	ssyncadd.s32 $0xFFFFC000  }
0x1a0: {  	_ =	swait.ge [sflag:s26], $0x1000  }
0x1a1: {  	[sflag:s26] =	ssyncset.done $0x0  }
0x1a2: {  	s3 =	simm.s32 @!p0 $0x6;
	[sflag:s26] =	ssyncadd.s32 $0xFFFFF000  }
0x1a3: {  	_ =	swait.ge @!p0 [sflag:s3], $0x1000  }
0x1a4: {  	[sflag:s3] =	ssyncset.done @!p0 $0x0  }
0x1a5: {  	s13 =	simm.s32 $0x4E00;
	[sflag:s3] =	ssyncadd.s32 @!p0 $0xFFFFF000  }
0x1a6: {  	v0 =	vld [tilespmem:s13+$0xFFFFFFF0]  }
0x1a7: {  	v1 =	vld [tilespmem:s13+$0xFFFFFEF0]  }
0x1a8: {  	v2 =	vld [tilespmem:s13+$0xFFFFFE70]  }
0x1a9: {  	v3 =	vld [tilespmem:s13+$0xFFFFFF70]  }
0x1aa: {  	v4 =	vld [tilespmem:s13+$0x70]  }
0x1ab: {  	v5 =	vld [tilespmem:s13+$0x170]  }
0x1ac: {  	v6 =	vld [tilespmem:s13+$0xF0]  }
0x1ad: {  	v7 =	vld [tilespmem:s13+$0xFFFFFE10]  }
0x1ae: {  	v8 =	vld [tilespmem:s13+$0x1F0]  }
0x1af: {  	v9 =	vld [tilespmem:s13+$0xFFFFFE20]  }
0x1b0: {  	v10 =	vld [tilespmem:s13+$0xFFFFFE40]  }
0x1b1: {  	v11 =	vld [tilespmem:s13+$0xFFFFFE80]  }
0x1b2: {  	v12 =	vld [tilespmem:s13+$0x0]  }
0x1b3: {  	v13 =	vld [tilespmem:s13+$0xFFFFFF10]  }
0x1b4: {  	v14 =	vld [tilespmem:s13+$0xFFFFFEA0]  }
0x1b5: {  	v15 =	vld [tilespmem:s13+$0xFFFFFF20]  }
0x1b6: {  	v16 =	vld [tilespmem:s13+$0x20]  }
0x1b7: {  	v17 =	vld [tilespmem:s13+$0xFFFFFEB0]  }
0x1b8: {  	v18 =	vld [tilespmem:s13+$0xFFFFFF30]  }
0x1b9: {  	v19 =	vld [tilespmem:s13+$0x30]  }
0x1ba: {  	v20 =	vld [tilespmem:s13+$0xFFFFFEC0]  }
0x1bb: {  	v21 =	vld [tilespmem:s13+$0xFFFFFF40]  }
0x1bc: {  	v22 =	vld [tilespmem:s13+$0x40]  }
0x1bd: {  	v23 =	vld [tilespmem:s13+$0xFFFFFED0]  }
0x1be: {  	v24 =	vld [tilespmem:s13+$0xFFFFFF50]  }
0x1bf: {  	v25 =	vld [tilespmem:s13+$0x50]  }
0x1c0: {  	v26 =	vld [tilespmem:s13+$0xFFFFFEE0]  }
0x1c1: {  	v27 =	vld [tilespmem:s13+$0xFFFFFF60]  }
0x1c2: {  	v28 =	vld [tilespmem:s13+$0x60]  }
0x1c3: {  	v29 =	vld [tilespmem:s13+$0xFFFFFF80]  }
0x1c4: {  	v30 =	vld [tilespmem:s13+$0x80]  }
0x1c5: {  	v31 =	vld [tilespmem:s13+$0x100]  }
0x1c6: {  	v32 =	vld [tilespmem:s13+$0xFFFFFF90]  }
0x1c7: {  	v33 =	vld [tilespmem:s13+$0x90]  }
0x1c8: {  	v34 =	vld [tilespmem:s13+$0x110]  }
0x1c9: {  	v35 =	vld [tilespmem:s13+$0xFFFFFFA0]  }
0x1ca: {  	v36 =	vld [tilespmem:s13+$0xA0]  }
0x1cb: {  	v37 =	vld [tilespmem:s13+$0x120]  }
0x1cc: {  	v38 =	vld [tilespmem:s13+$0xFFFFFFB0]  }
0x1cd: {  	v39 =	vld [tilespmem:s13+$0xB0]  }
0x1ce: {  	v40 =	vld [tilespmem:s13+$0x130]  }
0x1cf: {  	v41 =	vld [tilespmem:s13+$0xFFFFFFC0]  }
0x1d0: {  	v42 =	vld [tilespmem:s13+$0xC0]  }
0x1d1: {  	v43 =	vld [tilespmem:s13+$0x140]  }
0x1d2: {  	v44 =	vld [tilespmem:s13+$0xFFFFFFD0]  }
0x1d3: {  	v45 =	vld [tilespmem:s13+$0xD0]  }
0x1d4: {  	v46 =	vld [tilespmem:s13+$0x150]  }
0x1d5: {  	v47 =	vld [tilespmem:s13+$0xFFFFFFE0]  }
0x1d6: {  	v48 =	vld [tilespmem:s13+$0xE0]  }
0x1d7: {  	v49 =	vld [tilespmem:s13+$0x180]  }
0x1d8: {  	v59 =	vld [tilespmem:s13+$0x1A0]  }
0x1d9: {  	v60 =	vld [tilespmem:s13+$0x1B0]  }
0x1da: {  	s15 =	simm.s32 $0x5200;
	v50 =	vld [tilespmem:s13+$0x1C0]  }
0x1db: {  	v51 =	vld [tilespmem:s15+$0xFFFFFFF0]  }
0x1dc: {  	v52 =	vld [tilespmem:s15+$0xFFFFFEF0]  }
0x1dd: {  	v55 =	vld [tilespmem:s15+$0xFFFFFE70]  }
0x1de: {  	v56 =	vld [tilespmem:s15+$0xFFFFFF70];
	v2 =	vadd.f32 v2, v2;
	v3 =	vadd.f32 v3, v3  }
0x1df: {  	v57 =	vld [tilespmem:s15+$0x70];
	v5 =	vadd.f32 v5, v5;
	v7 =	vadd.f32 v7, v7  }
0x1e0: {  	v9 =	vadd.f32 v9, v9;
	v58 =	vadd.f32 v43, v43;
	v43 =	vld [tilespmem:s15+$0x60]  }
0x1e1: {  	s14 =	simm.s32 $0x11C80;
	v1 =	vadd.f32 v1, v2;
	v2 =	vadd.f32 v4, v4;
	v4 =	vld [tilespmem:s13+$0xFFFFFE30]  }
0x1e2: {  	v24 =	vadd.f32 v24, v24;
	v0 =	vadd.f32 v0, v3;
	v3 =	vld [tilespmem:s14+$0xFFFFFFF0]  }
0x1e3: {  	v18 =	vadd.f32 v18, v18;
	v5 =	vadd.f32 v8, v5;
	v8 =	vld [tilespmem:s13+$0xFFFFFE60]  }
0x1e4: {  	v21 =	vadd.f32 v21, v21;
	v44 =	vadd.f32 v44, v24;
	v24 =	vld [tilespmem:s14+$0x40]  }
0x1e5: {  	v19 =	vadd.f32 v19, v19;
	v18 =	vadd.f32 v38, v18;
	v38 =	vld [tilespmem:s14+$0x50]  }
0x1e6: {  	v25 =	vadd.f32 v25, v25;
	v21 =	vadd.f32 v41, v21;
	v41 =	vld [tilespmem:s15+$0xFFFFFE20]  }
0x1e7: {  	v28 =	vadd.f32 v28, v28;
	v19 =	vadd.f32 v39, v19;
	v39 =	vld [tilespmem:s15+$0xFFFFFE40]  }
0x1e8: {  	v31 =	vadd.f32 v31, v31;
	v25 =	vadd.f32 v45, v25;
	v45 =	vld [tilespmem:s15+$0xFFFFFE80]  }
0x1e9: {  	v28 =	vadd.f32 v48, v28;
	v48 =	vld [tilespmem:s15+$0x0];
	v2 =	vadd.f32 v6, v2;
	v1 =	vmul.f32 $4.000000000e+00, v1  }
0x1ea: {  	v22 =	vadd.f32 v22, v22;
	v54 =	vadd.f32 v49, v31;
	v49 =	vld [tilespmem:s15+$0xFFFFFE90]  }
0x1eb: {  	v27 =	vadd.f32 v27, v27;
	v6 =	vld [tilespmem:s13+$0xFFFFFE50];
	v0 =	vadd.f32 v0, v1;
	v1 =	vmul.f32 $4.000000000e+00, v2  }
0x1ec: {  	v37 =	vadd.f32 v37, v37;
	v2 =	vld [tilespmem:s14+$0x70];
	v4 =	vadd.f32 v4, v4  }
0x1ed: {  	v9 =	vadd.f32 v14, v9;
	v1 =	vadd.f32 v5, v1;
	v5 =	vld [tilespmem:s13+$0xFFFFFE00]  }
0x1ee: {  	v14 =	vadd.f32 v17, v4;
	v17 =	vadd.f32 v59, v37;
	v59 =	vld [tilespmem:s15+$0xF0]  }
0x1ef: {  	v3 =	vadd.f32 v3, v3;
	v0 =	vmul.f32 $1.600000000e+01, v0;
	v37 =	vadd.f32 v50, v58;
	v50 =	vld [tilespmem:s15+$0xFFFFFF10]  }
0x1f0: {  	v6 =	vadd.f32 v6, v6;
	v4 =	vadd.f32 v8, v8;
	v58 =	vld [tilespmem:s15+$0x30]  }
0x1f1: {  	v0 =	vadd.f32 v1, v0;
	v1 =	vld [tilespmem:s13+$0xFFFFFF00];
	v2 =	vadd.f32 v2, v3  }
0x1f2: {  	v3 =	vld [tilespmem:s13+$0xFFFFFE90];
	v23 =	vadd.f32 v23, v6;
	v6 =	vadd.f32 v12, v12  }
0x1f3: {  	v34 =	vadd.f32 v34, v34;
	v12 =	vadd.f32 v26, v4;
	v26 =	vld [tilespmem:s13+$0x1D0];
	v14 =	vmul.f32 $4.000000000e+00, v14  }
0x1f4: {  	v40 =	vadd.f32 v40, v40;
	v61 =	vadd.f32 v30, v6;
	v6 =	vld [tilespmem:s14+$0xFFFFFFA0]  }
0x1f5: {  	v22 =	vadd.f32 v42, v22;
	v0 =	vmul.f32 $4.000000000e+00, v0;
	v14 =	vadd.f32 v18, v14;
	v18 =	vld [tilespmem:s14+$0x10]  }
0x1f6: {  	v31 =	vadd.f32 v55, v55;
	v5 =	vadd.f32 v5, v5;
	v42 =	vmul.f32 $4.000000000e+00, v23;
	v23 =	vld [tilespmem:s14+$0x60]  }
0x1f7: {  	v27 =	vadd.f32 v47, v27;
	v22 =	vmul.f32 $4.000000000e+00, v22;
	v0 =	vadd.f32 v0, v2;
	v2 =	vld [tilespmem:s13+$0x10]  }
0x1f8: {  	v31 =	vadd.f32 v52, v31;
	v5 =	vadd.f32 v11, v5;
	v11 =	vld [tilespmem:s13+$0x160]  }
0x1f9: {  	v22 =	vadd.f32 v37, v22;
	v53 =	vmul.f32 $4.000000000e+00, v61;
	v61 =	vadd.f32 v46, v46;
	v46 =	vld [tilespmem:s15+$0xFFFFFF00]  }
0x1fa: {  	v12 =	vmul.f32 $4.000000000e+00, v12;
	v3 =	vadd.f32 v3, v7;
	v7 =	vadd.f32 v10, v10;
	v10 =	vld [tilespmem:s13+$0x190]  }
0x1fb: {  	v37 =	vadd.f32 v39, v39;
	v1 =	vadd.f32 v1, v1;
	v4 =	vmul.f32 $4.000000000e+00, v5;
	v5 =	vld [tilespmem:s14+$0xFFFFFF80]  }
0x1fc: {  	v12 =	vadd.f32 v27, v12;
	v27 =	vadd.f32 v54, v53;
	v53 =	vld [tilespmem:s15+$0xFFFFFEA0]  }
0x1fd: {  	v1 =	vadd.f32 v29, v1;
	v29 =	vadd.f32 v57, v57;
	v54 =	vld [tilespmem:s15+$0xFFFFFF20]  }
0x1fe: {  	v26 =	vadd.f32 v26, v61;
	v57 =	vld [tilespmem:s15+$0xFFFFFF30];
	v8 =	vadd.f32 v20, v7  }
0x1ff: {  	v61 =	vld [tilespmem:s15+$0x50];
	v7 =	vadd.f32 v13, v13;
	v20 =	vadd.f32 v60, v40  }
0x200: {  	v25 =	vmul.f32 $4.000000000e+00, v25;
	v13 =	vld [tilespmem:s13+$0x1E0];
	v6 =	vadd.f32 v6, v6;
	v2 =	vadd.f32 v2, v2  }
0x201: {  	v19 =	vmul.f32 $4.000000000e+00, v19;
	v60 =	vld [tilespmem:s15+$0x1F0];
	v30 =	vadd.f32 v1, v4;
	v4 =	vadd.f32 v15, v15  }
0x202: {  	v40 =	vld [tilespmem:s15+$0x80];
	v29 =	vadd.f32 v59, v29;
	v25 =	vadd.f32 v26, v25  }
0x203: {  	v1 =	vmul.f32 $4.000000000e+00, v3;
	v3 =	vadd.f32 v32, v7;
	v7 =	vld [tilespmem:s14+$0xFFFFFF90];
	v19 =	vadd.f32 v20, v19  }
0x204: {  	v14 =	vmul.f32 $1.600000000e+01, v14;
	v32 =	vld [tilespmem:s14+$0x0];
	v11 =	vadd.f32 v11, v11;
	v26 =	vadd.f32 v46, v46  }
0x205: {  	v0 =	vtrunc.f32 v0;
	v20 =	vld [tilespmem:s15+$0xFFFFFE30];
	v15 =	vadd.f32 v33, v2;
	v2 =	vadd.f32 v16, v16  }
0x206: {  	v8 =	vmul.f32 $4.000000000e+00, v8;
	v62 =	vadd.f32 v35, v4;
	v4 =	vld [tilespmem:s14+$0xFFFFFFC0];
	v10 =	vadd.f32 v10, v34  }
0x207: {  	v0 =	vcvt.f32.s32 v0;
	v35 =	vld [tilespmem:s14+$0x20];
	v34 =	vadd.f32 v56, v56;
	v16 =	vadd.f32 v3, v1  }
0x208: {  	v9 =	vmul.f32 $4.000000000e+00, v9;
	v56 =	vld [tilespmem:s15+$0xFFFFFEB0];
	v8 =	vadd.f32 v21, v8;
	v21 =	vadd.f32 v44, v42  }
0x209: {  	v31 =	vmul.f32 $4.000000000e+00, v31;
	v3 =	vld [tilespmem:s14+$0xFFFFFFB0];
	v14 =	vadd.f32 v19, v14;
	v5 =	vadd.f32 v5, v5  }
0x20a: {  	v30 =	vmul.f32 $1.600000000e+01, v30;
	v1 =	vld [tilespmem:s14+$0xFFFFFFD0];
	v63 =	vadd.f32 v36, v2;
	v9 =	vadd.f32 v62, v9  }
0x20b: {  	v42 =	vld [tilespmem:s15+$0xFFFFFE10];
	v15 =	vmul.f32 $4.000000000e+00, v15;
	v34 =	vadd.f32 v51, v34;
	v11 =	vadd.f32 v13, v11  }
0x20c: {  	v28 =	vmul.f32 $4.000000000e+00, v28;
	v44 =	vld [tilespmem:s15+$0xFFFFFE60];
	v27 =	vadd.f32 v27, v30;
	v30 =	vadd.f32 v48, v48  }
0x20d: {  	v12 =	vmul.f32 $1.600000000e+01, v12;
	v0 =	vld.idx.msk [tilespmem:v0+s22+$0x0], $0xffff;
	v10 =	vadd.f32 v10, v15;
	v31 =	vadd.f32 v34, v31  }
0x20e: {  	v2 =	vld [tilespmem:s14+$0xFFFFFFE0];
	v8 =	vmul.f32 $1.600000000e+01, v8;
	v11 =	vadd.f32 v11, v28;
	v7 =	vadd.f32 v7, v7  }
0x20f: {  	s3 =	simm.s32 $0x11D80;
	v36 =	vld [tilespmem:s14+$0x30];
	v21 =	vmul.f32 $1.600000000e+01, v21;
	v5 =	vadd.f32 v32, v5;
	v20 =	vadd.f32 v20, v20  }
0x210: {  	v62 =	vld [tilespmem:s3+$0xFFFFFFF0];
	v55 =	vmul.f32 $4.000000000e+00, v27;
	v27 =	vadd.f32 v57, v57;
	v8 =	vadd.f32 v22, v8  }
0x211: {  	v13 =	vld [tilespmem:s15+$0xFFFFFE00];
	v33 =	vmul.f32 $4.000000000e+00, v63;
	v52 =	vadd.f32 v25, v21;
	v6 =	vadd.f32 v35, v6  }
0x212: {  	v51 =	vld [tilespmem:s15+$0x10];
	v16 =	vmul.f32 $1.600000000e+01, v16;
	v4 =	vadd.f32 v4, v4;
	v22 =	vadd.f32 v54, v54  }
0x213: {  	v48 =	vld [tilespmem:s15+$0xFFFFFFB0];
	v25 =	vadd.f32 v58, v58;
	v17 =	vadd.f32 v17, v33  }
0x214: {  	v15 =	vld [tilespmem:s15+$0x170];
	v10 =	vadd.f32 v10, v16;
	v11 =	vadd.f32 v11, v12  }
0x215: {  	v29 =	vmul.f32 $4.000000000e+00, v29;
	v34 =	vld [tilespmem:s15+$0xFFFFFE50];
	v7 =	vadd.f32 v18, v7;
	v3 =	vadd.f32 v3, v3  }
0x216: {  	v14 =	vmul.f32 $4.000000000e+00, v14;
	v63 =	vld [tilespmem:s3+$0x70];
	v5 =	vadd.f32 v55, v5;
	v59 =	vadd.f32 v1, v1  }
0x217: {  	v9 =	vmul.f32 $1.600000000e+01, v9;
	v57 =	vld [tilespmem:s15+$0xFFFFFFE0];
	v18 =	vadd.f32 v56, v20;
	v16 =	vadd.f32 v50, v50  }
0x218: {  	v54 =	vld [tilespmem:s15+$0xFFFFFFD0];
	v31 =	vmul.f32 $1.600000000e+01, v31;
	v20 =	vadd.f32 v40, v30;
	v33 =	vadd.f32 v62, v62  }
0x219: {  	v58 =	vld [tilespmem:s15+$0x180];
	v4 =	vadd.f32 v24, v4;
	v8 =	vmul.f32 $4.000000000e+00, v8;
	v2 =	vadd.f32 v2, v2  }
0x21a: {  	v12 =	vld [tilespmem:s15+$0x20];
	v19 =	vmul.f32 $4.000000000e+00, v52;
	v13 =	vadd.f32 v13, v13;
	v62 =	vadd.f32 v41, v41  }
0x21b: {  	v55 =	vld [tilespmem:s15+$0xD0];
	v9 =	vadd.f32 v17, v9;
	v10 =	vmul.f32 $4.000000000e+00, v10;
	v3 =	vadd.f32 v36, v3  }
0x21c: {  	v56 =	vld [tilespmem:s15+$0x130];
	v11 =	vmul.f32 $4.000000000e+00, v11;
	v17 =	vadd.f32 v51, v51;
	v15 =	vadd.f32 v15, v15  }
0x21d: {  	v41 =	vld [tilespmem:s15+$0xFFFFFF90];
	v5 =	vtrunc.f32 v5;
	v47 =	vadd.f32 v63, v33;
	v2 =	vadd.f32 v23, v2  }
0x21e: {  	v52 =	vld [tilespmem:s15+$0xC0];
	v18 =	vmul.f32 $4.000000000e+00, v18;
	v4 =	vadd.f32 v8, v4;
	v13 =	vadd.f32 v45, v13  }
0x21f: {  	v36 =	vld [tilespmem:s15+$0xFFFFFF60];
	v20 =	vmul.f32 $4.000000000e+00, v20;
	v21 =	vadd.f32 v53, v62;
	v39 =	vadd.f32 v34, v34  }
0x220: {  	v8 =	vld [tilespmem:s15+$0xFFFFFED0];
	v5 =	vcvt.f32.s32 v5;
	v23 =	vadd.f32 v61, v61;
	v7 =	vadd.f32 v10, v7  }
0x221: {  	v63 =	vld [tilespmem:s15+$0xFFFFFEE0];
	v9 =	vmul.f32 $4.000000000e+00, v9;
	v3 =	vadd.f32 v14, v3;
	v15 =	vadd.f32 v60, v15  }
0x222: {  	v45 =	vld [tilespmem:s15+$0xA0];
	v11 =	vadd.f32 v11, v2;
	v2 =	vadd.f32 v42, v42;
	v13 =	vmul.f32 $4.000000000e+00, v13  }
0x223: {  	v53 =	vld [tilespmem:s15+$0x120];
	v12 =	vadd.f32 v12, v12;
	v21 =	vmul.f32 $4.000000000e+00, v21;
	v23 =	vadd.f32 v55, v23  }
0x224: {  	v10 =	vld [tilespmem:s15+$0xFFFFFEC0];
	v4 =	vtrunc.f32 v4;
	v40 =	vadd.f32 v56, v56;
	v6 =	vadd.f32 v9, v6  }
0x225: {  	v14 =	vld [tilespmem:s15+$0x40];
	v16 =	vadd.f32 v41, v16;
	v7 =	vtrunc.f32 v7;
	v15 =	vadd.f32 v15, v29  }
0x226: {  	v42 =	vld [tilespmem:s15+$0x90];
	v3 =	vtrunc.f32 v3;
	v2 =	vadd.f32 v49, v2;
	v29 =	vadd.f32 v44, v44  }
0x227: {  	v61 =	vld [tilespmem:s15+$0x1A0];
	v34 =	vcvt.f32.s32 v4;
	v28 =	vadd.f32 v36, v36;
	v8 =	vadd.f32 v8, v39  }
0x228: {  	v9 =	vld [tilespmem:s15+$0xFFFFFF40];
	v11 =	vtrunc.f32 v11;
	v12 =	vadd.f32 v45, v12;
	v15 =	vadd.f32 v15, v31  }
0x229: {  	v44 =	vld [tilespmem:s15+$0xFFFFFFA0];
	v36 =	vcvt.f32.s32 v11;
	v11 =	vadd.f32 v53, v53;
	v10 =	vadd.f32 v10, v37  }
0x22a: {  	v51 =	vld [tilespmem:s15+$0xFFFFFFC0];
	v29 =	vadd.f32 v63, v29;
	v14 =	vadd.f32 v14, v14;
	v15 =	vmul.f32 $4.000000000e+00, v15  }
0x22b: {  	v49 =	vld [tilespmem:s15+$0xB0];
	v46 =	vmul.f32 $4.000000000e+00, v2;
	v31 =	vadd.f32 v43, v43;
	v17 =	vadd.f32 v42, v17  }
0x22c: {  	v63 =	vld [tilespmem:s15+$0x1B0];
	v11 =	vadd.f32 v61, v11;
	v12 =	vmul.f32 $4.000000000e+00, v12;
	v15 =	vadd.f32 v15, v47  }
0x22d: {  	v7 =	vcvt.f32.s32 v7;
	v16 =	vadd.f32 v16, v46;
	v9 =	vadd.f32 v9, v9;
	v46 =	vld [tilespmem:s3+$0xFFFFFFC0]  }
0x22e: {  	v22 =	vadd.f32 v44, v22;
	v11 =	vadd.f32 v11, v12;
	v12 =	vld [tilespmem:s3+$0xFFFFFF90];
	v15 =	vtrunc.f32 v15  }
0x22f: {  	v10 =	vmul.f32 $4.000000000e+00, v10;
	v44 =	vld [tilespmem:s3+$0xFFFFFFA0];
	v9 =	vadd.f32 v51, v9;
	v15 =	vcvt.f32.s32 v15  }
0x230: {  	v29 =	vmul.f32 $4.000000000e+00, v29;
	v47 =	vld [tilespmem:s15+$0x100];
	v21 =	vadd.f32 v22, v21;
	v22 =	vadd.f32 v57, v28  }
0x231: {  	v3 =	vcvt.f32.s32 v3;
	v25 =	vadd.f32 v49, v25;
	v9 =	vadd.f32 v9, v10;
	v10 =	vld [tilespmem:s15+$0xE0]  }
0x232: {  	v62 =	vld [tilespmem:s15+$0x150];
	v23 =	vmul.f32 $4.000000000e+00, v23;
	v14 =	vadd.f32 v52, v14;
	v22 =	vadd.f32 v22, v29  }
0x233: {  	v60 =	vld [tilespmem:s15+$0xFFFFFF50];
	v25 =	vmul.f32 $4.000000000e+00, v25;
	v29 =	vadd.f32 v63, v40;
	v57 =	vadd.f32 v46, v46  }
0x234: {  	v41 =	vld [tilespmem:s15+$0x1D0];
	v6 =	vtrunc.f32 v6;
	v12 =	vadd.f32 v12, v12;
	v53 =	vadd.f32 v44, v44  }
0x235: {  	v2 =	vunpack.i.u.bf16.f32 v0;
	v4 =	vadd.f32 v47, v47;
	v25 =	vadd.f32 v29, v25;
	v1 =	vld.idx.msk [tilespmem:v15+s22+$0x0], $0xffff  }
0x236: {  	v0 =	vunpack.i.l.bf16.f32 v0;
	v10 =	vadd.f32 v10, v31;
	v15 =	vadd.f32 v38, v59;
	v38 =	vld [tilespmem:s15+$0xFFFFFF80]  }
0x237: {  	v50 =	vld [tilespmem:s15+$0x110];
	v21 =	vmul.f32 $1.600000000e+01, v21;
	v4 =	vadd.f32 v58, v4;
	v31 =	vadd.f32 v62, v62  }
0x238: {  	v45 =	vld [tilespmem:s3+$0xFFFFFFB0];
	v6 =	vcvt.f32.s32 v6;
	v15 =	vadd.f32 v19, v15;
	v19 =	vadd.f32 v60, v60  }
0x239: {  	v8 =	vmul.f32 $4.000000000e+00, v8;
	v11 =	vadd.f32 v11, v21;
	v28 =	vadd.f32 v41, v31;
	v60 =	vld [tilespmem:s15+$0x190]  }
0x23a: {  	v37 =	vld [tilespmem:s15+$0x160];
	v17 =	vmul.f32 $4.000000000e+00, v17;
	v4 =	vadd.f32 v4, v20;
	v19 =	vadd.f32 v54, v19  }
0x23b: {  	v16 =	vmul.f32 $1.600000000e+01, v16;
	v59 =	vld [tilespmem:s15+$0x140];
	v23 =	vadd.f32 v28, v23;
	v24 =	vadd.f32 v38, v26  }
0x23c: {  	v42 =	vld [tilespmem:s15+$0x1E0];
	v14 =	vmul.f32 $4.000000000e+00, v14;
	v26 =	vadd.f32 v50, v50;
	v8 =	vadd.f32 v19, v8  }
0x23d: {  	v9 =	vmul.f32 $1.600000000e+01, v9;
	v38 =	vld [tilespmem:s15+$0x1C0];
	v13 =	vadd.f32 v24, v13;
	v24 =	vadd.f32 v48, v27  }
0x23e: {  	v55 =	vld [tilespmem:s3+$0x40];
	v49 =	vmul.f32 $1.600000000e+01, v22;
	v54 =	vadd.f32 v45, v45;
	v19 =	vadd.f32 v60, v26  }
0x23f: {  	v47 =	vld [tilespmem:s3+$0xFFFFFFE0];
	v27 =	vadd.f32 v37, v37;
	v8 =	vmul.f32 $1.600000000e+01, v8;
	v18 =	vadd.f32 v24, v18  }
0x240: {  	v43 =	vld [tilespmem:s3+$0xFFFFFF80];
	v13 =	vmul.f32 $1.600000000e+01, v13;
	v17 =	vadd.f32 v19, v17;
	v24 =	vadd.f32 v59, v59  }
0x241: {  	v52 =	vld [tilespmem:s3+$0x30];
	v10 =	vmul.f32 $4.000000000e+00, v10;
	v19 =	vadd.f32 v42, v27;
	v8 =	vadd.f32 v23, v8  }
0x242: {  	v56 =	vmul.f32 $4.000000000e+00, v11;
	v24 =	vadd.f32 v38, v24;
	v4 =	vadd.f32 v4, v13;
	v13 =	vld [tilespmem:s3+$0xFFFFFFD0]  }
0x243: {  	v48 =	vld [tilespmem:s3+$0x0];
	v18 =	vmul.f32 $1.600000000e+01, v18;
	v16 =	vadd.f32 v17, v16;
	v10 =	vadd.f32 v19, v10  }
0x244: {  	v15 =	vtrunc.f32 v15;
	v50 =	vld [tilespmem:s3+$0x10];
	v17 =	vadd.f32 v47, v47;
	v14 =	vadd.f32 v24, v14  }
0x245: {  	v51 =	vld [tilespmem:s3+$0x20];
	v15 =	vcvt.f32.s32 v15;
	v18 =	vadd.f32 v25, v18;
	v10 =	vadd.f32 v10, v49  }
0x246: {  	v58 =	vld [tilespmem:s3+$0x50];
	v4 =	vmul.f32 $4.000000000e+00, v4;
	v9 =	vadd.f32 v14, v9;
	v14 =	vadd.f32 v43, v43  }
0x247: {  	v16 =	vmul.f32 $4.000000000e+00, v16;
	v18 =	vmul.f32 $4.000000000e+00, v18;
	v59 =	vadd.f32 v13, v13;
	v13 =	vld.idx.msk [tilespmem:v5+s22+$0x0], $0xffff  }
0x248: {  	v62 =	vmul.f32 $4.000000000e+00, v10;
	v5 =	vadd.f32 v52, v54;
	v11 =	vadd.f32 v48, v14;
	v14 =	vld [tilespmem:s3+$0x60]  }
0x249: {  	v10 =	vadd.f32 v55, v57;
	v60 =	vmul.f32 $4.000000000e+00, v9;
	v9 =	vadd.f32 v50, v12  }
0x24a: {  	v61 =	vmul.f32 $4.000000000e+00, v8;
	v8 =	vld.idx.msk [tilespmem:v3+s22+$0x0], $0xffff;
	v12 =	vadd.f32 v51, v53;
	v63 =	vadd.f32 v18, v5  }
0x24b: {  	s13 =	simm.s32 $0x15C80;
	v39 =	vunpack.i.u.bf16.f32 v1;
	v4 =	vadd.f32 v4, v11;
	v11 =	vld.idx.msk [tilespmem:v7+s22+$0x0], $0xffff;
	v9 =	vadd.f32 v16, v9  }
0x24c: {  	[tilespmem:s13+$0x70] =	vst v2;
	v1 =	vunpack.i.l.bf16.f32 v1;
	v7 =	vld.idx.msk [tilespmem:v6+s22+$0x0], $0xffff;
	v6 =	vadd.f32 v56, v12;
	v12 =	vadd.f32 v58, v59  }
0x24d: {  	s11 =	simm.s32 $0x15D80;
	[tilespmem:s13+$0xFFFFFFF0] =	vst v0;
	v2 =	vtrunc.f32 v4;
	v4 =	vtrunc.f32 v9;
	v9 =	vld.idx.msk [tilespmem:v34+s22+$0x0], $0xffff;
	v17 =	vadd.f32 v14, v17  }
0x24e: {  	[tilespmem:s11+$0x70] =	vst v39;
	v5 =	vtrunc.f32 v6;
	v6 =	vadd.f32 v60, v10;
	v3 =	vadd.f32 v61, v12;
	v10 =	vld.idx.msk [tilespmem:v15+s22+$0x0], $0xffff  }
0x24f: {  	s12 =	sor.u32 s7, s6;
	s14 =	simm.s32 $0x8;
	s15 =	simm.s32 $0x5600;
	[tilespmem:s11+$0xFFFFFFF0] =	vst v1;
	v12 =	vld.idx.msk [tilespmem:v36+s22+$0x0], $0xffff;
	v0 =	vcvt.f32.s32 v2;
	v14 =	vtrunc.f32 v63;
	v2 =	vadd.f32 v62, v17  }
.LBB2_9:
0x250: {  	v15 =	vld [tilespmem:s15+$0xFFFFFFF0];
	v1 =	vtrunc.f32 v6;
	v16 =	vtrunc.f32 v3;
	v3 =	vunpack.i.u.bf16.f32 v13  }
0x251: {  	v4 =	vcvt.f32.s32 v4;
	v17 =	vld [tilespmem:s15+$0xFFFFFEF0];
	v18 =	vtrunc.f32 v2;
	v2 =	vunpack.i.l.bf16.f32 v13;
	[tilespmem:s13+$0x0] =	vst v3  }
0x252: {  	s14 =	sadd.s32 $0x8, s14;
	v6 =	vcvt.f32.s32 v5;
	v3 =	vcvt.f32.s32 v14;
	v14 =	vunpack.i.u.bf16.f32 v11;
	v13 =	vld [tilespmem:s15+$0xFFFFFE70];
	[tilespmem:s13+$0xFFFFFF80] =	vst v2  }
0x253: {  	p2 =	slt.u32 s14, $0x78;
	v5 =	vcvt.f32.s32 v1;
	v11 =	vunpack.i.l.bf16.f32 v11;
	v2 =	vcvt.f32.s32 v16;
	v19 =	vld [tilespmem:s15+$0xFFFFFF70];
	[tilespmem:s13+$0x10] =	vst v14  }
0x254: {  	v1 =	vcvt.f32.s32 v18;
	v14 =	vld [tilespmem:s15+$0x70];
	[tilespmem:s13+$0xFFFFFF90] =	vst v11;
	v11 =	vunpack.i.u.bf16.f32 v7;
	v7 =	vunpack.i.l.bf16.f32 v7  }
0x255: {  	v18 =	vunpack.i.u.bf16.f32 v9;
	v16 =	vld [tilespmem:s15+$0x170];
	[tilespmem:s13+$0xFFFFFFA0] =	vst v7;
	v7 =	vunpack.i.u.bf16.f32 v8;
	v8 =	vunpack.i.l.bf16.f32 v8  }
0x256: {  	v9 =	vunpack.i.l.bf16.f32 v9;
	v20 =	vld [tilespmem:s15+$0xF0];
	[tilespmem:s13+$0x20] =	vst v11;
	v11 =	vunpack.i.u.bf16.f32 v10;
	v10 =	vunpack.i.l.bf16.f32 v10  }
0x257: {  	v21 =	vld [tilespmem:s15+$0xFFFFFE10];
	v13 =	vadd.f32 v13, v13;
	[tilespmem:s13+$0xFFFFFFB0] =	vst v8;
	v8 =	vunpack.i.u.bf16.f32 v12;
	v12 =	vunpack.i.l.bf16.f32 v12  }
0x258: {  	v22 =	vld [tilespmem:s15+$0x1F0];
	v19 =	vadd.f32 v19, v19;
	[tilespmem:s13+$0x30] =	vst v7  }
0x259: {  	v7 =	vld [tilespmem:s15+$0xFFFFFE20];
	v13 =	vadd.f32 v17, v13;
	v14 =	vadd.f32 v14, v14;
	[tilespmem:s13+$0xFFFFFFC0] =	vst v9  }
0x25a: {  	v9 =	vld [tilespmem:s15+$0xFFFFFE30];
	v16 =	vadd.f32 v16, v16;
	[tilespmem:s13+$0x40] =	vst v18  }
0x25b: {  	s3 =	sadd.s32 $0x100, s3;
	v15 =	vadd.f32 v15, v19;
	v17 =	vld [tilespmem:s15+$0xFFFFFE40];
	v14 =	vadd.f32 v20, v14;
	v13 =	vmul.f32 $4.000000000e+00, v13;
	[tilespmem:s13+$0xFFFFFFD0] =	vst v10  }
0x25c: {  	v10 =	vadd.f32 v21, v21;
	v18 =	vld [tilespmem:s3+$0xFFFFFFF0];
	[tilespmem:s13+$0x50] =	vst v11  }
0x25d: {  	v11 =	vld [tilespmem:s15+$0xFFFFFE50];
	v16 =	vadd.f32 v22, v16;
	v13 =	vadd.f32 v15, v13;
	v14 =	vmul.f32 $4.000000000e+00, v14;
	[tilespmem:s13+$0xFFFFFFE0] =	vst v12  }
0x25e: {  	v7 =	vadd.f32 v7, v7;
	v12 =	vld [tilespmem:s3+$0x70];
	[tilespmem:s13+$0x60] =	vst v8;
	s13 =	smov.u32 s11  }
0x25f: {  	v8 =	vadd.f32 v9, v9;
	v9 =	vld [tilespmem:s15+$0xFFFFFE60];
	v14 =	vadd.f32 v16, v14;
	v13 =	vmul.f32 $1.600000000e+01, v13  }
0x260: {  	v15 =	vld [tilespmem:s15+$0xFFFFFE00];
	v16 =	vadd.f32 v17, v17  }
0x261: {  	v17 =	vld [tilespmem:s15+$0xFFFFFE80];
	v18 =	vadd.f32 v18, v18;
	v13 =	vadd.f32 v14, v13  }
0x262: {  	v14 =	vld [tilespmem:s15+$0xFFFFFF00];
	v11 =	vadd.f32 v11, v11  }
0x263: {  	v19 =	vld [tilespmem:s15+$0x0];
	v12 =	vadd.f32 v12, v18;
	v13 =	vmul.f32 $4.000000000e+00, v13  }
0x264: {  	v18 =	vld [tilespmem:s15+$0xFFFFFE90];
	v9 =	vadd.f32 v9, v9  }
0x265: {  	v15 =	vadd.f32 v15, v15;
	v20 =	vld [tilespmem:s15+$0xFFFFFF10];
	v12 =	vadd.f32 v13, v12  }
0x266: {  	v13 =	vld [tilespmem:s15+$0x10]  }
0x267: {  	v15 =	vadd.f32 v17, v15;
	v14 =	vadd.f32 v14, v14;
	v17 =	vld [tilespmem:s15+$0xFFFFFEA0];
	v12 =	vtrunc.f32 v12  }
0x268: {  	v19 =	vadd.f32 v19, v19;
	v21 =	vld [tilespmem:s15+$0xFFFFFF20];
	v12 =	vcvt.f32.s32 v12  }
0x269: {  	v15 =	vmul.f32 $4.000000000e+00, v15;
	v10 =	vadd.f32 v18, v10;
	v18 =	vld [tilespmem:s15+$0x20]  }
0x26a: {  	v20 =	vadd.f32 v20, v20;
	v22 =	vld [tilespmem:s15+$0xFFFFFEB0]  }
0x26b: {  	v13 =	vadd.f32 v13, v13;
	v10 =	vmul.f32 $4.000000000e+00, v10;
	v23 =	vld [tilespmem:s15+$0xFFFFFF30]  }
0x26c: {  	v7 =	vadd.f32 v17, v7;
	v17 =	vld [tilespmem:s15+$0x30]  }
0x26d: {  	v21 =	vadd.f32 v21, v21;
	v24 =	vld [tilespmem:s15+$0xFFFFFEC0]  }
0x26e: {  	v18 =	vadd.f32 v18, v18;
	v7 =	vmul.f32 $4.000000000e+00, v7;
	v12 =	vld.idx.msk [tilespmem:v12+s22+$0x0], $0xffff  }
0x26f: {  	v8 =	vadd.f32 v22, v8;
	v22 =	vld [tilespmem:s15+$0xFFFFFF40]  }
0x270: {  	v23 =	vadd.f32 v23, v23;
	v25 =	vld [tilespmem:s15+$0x40]  }
0x271: {  	v17 =	vadd.f32 v17, v17;
	v8 =	vmul.f32 $4.000000000e+00, v8;
	v26 =	vld [tilespmem:s15+$0xFFFFFED0]  }
0x272: {  	v16 =	vadd.f32 v24, v16;
	v24 =	vld [tilespmem:s15+$0xFFFFFF50]  }
0x273: {  	v27 =	vld [tilespmem:s15+$0x50]  }
0x274: {  	s11 =	sadd.s32 $0x100, s11;
	v29 =	vunpack.i.u.bf16.f32 v12;
	v22 =	vadd.f32 v22, v22;
	v16 =	vmul.f32 $4.000000000e+00, v16;
	v28 =	vld [tilespmem:s15+$0xFFFFFEE0]  }
0x275: {  	v12 =	vunpack.i.l.bf16.f32 v12;
	v25 =	vadd.f32 v25, v25;
	v30 =	vld [tilespmem:s15+$0xFFFFFF60];
	[tilespmem:s11+$0x70] =	vst v29  }
0x276: {  	v11 =	vadd.f32 v26, v11;
	v26 =	vld [tilespmem:s15+$0x60];
	[tilespmem:s11+$0xFFFFFFF0] =	vst v12  }
0x277: {  	v12 =	vld [tilespmem:s15+$0xFFFFFF80];
	v24 =	vadd.f32 v24, v24  }
0x278: {  	v29 =	vld [tilespmem:s15+$0x80];
	v27 =	vadd.f32 v27, v27;
	v11 =	vmul.f32 $4.000000000e+00, v11  }
0x279: {  	v31 =	vld [tilespmem:s15+$0x100];
	v9 =	vadd.f32 v28, v9  }
0x27a: {  	v28 =	vld [tilespmem:s15+$0xFFFFFF90];
	v30 =	vadd.f32 v30, v30  }
0x27b: {  	v32 =	vld [tilespmem:s15+$0x90];
	v26 =	vadd.f32 v26, v26;
	v9 =	vmul.f32 $4.000000000e+00, v9  }
0x27c: {  	v12 =	vadd.f32 v12, v14;
	v14 =	vld [tilespmem:s15+$0x110]  }
0x27d: {  	v19 =	vadd.f32 v29, v19;
	v29 =	vld [tilespmem:s15+$0xFFFFFFA0]  }
0x27e: {  	v31 =	vadd.f32 v31, v31;
	v12 =	vadd.f32 v12, v15;
	v15 =	vld [tilespmem:s15+$0xA0]  }
0x27f: {  	v19 =	vmul.f32 $4.000000000e+00, v19;
	v20 =	vadd.f32 v28, v20;
	v28 =	vld [tilespmem:s15+$0x120]  }
0x280: {  	v12 =	vmul.f32 $1.600000000e+01, v12;
	v13 =	vadd.f32 v32, v13;
	v32 =	vld [tilespmem:s15+$0xFFFFFFB0]  }
0x281: {  	v14 =	vadd.f32 v14, v14;
	v10 =	vadd.f32 v20, v10;
	v20 =	vld [tilespmem:s15+$0xB0]  }
0x282: {  	v13 =	vmul.f32 $4.000000000e+00, v13;
	v21 =	vadd.f32 v29, v21;
	v29 =	vld [tilespmem:s15+$0x130]  }
0x283: {  	v10 =	vmul.f32 $1.600000000e+01, v10;
	v15 =	vadd.f32 v15, v18;
	v18 =	vld [tilespmem:s15+$0xFFFFFFC0]  }
0x284: {  	v28 =	vadd.f32 v28, v28;
	v7 =	vadd.f32 v21, v7;
	v21 =	vld [tilespmem:s15+$0xC0]  }
0x285: {  	v15 =	vmul.f32 $4.000000000e+00, v15;
	v23 =	vadd.f32 v32, v23;
	v32 =	vld [tilespmem:s15+$0x140]  }
0x286: {  	v7 =	vmul.f32 $1.600000000e+01, v7;
	v17 =	vadd.f32 v20, v17;
	v20 =	vld [tilespmem:s15+$0xFFFFFFD0]  }
0x287: {  	v29 =	vadd.f32 v29, v29;
	v8 =	vadd.f32 v23, v8;
	v23 =	vld [tilespmem:s15+$0xD0]  }
0x288: {  	v17 =	vmul.f32 $4.000000000e+00, v17;
	v18 =	vadd.f32 v18, v22;
	v22 =	vld [tilespmem:s15+$0x150]  }
0x289: {  	v8 =	vmul.f32 $1.600000000e+01, v8;
	v21 =	vadd.f32 v21, v25;
	v25 =	vld [tilespmem:s15+$0xFFFFFFE0]  }
0x28a: {  	v32 =	vadd.f32 v32, v32;
	v16 =	vadd.f32 v18, v16;
	v18 =	vld [tilespmem:s15+$0xE0]  }
0x28b: {  	v21 =	vmul.f32 $4.000000000e+00, v21;
	v20 =	vadd.f32 v20, v24;
	v24 =	vld [tilespmem:s15+$0x160]  }
0x28c: {  	v33 =	vld [tilespmem:s15+$0x180];
	v16 =	vmul.f32 $1.600000000e+01, v16;
	v23 =	vadd.f32 v23, v27  }
0x28d: {  	v27 =	vld [tilespmem:s15+$0x190];
	v22 =	vadd.f32 v22, v22;
	v11 =	vadd.f32 v20, v11  }
0x28e: {  	v20 =	vld [tilespmem:s15+$0x1A0];
	v23 =	vmul.f32 $4.000000000e+00, v23;
	v25 =	vadd.f32 v25, v30  }
0x28f: {  	v30 =	vld [tilespmem:s15+$0x1B0];
	v11 =	vmul.f32 $1.600000000e+01, v11;
	v18 =	vadd.f32 v18, v26  }
0x290: {  	v26 =	vld [tilespmem:s15+$0x1C0];
	v24 =	vadd.f32 v24, v24;
	v9 =	vadd.f32 v25, v9  }
0x291: {  	v25 =	vadd.f32 v33, v31;
	v31 =	vld [tilespmem:s15+$0x1D0];
	v18 =	vmul.f32 $4.000000000e+00, v18  }
0x292: {  	v14 =	vadd.f32 v27, v14;
	v27 =	vld [tilespmem:s15+$0x1E0];
	v9 =	vmul.f32 $1.600000000e+01, v9  }
0x293: {  	v33 =	vld [tilespmem:s3+$0xFFFFFF80];
	v19 =	vadd.f32 v25, v19;
	v20 =	vadd.f32 v20, v28  }
0x294: {  	v25 =	vld [tilespmem:s3+$0xFFFFFF90];
	v13 =	vadd.f32 v14, v13;
	v14 =	vadd.f32 v30, v29  }
0x295: {  	v28 =	vld [tilespmem:s3+$0xFFFFFFA0];
	v15 =	vadd.f32 v20, v15;
	v20 =	vadd.f32 v26, v32  }
0x296: {  	v26 =	vld [tilespmem:s3+$0xFFFFFFB0];
	v14 =	vadd.f32 v14, v17;
	v17 =	vadd.f32 v31, v22  }
0x297: {  	v22 =	vld [tilespmem:s3+$0xFFFFFFC0];
	v20 =	vadd.f32 v20, v21;
	v21 =	vadd.f32 v27, v24  }
0x298: {  	v12 =	vadd.f32 v19, v12;
	v19 =	vld [tilespmem:s3+$0xFFFFFFD0];
	v17 =	vadd.f32 v17, v23  }
0x299: {  	v10 =	vadd.f32 v13, v10;
	v13 =	vld [tilespmem:s3+$0xFFFFFFE0];
	v18 =	vadd.f32 v21, v18  }
0x29a: {  	v12 =	vmul.f32 $4.000000000e+00, v12;
	v7 =	vadd.f32 v15, v7;
	v8 =	vadd.f32 v14, v8;
	v21 =	vld [tilespmem:s3+$0x0]  }
0x29b: {  	v10 =	vmul.f32 $4.000000000e+00, v10;
	v15 =	vadd.f32 v20, v16;
	v11 =	vadd.f32 v17, v11;
	v14 =	vld [tilespmem:s3+$0x10]  }
0x29c: {  	v16 =	vadd.f32 v33, v33;
	v20 =	vmul.f32 $4.000000000e+00, v7;
	v7 =	vadd.f32 v18, v9;
	v17 =	vld [tilespmem:s3+$0x20]  }
0x29d: {  	v24 =	vmul.f32 $4.000000000e+00, v8;
	v9 =	vadd.f32 v25, v25;
	v18 =	vadd.f32 v28, v28;
	v23 =	vld [tilespmem:s3+$0x30]  }
0x29e: {  	v8 =	vadd.f32 v26, v26;
	v15 =	vmul.f32 $4.000000000e+00, v15;
	v22 =	vadd.f32 v22, v22;
	v25 =	vld [tilespmem:s3+$0x40]  }
0x29f: {  	v27 =	vmul.f32 $4.000000000e+00, v11;
	v19 =	vadd.f32 v19, v19;
	v28 =	vadd.f32 v13, v13;
	v26 =	vld [tilespmem:s3+$0x50]  }
0x2a0: {  	v11 =	vadd.f32 v21, v16;
	v16 =	vmul.f32 $4.000000000e+00, v7;
	v9 =	vadd.f32 v14, v9;
	v14 =	vld [tilespmem:s3+$0x60]  }
0x2a1: {  	v17 =	vadd.f32 v17, v18;
	v13 =	vld.idx.msk [tilespmem:v0+s22+$0x0], $0xffff  }
0x2a2: {  	v0 =	vadd.f32 v12, v11;
	v12 =	vadd.f32 v23, v8;
	v11 =	vld.idx.msk [tilespmem:v4+s22+$0x0], $0xffff  }
.Ltmp5:
0x2a3: {  	v4 =	vadd.f32 v10, v9;
	v10 =	vadd.f32 v25, v22;
	v7 =	vld.idx.msk [tilespmem:v6+s22+$0x0], $0xffff;
	(pc) =	sbr.rel @p2 .LBB2_9-.Ltmp5, $4  }
0x2a4: {  	v0 =	vtrunc.f32 v0;
	v6 =	vadd.f32 v20, v17;
	v17 =	vadd.f32 v26, v19;
	v8 =	vld.idx.msk [tilespmem:v3+s22+$0x0], $0xffff  }
0x2a5: {  	v4 =	vtrunc.f32 v4;
	v12 =	vadd.f32 v24, v12;
	v18 =	vadd.f32 v14, v28;
	v9 =	vld.idx.msk [tilespmem:v5+s22+$0x0], $0xffff  }
0x2a6: {  	v5 =	vtrunc.f32 v6;
	v6 =	vadd.f32 v15, v10;
	v3 =	vadd.f32 v27, v17;
	v10 =	vld.idx.msk [tilespmem:v2+s22+$0x0], $0xffff  }
0x2a7: {  	s15 =	sadd.s32 $0x400, s15;
	v0 =	vcvt.f32.s32 v0;
	v14 =	vtrunc.f32 v12;
	v2 =	vadd.f32 v16, v18;
	v12 =	vld.idx.msk [tilespmem:v1+s22+$0x0], $0xffff  }
0x2a8: {  	v1 =	vunpack.i.u.bf16.f32 v13  }
0x2a9: {  	v13 =	vunpack.i.l.bf16.f32 v13;
	[tilespmem:s13+$0x0] =	vst v1  }
0x2aa: {  	[tilespmem:s13+$0xFFFFFF80] =	vst v13;
	v1 =	vunpack.i.u.bf16.f32 v11  }
0x2ab: {  	v11 =	vunpack.i.l.bf16.f32 v11;
	[tilespmem:s13+$0x10] =	vst v1  }
0x2ac: {  	[tilespmem:s13+$0xFFFFFF90] =	vst v11;
	v1 =	vunpack.i.l.bf16.f32 v7  }
0x2ad: {  	v4 =	vcvt.f32.s32 v4;
	v7 =	vunpack.i.u.bf16.f32 v7;
	[tilespmem:s13+$0xFFFFFFA0] =	vst v1  }
0x2ae: {  	v1 =	vunpack.i.l.bf16.f32 v8;
	[tilespmem:s13+$0x20] =	vst v7  }
0x2af: {  	v5 =	vcvt.f32.s32 v5;
	v7 =	vunpack.i.u.bf16.f32 v8;
	[tilespmem:s13+$0xFFFFFFB0] =	vst v1  }
0x2b0: {  	v8 =	vunpack.i.u.bf16.f32 v9;
	[tilespmem:s13+$0x30] =	vst v7  }
0x2b1: {  	v0 =	vld.idx.msk [tilespmem:v0+s22+$0x0], $0xffff;
	v1 =	vunpack.i.l.bf16.f32 v9;
	v7 =	vcvt.f32.s32 v14;
	[tilespmem:s13+$0x40] =	vst v8  }
0x2b2: {  	v8 =	vunpack.i.u.bf16.f32 v10;
	[tilespmem:s13+$0xFFFFFFC0] =	vst v1;
	v1 =	vtrunc.f32 v6  }
0x2b3: {  	v6 =	vunpack.i.l.bf16.f32 v10;
	[tilespmem:s13+$0x50] =	vst v8;
	v1 =	vcvt.f32.s32 v1;
	v4 =	vld.idx.msk [tilespmem:v4+s22+$0x0], $0xffff  }
0x2b4: {  	v3 =	vtrunc.f32 v3;
	v8 =	vunpack.i.u.bf16.f32 v12;
	[tilespmem:s13+$0xFFFFFFD0] =	vst v6  }
0x2b5: {  	v3 =	vcvt.f32.s32 v3;
	v6 =	vunpack.i.l.bf16.f32 v12;
	v5 =	vld.idx.msk [tilespmem:v5+s22+$0x0], $0xffff;
	[tilespmem:s13+$0x60] =	vst v8  }
0x2b6: {  	v2 =	vtrunc.f32 v2;
	[tilespmem:s13+$0xFFFFFFE0] =	vst v6;
	v6 =	vunpack.i.u.bf16.f32 v0  }
0x2b7: {  	v2 =	vcvt.f32.s32 v2;
	v0 =	vunpack.i.l.bf16.f32 v0;
	[tilespmem:s11+$0x0] =	vst v6;
	v7 =	vld.idx.msk [tilespmem:v7+s22+$0x0], $0xffff  }
0x2b8: {  	[tilespmem:s11+$0xFFFFFF80] =	vst v0;
	v0 =	vunpack.i.u.bf16.f32 v4  }
0x2b9: {  	v4 =	vunpack.i.l.bf16.f32 v4;
	v1 =	vld.idx.msk [tilespmem:v1+s22+$0x0], $0xffff;
	[tilespmem:s11+$0x10] =	vst v0  }
0x2ba: {  	[tilespmem:s11+$0xFFFFFF90] =	vst v4;
	v0 =	vunpack.i.l.bf16.f32 v5  }
0x2bb: {  	v3 =	vld.idx.msk [tilespmem:v3+s22+$0x0], $0xffff;
	v4 =	vunpack.i.u.bf16.f32 v5;
	[tilespmem:s11+$0xFFFFFFA0] =	vst v0  }
0x2bc: {  	[tilespmem:s11+$0x20] =	vst v4;
	v0 =	vunpack.i.l.bf16.f32 v7  }
0x2bd: {  	v2 =	vld.idx.msk [tilespmem:v2+s22+$0x0], $0xffff;
	v4 =	vunpack.i.u.bf16.f32 v7;
	[tilespmem:s11+$0xFFFFFFB0] =	vst v0  }
0x2be: {  	[tilespmem:s11+$0x30] =	vst v4;
	v0 =	vunpack.i.l.bf16.f32 v1  }
0x2bf: {  	v1 =	vunpack.i.u.bf16.f32 v1;
	[tilespmem:s11+$0xFFFFFFC0] =	vst v0  }
0x2c0: {  	v0 =	vunpack.i.l.bf16.f32 v3;
	[tilespmem:s11+$0x40] =	vst v1  }
0x2c1: {  	v1 =	vunpack.i.u.bf16.f32 v3;
	[tilespmem:s11+$0xFFFFFFD0] =	vst v0  }
0x2c2: {  	s3 =	sshrl.u32 s12, $0x2;
	v0 =	vunpack.i.l.bf16.f32 v2;
	[tilespmem:s11+$0x50] =	vst v1  }
0x2c3: {  	s3 =	sadd.s32 s3, s4;
	v1 =	vunpack.i.u.bf16.f32 v2;
	[tilespmem:s11+$0xFFFFFFE0] =	vst v0  }
0x2c4: {  	s14 =	simm.s32 @!p1 $0x4C00;
	s12 =	sadd.s32 $0x200, s3;
	[tilespmem:s11+$0x60] =	vst v1;
	s11 =	sadd.s32 @!p1 s7, s18  }
0x2c5: {  	[hbm4b:s12+s5] =	stream.linear.scatter [tilespmem:s28], [sflag:$0x6], $0x1000, $0x38;
	[tilespmem:$0x18C00] =	vst v63  }
0x2c6: {  	s13 =	simm.s32 @!p1 $0x0;
	s12 =	sadd.s32 @!p1 s1, s11;
	s11 =	sadd.s32 @!p1 s11, s8  }
0x2c7: {  	[tilespmem:s14], [sflag:$0x2] =	stream.linear.gather @!p1 [hbm4b:s12+s13], $0x4000, $0x38;
	[tilespmem:$0x18C00] =	vst v63  }
0x2c8: {  	s12 =	simm.s32 @!p1 $0x100;
	s13 =	simm.s32 @!p1 $0x400;
	s14 =	simm.s32 @!p1 $0x11C00  }
0x2c9: {  	[tilespmem:s14], [sflag:$0x2] =	stream.strided.gather @!p1 [hbm4b:s11+s12], $0x1000, s13, s12, $0x38;
	[tilespmem:$0x18C00] =	vst v63  }
0x2ca: {  	_ =	swait.ge [sflag:s29], $0x4000  }
0x2cb: {  	[sflag:s29] =	ssyncset.done $0x0  }
0x2cc: {  	[sflag:s29] =	ssyncadd.s32 $0xFFFFC000  }
0x2cd: {  	_ =	swait.ge [sflag:s29], $0x1000  }
0x2ce: {  	[sflag:s29] =	ssyncset.done $0x0  }
0x2cf: {  	s11 =	simm.s32 @!p0 $0x7;
	[sflag:s29] =	ssyncadd.s32 $0xFFFFF000  }
0x2d0: {  	_ =	swait.ge @!p0 [sflag:s11], $0x1000  }
0x2d1: {  	[sflag:s11] =	ssyncset.done @!p0 $0x0  }
0x2d2: {  	s13 =	simm.s32 $0x8E00;
	[sflag:s11] =	ssyncadd.s32 @!p0 $0xFFFFF000  }
0x2d3: {  	v0 =	vld [tilespmem:s13+$0xFFFFFFF0]  }
0x2d4: {  	v1 =	vld [tilespmem:s13+$0xFFFFFEF0]  }
0x2d5: {  	v2 =	vld [tilespmem:s13+$0xFFFFFE70]  }
0x2d6: {  	v3 =	vld [tilespmem:s13+$0xFFFFFF70]  }
0x2d7: {  	v4 =	vld [tilespmem:s13+$0x70]  }
0x2d8: {  	v5 =	vld [tilespmem:s13+$0x170]  }
0x2d9: {  	v6 =	vld [tilespmem:s13+$0xF0]  }
0x2da: {  	v7 =	vld [tilespmem:s13+$0xFFFFFE10]  }
0x2db: {  	v8 =	vld [tilespmem:s13+$0x1F0]  }
0x2dc: {  	v9 =	vld [tilespmem:s13+$0xFFFFFE20]  }
0x2dd: {  	v10 =	vld [tilespmem:s13+$0xFFFFFE40]  }
0x2de: {  	v11 =	vld [tilespmem:s13+$0xFFFFFE80]  }
0x2df: {  	v12 =	vld [tilespmem:s13+$0x0]  }
0x2e0: {  	v13 =	vld [tilespmem:s13+$0xFFFFFF10]  }
0x2e1: {  	v14 =	vld [tilespmem:s13+$0xFFFFFEA0]  }
0x2e2: {  	v15 =	vld [tilespmem:s13+$0xFFFFFF20]  }
0x2e3: {  	v16 =	vld [tilespmem:s13+$0x20]  }
0x2e4: {  	v17 =	vld [tilespmem:s13+$0xFFFFFEB0]  }
0x2e5: {  	v18 =	vld [tilespmem:s13+$0xFFFFFF30]  }
0x2e6: {  	v19 =	vld [tilespmem:s13+$0x30]  }
0x2e7: {  	v20 =	vld [tilespmem:s13+$0xFFFFFEC0]  }
0x2e8: {  	v21 =	vld [tilespmem:s13+$0xFFFFFF40]  }
0x2e9: {  	v22 =	vld [tilespmem:s13+$0x40]  }
0x2ea: {  	v23 =	vld [tilespmem:s13+$0xFFFFFED0]  }
0x2eb: {  	v24 =	vld [tilespmem:s13+$0xFFFFFF50]  }
0x2ec: {  	v25 =	vld [tilespmem:s13+$0x50]  }
0x2ed: {  	v26 =	vld [tilespmem:s13+$0xFFFFFEE0]  }
0x2ee: {  	v27 =	vld [tilespmem:s13+$0xFFFFFF60]  }
0x2ef: {  	v28 =	vld [tilespmem:s13+$0x60]  }
0x2f0: {  	v29 =	vld [tilespmem:s13+$0xFFFFFF80]  }
0x2f1: {  	v30 =	vld [tilespmem:s13+$0x80]  }
0x2f2: {  	v31 =	vld [tilespmem:s13+$0x100]  }
0x2f3: {  	v32 =	vld [tilespmem:s13+$0xFFFFFF90]  }
0x2f4: {  	v33 =	vld [tilespmem:s13+$0x90]  }
0x2f5: {  	v34 =	vld [tilespmem:s13+$0x110]  }
0x2f6: {  	v35 =	vld [tilespmem:s13+$0xFFFFFFA0]  }
0x2f7: {  	v36 =	vld [tilespmem:s13+$0xA0]  }
0x2f8: {  	v37 =	vld [tilespmem:s13+$0x120]  }
0x2f9: {  	v38 =	vld [tilespmem:s13+$0xFFFFFFB0]  }
0x2fa: {  	v39 =	vld [tilespmem:s13+$0xB0]  }
0x2fb: {  	v40 =	vld [tilespmem:s13+$0x130]  }
0x2fc: {  	v41 =	vld [tilespmem:s13+$0xFFFFFFC0]  }
0x2fd: {  	v42 =	vld [tilespmem:s13+$0xC0]  }
0x2fe: {  	v43 =	vld [tilespmem:s13+$0x140]  }
0x2ff: {  	v44 =	vld [tilespmem:s13+$0xFFFFFFD0]  }
0x300: {  	v45 =	vld [tilespmem:s13+$0xD0]  }
0x301: {  	v46 =	vld [tilespmem:s13+$0x150]  }
0x302: {  	v47 =	vld [tilespmem:s13+$0xFFFFFFE0]  }
0x303: {  	v48 =	vld [tilespmem:s13+$0xE0]  }
0x304: {  	v49 =	vld [tilespmem:s13+$0x180]  }
0x305: {  	v59 =	vld [tilespmem:s13+$0x1A0]  }
0x306: {  	v60 =	vld [tilespmem:s13+$0x1B0]  }
0x307: {  	s15 =	simm.s32 $0x9200;
	v50 =	vld [tilespmem:s13+$0x1C0]  }
0x308: {  	v51 =	vld [tilespmem:s15+$0xFFFFFEF0]  }
0x309: {  	v54 =	vld [tilespmem:s15+$0xFFFFFE70]  }
0x30a: {  	v55 =	vld [tilespmem:s15+$0xFFFFFF70]  }
0x30b: {  	v56 =	vld [tilespmem:s15+$0x70]  }
0x30c: {  	v58 =	vld [tilespmem:s15+$0xF0];
	v2 =	vadd.f32 v2, v2;
	v3 =	vadd.f32 v3, v3  }
0x30d: {  	v5 =	vadd.f32 v5, v5;
	v57 =	vadd.f32 v43, v43;
	v43 =	vld [tilespmem:s15+$0xFFFFFE60]  }
0x30e: {  	s14 =	simm.s32 $0x12C80;
	v1 =	vadd.f32 v1, v2;
	v2 =	vadd.f32 v4, v4;
	v4 =	vld [tilespmem:s13+$0xFFFFFE30]  }
0x30f: {  	v24 =	vadd.f32 v24, v24;
	v0 =	vadd.f32 v0, v3;
	v3 =	vld [tilespmem:s14+$0xFFFFFFF0]  }
0x310: {  	v18 =	vadd.f32 v18, v18;
	v5 =	vadd.f32 v8, v5;
	v8 =	vld [tilespmem:s13+$0xFFFFFE60]  }
0x311: {  	v27 =	vadd.f32 v27, v27;
	v44 =	vadd.f32 v44, v24;
	v24 =	vld [tilespmem:s14+$0x40]  }
0x312: {  	v21 =	vadd.f32 v21, v21;
	v18 =	vadd.f32 v38, v18;
	v38 =	vld [tilespmem:s14+$0x50]  }
0x313: {  	v19 =	vadd.f32 v19, v19;
	v27 =	vadd.f32 v47, v27;
	v47 =	vld [tilespmem:s15+$0xFFFFFFF0]  }
0x314: {  	v25 =	vadd.f32 v25, v25;
	v21 =	vadd.f32 v41, v21;
	v41 =	vld [tilespmem:s15+$0xFFFFFE20]  }
0x315: {  	v28 =	vadd.f32 v28, v28;
	v19 =	vadd.f32 v39, v19;
	v39 =	vld [tilespmem:s15+$0xFFFFFE40]  }
0x316: {  	v31 =	vadd.f32 v31, v31;
	v25 =	vadd.f32 v45, v25;
	v45 =	vld [tilespmem:s15+$0xFFFFFF00]  }
0x317: {  	v28 =	vadd.f32 v48, v28;
	v48 =	vld [tilespmem:s15+$0xFFFFFE90];
	v2 =	vadd.f32 v6, v2;
	v1 =	vmul.f32 $4.000000000e+00, v1  }
0x318: {  	v9 =	vadd.f32 v9, v9;
	v53 =	vadd.f32 v49, v31;
	v49 =	vld [tilespmem:s15+$0xFFFFFF10]  }
0x319: {  	v22 =	vadd.f32 v22, v22;
	v6 =	vld [tilespmem:s13+$0xFFFFFE50];
	v0 =	vadd.f32 v0, v1;
	v1 =	vmul.f32 $4.000000000e+00, v2  }
0x31a: {  	v37 =	vadd.f32 v37, v37;
	v2 =	vld [tilespmem:s14+$0x70];
	v4 =	vadd.f32 v4, v4  }
0x31b: {  	v9 =	vadd.f32 v14, v9;
	v1 =	vadd.f32 v5, v1;
	v5 =	vld [tilespmem:s13+$0xFFFFFE00]  }
0x31c: {  	v14 =	vadd.f32 v17, v4;
	v17 =	vadd.f32 v59, v37;
	v59 =	vld [tilespmem:s15+$0x1F0]  }
0x31d: {  	v22 =	vadd.f32 v42, v22;
	v0 =	vmul.f32 $1.600000000e+01, v0;
	v37 =	vadd.f32 v50, v57;
	v50 =	vld [tilespmem:s15+$0x10]  }
0x31e: {  	v3 =	vadd.f32 v3, v3;
	v6 =	vadd.f32 v6, v6;
	v57 =	vld [tilespmem:s15+$0x30]  }
0x31f: {  	v4 =	vadd.f32 v8, v8;
	v0 =	vadd.f32 v1, v0;
	v1 =	vld [tilespmem:s13+$0xFFFFFF00]  }
0x320: {  	v22 =	vmul.f32 $4.000000000e+00, v22;
	v2 =	vadd.f32 v2, v3;
	v3 =	vld [tilespmem:s13+$0xFFFFFE90];
	v23 =	vadd.f32 v23, v6  }
0x321: {  	v6 =	vadd.f32 v12, v12;
	v12 =	vadd.f32 v26, v4;
	v26 =	vld [tilespmem:s13+$0x1D0]  }
0x322: {  	v7 =	vadd.f32 v7, v7;
	v14 =	vmul.f32 $4.000000000e+00, v14;
	v22 =	vadd.f32 v37, v22;
	v37 =	vld [tilespmem:s15+$0xFFFFFF80]  }
0x323: {  	v34 =	vadd.f32 v34, v34;
	v61 =	vadd.f32 v30, v6;
	v6 =	vld [tilespmem:s14+$0xFFFFFFA0]  }
0x324: {  	v31 =	vadd.f32 v54, v54;
	v0 =	vmul.f32 $4.000000000e+00, v0;
	v14 =	vadd.f32 v18, v14;
	v18 =	vld [tilespmem:s14+$0x10]  }
0x325: {  	v40 =	vadd.f32 v40, v40;
	v5 =	vadd.f32 v5, v5;
	v42 =	vmul.f32 $4.000000000e+00, v23;
	v23 =	vld [tilespmem:s14+$0x60]  }
0x326: {  	v31 =	vadd.f32 v51, v31;
	v0 =	vadd.f32 v0, v2;
	v2 =	vld [tilespmem:s13+$0x10]  }
0x327: {  	v12 =	vmul.f32 $4.000000000e+00, v12;
	v5 =	vadd.f32 v11, v5;
	v11 =	vld [tilespmem:s13+$0x160];
	v1 =	vadd.f32 v1, v1  }
0x328: {  	v52 =	vmul.f32 $4.000000000e+00, v61;
	v3 =	vadd.f32 v3, v7;
	v7 =	vadd.f32 v10, v10;
	v10 =	vld [tilespmem:s13+$0x190]  }
0x329: {  	v12 =	vadd.f32 v27, v12;
	v61 =	vadd.f32 v46, v46;
	v4 =	vmul.f32 $4.000000000e+00, v5;
	v5 =	vld [tilespmem:s14+$0xFFFFFF80]  }
0x32a: {  	v1 =	vadd.f32 v29, v1;
	v27 =	vadd.f32 v53, v52;
	v52 =	vld [tilespmem:s15+$0xFFFFFEA0]  }
0x32b: {  	v29 =	vadd.f32 v56, v56;
	v26 =	vadd.f32 v26, v61;
	v53 =	vld [tilespmem:s15+$0xFFFFFF20]  }
0x32c: {  	v56 =	vld [tilespmem:s15+$0xFFFFFF30];
	v61 =	vadd.f32 v41, v41;
	v8 =	vadd.f32 v20, v7  }
0x32d: {  	v41 =	vld [tilespmem:s15+$0x90];
	v7 =	vadd.f32 v13, v13;
	v20 =	vadd.f32 v60, v40  }
0x32e: {  	v25 =	vmul.f32 $4.000000000e+00, v25;
	v13 =	vld [tilespmem:s13+$0x1E0];
	v6 =	vadd.f32 v6, v6;
	v2 =	vadd.f32 v2, v2  }
0x32f: {  	v9 =	vmul.f32 $4.000000000e+00, v9;
	v60 =	vld [tilespmem:s15+$0xFFFFFE10];
	v30 =	vadd.f32 v1, v4;
	v4 =	vadd.f32 v15, v15  }
0x330: {  	v19 =	vmul.f32 $4.000000000e+00, v19;
	v40 =	vld [tilespmem:s15+$0xFFFFFF90];
	v29 =	vadd.f32 v58, v29;
	v25 =	vadd.f32 v26, v25  }
0x331: {  	v1 =	vmul.f32 $4.000000000e+00, v3;
	v26 =	vadd.f32 v45, v45;
	v3 =	vadd.f32 v32, v7;
	v7 =	vld [tilespmem:s14+$0xFFFFFF90]  }
0x332: {  	v14 =	vmul.f32 $1.600000000e+01, v14;
	v32 =	vld [tilespmem:s14+$0x0];
	v19 =	vadd.f32 v20, v19;
	v11 =	vadd.f32 v11, v11  }
0x333: {  	v0 =	vtrunc.f32 v0;
	v20 =	vld [tilespmem:s15+$0xFFFFFE30];
	v15 =	vadd.f32 v33, v2;
	v2 =	vadd.f32 v16, v16  }
0x334: {  	v8 =	vmul.f32 $4.000000000e+00, v8;
	v62 =	vadd.f32 v35, v4;
	v4 =	vld [tilespmem:s14+$0xFFFFFFC0];
	v10 =	vadd.f32 v10, v34  }
0x335: {  	v0 =	vcvt.f32.s32 v0;
	v35 =	vld [tilespmem:s14+$0x20];
	v34 =	vadd.f32 v55, v55;
	v16 =	vadd.f32 v3, v1  }
0x336: {  	v28 =	vmul.f32 $4.000000000e+00, v28;
	v55 =	vld [tilespmem:s15+$0xFFFFFEB0];
	v8 =	vadd.f32 v21, v8;
	v21 =	vadd.f32 v44, v42  }
0x337: {  	v30 =	vmul.f32 $1.600000000e+01, v30;
	v3 =	vld [tilespmem:s14+$0xFFFFFFB0];
	v14 =	vadd.f32 v19, v14;
	v5 =	vadd.f32 v5, v5  }
0x338: {  	v1 =	vld [tilespmem:s14+$0xFFFFFFD0];
	v63 =	vadd.f32 v36, v2;
	v9 =	vadd.f32 v62, v9;
	v15 =	vmul.f32 $4.000000000e+00, v15  }
0x339: {  	v31 =	vmul.f32 $4.000000000e+00, v31;
	v44 =	vld [tilespmem:s15+$0xFFFFFE80];
	v34 =	vadd.f32 v47, v34;
	v11 =	vadd.f32 v13, v11  }
0x33a: {  	v42 =	vld [tilespmem:s15+$0x60];
	v27 =	vadd.f32 v27, v30;
	v10 =	vadd.f32 v10, v15  }
0x33b: {  	v0 =	vld.idx.msk [tilespmem:v0+s22+$0x0], $0xffff;
	v8 =	vmul.f32 $1.600000000e+01, v8;
	v31 =	vadd.f32 v34, v31;
	v11 =	vadd.f32 v11, v28  }
0x33c: {  	v2 =	vld [tilespmem:s14+$0xFFFFFFE0];
	v21 =	vmul.f32 $1.600000000e+01, v21;
	v7 =	vadd.f32 v7, v7;
	v5 =	vadd.f32 v32, v5  }
0x33d: {  	s11 =	simm.s32 $0x12D80;
	v36 =	vld [tilespmem:s14+$0x30];
	v54 =	vmul.f32 $4.000000000e+00, v27;
	v20 =	vadd.f32 v20, v20;
	v27 =	vadd.f32 v56, v56  }
0x33e: {  	v12 =	vmul.f32 $1.600000000e+01, v12;
	v62 =	vld [tilespmem:s11+$0xFFFFFFF0];
	v8 =	vadd.f32 v22, v8;
	v51 =	vadd.f32 v25, v21  }
0x33f: {  	v13 =	vld [tilespmem:s15+$0xFFFFFE00];
	v33 =	vmul.f32 $4.000000000e+00, v63;
	v6 =	vadd.f32 v35, v6;
	v4 =	vadd.f32 v4, v4  }
0x340: {  	v47 =	vld [tilespmem:s15+$0x0];
	v16 =	vmul.f32 $1.600000000e+01, v16;
	v21 =	vadd.f32 v52, v61;
	v22 =	vadd.f32 v53, v53  }
0x341: {  	v15 =	vld [tilespmem:s15+$0x170];
	v25 =	vadd.f32 v57, v57;
	v17 =	vadd.f32 v17, v33  }
0x342: {  	v34 =	vld [tilespmem:s15+$0xFFFFFE50];
	v10 =	vadd.f32 v10, v16;
	v11 =	vadd.f32 v11, v12  }
0x343: {  	v29 =	vmul.f32 $4.000000000e+00, v29;
	v63 =	vld [tilespmem:s11+$0x70];
	v7 =	vadd.f32 v18, v7;
	v3 =	vadd.f32 v3, v3  }
0x344: {  	v14 =	vmul.f32 $4.000000000e+00, v14;
	v56 =	vld [tilespmem:s15+$0xFFFFFFE0];
	v5 =	vadd.f32 v54, v5;
	v58 =	vadd.f32 v1, v1  }
0x345: {  	v9 =	vmul.f32 $1.600000000e+01, v9;
	v52 =	vld [tilespmem:s15+$0x120];
	v18 =	vadd.f32 v55, v20;
	v16 =	vadd.f32 v49, v49  }
0x346: {  	v53 =	vld [tilespmem:s15+$0xFFFFFFD0];
	v31 =	vmul.f32 $1.600000000e+01, v31;
	v33 =	vadd.f32 v62, v62;
	v4 =	vadd.f32 v24, v4  }
0x347: {  	v57 =	vld [tilespmem:s15+$0x180];
	v8 =	vmul.f32 $4.000000000e+00, v8;
	v2 =	vadd.f32 v2, v2;
	v13 =	vadd.f32 v13, v13  }
0x348: {  	v61 =	vld [tilespmem:s15+$0x150];
	v19 =	vmul.f32 $4.000000000e+00, v51;
	v30 =	vadd.f32 v47, v47;
	v24 =	vadd.f32 v37, v26  }
0x349: {  	v12 =	vld [tilespmem:s15+$0x20];
	v21 =	vmul.f32 $4.000000000e+00, v21;
	v9 =	vadd.f32 v17, v9;
	v3 =	vadd.f32 v36, v3  }
0x34a: {  	v49 =	vld [tilespmem:s15+$0x110];
	v10 =	vmul.f32 $4.000000000e+00, v10;
	v36 =	vadd.f32 v39, v39;
	v17 =	vadd.f32 v50, v50  }
0x34b: {  	v54 =	vld [tilespmem:s15+$0xD0];
	v11 =	vmul.f32 $4.000000000e+00, v11;
	v16 =	vadd.f32 v40, v16;
	v15 =	vadd.f32 v15, v15  }
0x34c: {  	v55 =	vld [tilespmem:s15+$0x130];
	v5 =	vtrunc.f32 v5;
	v46 =	vadd.f32 v63, v33;
	v2 =	vadd.f32 v23, v2  }
0x34d: {  	v62 =	vld [tilespmem:s15+$0xFFFFFEE0];
	v18 =	vmul.f32 $4.000000000e+00, v18;
	v4 =	vadd.f32 v8, v4;
	v13 =	vadd.f32 v44, v13  }
0x34e: {  	v47 =	vld [tilespmem:s15+$0xFFFFFFB0];
	v5 =	vcvt.f32.s32 v5;
	v7 =	vadd.f32 v10, v7;
	v3 =	vadd.f32 v14, v3  }
0x34f: {  	v39 =	vld [tilespmem:s15+$0x80];
	v9 =	vmul.f32 $4.000000000e+00, v9;
	v17 =	vadd.f32 v41, v17;
	v15 =	vadd.f32 v59, v15  }
0x350: {  	v51 =	vld [tilespmem:s15+$0xC0];
	v11 =	vadd.f32 v11, v2;
	v2 =	vadd.f32 v60, v60;
	v13 =	vmul.f32 $4.000000000e+00, v13  }
0x351: {  	v63 =	vld [tilespmem:s15+$0xFFFFFF60];
	v12 =	vadd.f32 v12, v12;
	v4 =	vtrunc.f32 v4;
	v26 =	vadd.f32 v49, v49  }
0x352: {  	v44 =	vld [tilespmem:s15+$0xA0];
	v6 =	vadd.f32 v9, v6;
	v7 =	vtrunc.f32 v7;
	v15 =	vadd.f32 v15, v29  }
0x353: {  	v10 =	vld [tilespmem:s15+$0xFFFFFEC0];
	v3 =	vtrunc.f32 v3;
	v2 =	vadd.f32 v48, v2;
	v29 =	vadd.f32 v43, v43  }
0x354: {  	v14 =	vld [tilespmem:s15+$0x40];
	v17 =	vmul.f32 $4.000000000e+00, v17;
	v20 =	vadd.f32 v39, v30;
	v13 =	vadd.f32 v24, v13  }
0x355: {  	v50 =	vld [tilespmem:s15+$0xFFFFFFC0];
	v24 =	vadd.f32 v47, v27;
	v7 =	vcvt.f32.s32 v7;
	v11 =	vtrunc.f32 v11  }
0x356: {  	v60 =	vld [tilespmem:s15+$0x50];
	v3 =	vcvt.f32.s32 v3;
	v27 =	vadd.f32 v52, v52;
	v30 =	vadd.f32 v55, v55  }
0x357: {  	v9 =	vld [tilespmem:s15+$0xFFFFFF40];
	v12 =	vadd.f32 v44, v12;
	v6 =	vtrunc.f32 v6;
	v28 =	vadd.f32 v63, v63  }
0x358: {  	v43 =	vld [tilespmem:s15+$0xFFFFFFA0];
	v11 =	vcvt.f32.s32 v11;
	v15 =	vadd.f32 v15, v31;
	v10 =	vadd.f32 v10, v36  }
0x359: {  	v48 =	vld [tilespmem:s15+$0xB0];
	v29 =	vadd.f32 v62, v29;
	v45 =	vmul.f32 $4.000000000e+00, v2;
	v14 =	vadd.f32 v14, v14  }
0x35a: {  	v41 =	vld [tilespmem:s11+$0xFFFFFF90];
	v2 =	vunpack.i.u.bf16.f32 v0;
	v18 =	vadd.f32 v24, v18;
	v31 =	vadd.f32 v42, v42  }
0x35b: {  	v62 =	vld [tilespmem:s15+$0x1B0];
	v23 =	vadd.f32 v60, v60;
	v15 =	vmul.f32 $4.000000000e+00, v15;
	v16 =	vadd.f32 v16, v45  }
0x35c: {  	v0 =	vunpack.i.l.bf16.f32 v0;
	v42 =	vld [tilespmem:s11+$0xFFFFFFA0];
	v9 =	vadd.f32 v9, v9;
	v14 =	vadd.f32 v51, v14  }
0x35d: {  	v44 =	vld [tilespmem:s11+$0xFFFFFFC0];
	v6 =	vcvt.f32.s32 v6;
	v22 =	vadd.f32 v43, v22;
	v15 =	vadd.f32 v15, v46  }
0x35e: {  	v60 =	vld [tilespmem:s15+$0x1A0];
	v10 =	vmul.f32 $4.000000000e+00, v10;
	v25 =	vadd.f32 v48, v25;
	v23 =	vadd.f32 v54, v23  }
0x35f: {  	v63 =	vld [tilespmem:s15+$0x160];
	v9 =	vadd.f32 v50, v9;
	v50 =	vadd.f32 v41, v41;
	v15 =	vtrunc.f32 v15  }
0x360: {  	v49 =	vld [tilespmem:s11+$0x20];
	v21 =	vadd.f32 v22, v21;
	v22 =	vadd.f32 v56, v28;
	v15 =	vcvt.f32.s32 v15  }
0x361: {  	v8 =	vld [tilespmem:s15+$0xFFFFFED0];
	v29 =	vmul.f32 $4.000000000e+00, v29;
	v30 =	vadd.f32 v62, v30;
	v52 =	vadd.f32 v42, v42  }
0x362: {  	v59 =	vld [tilespmem:s15+$0xFFFFFF50];
	v25 =	vmul.f32 $4.000000000e+00, v25;
	v56 =	vadd.f32 v44, v44;
	v9 =	vadd.f32 v9, v10  }
0x363: {  	v12 =	vmul.f32 $4.000000000e+00, v12;
	v46 =	vld [tilespmem:s15+$0x100];
	v27 =	vadd.f32 v60, v27;
	v22 =	vadd.f32 v22, v29  }
0x364: {  	v36 =	vld [tilespmem:s15+$0x1C0];
	v18 =	vmul.f32 $1.600000000e+01, v18;
	v29 =	vadd.f32 v63, v63;
	v25 =	vadd.f32 v30, v25  }
0x365: {  	v10 =	vld [tilespmem:s15+$0xE0];
	v21 =	vmul.f32 $1.600000000e+01, v21;
	v60 =	vadd.f32 v49, v52;
	v12 =	vadd.f32 v27, v12  }
0x366: {  	v20 =	vmul.f32 $4.000000000e+00, v20;
	v18 =	vadd.f32 v25, v18;
	v1 =	vld.idx.msk [tilespmem:v15+s22+$0x0], $0xffff;
	v15 =	vadd.f32 v38, v58  }
0x367: {  	v13 =	vmul.f32 $1.600000000e+01, v13;
	v43 =	vld [tilespmem:s11+$0xFFFFFFB0];
	v12 =	vadd.f32 v12, v21;
	v38 =	vadd.f32 v34, v34  }
0x368: {  	v58 =	vld [tilespmem:s15+$0x140];
	v34 =	vcvt.f32.s32 v4;
	v4 =	vadd.f32 v46, v46;
	v15 =	vadd.f32 v19, v15  }
0x369: {  	v16 =	vmul.f32 $1.600000000e+01, v16;
	v8 =	vadd.f32 v8, v38;
	v19 =	vadd.f32 v59, v59;
	v59 =	vld [tilespmem:s15+$0x190]  }
0x36a: {  	v14 =	vmul.f32 $4.000000000e+00, v14;
	v10 =	vadd.f32 v10, v31;
	v4 =	vadd.f32 v57, v4;
	v38 =	vld [tilespmem:s15+$0x1D0]  }
0x36b: {  	v39 =	vld [tilespmem:s15+$0x1E0];
	v31 =	vadd.f32 v61, v61;
	v8 =	vmul.f32 $4.000000000e+00, v8;
	v19 =	vadd.f32 v53, v19  }
0x36c: {  	v23 =	vmul.f32 $4.000000000e+00, v23;
	v4 =	vadd.f32 v4, v20;
	v53 =	vadd.f32 v43, v43  }
0x36d: {  	v40 =	vld [tilespmem:s11+$0xFFFFFF80];
	v9 =	vmul.f32 $1.600000000e+01, v9;
	v24 =	vadd.f32 v58, v58;
	v8 =	vadd.f32 v19, v8  }
0x36e: {  	v45 =	vld [tilespmem:s11+$0xFFFFFFE0];
	v47 =	vmul.f32 $1.600000000e+01, v22;
	v4 =	vadd.f32 v4, v13;
	v19 =	vadd.f32 v59, v26  }
0x36f: {  	v18 =	vmul.f32 $4.000000000e+00, v18;
	v13 =	vld [tilespmem:s11+$0xFFFFFFD0];
	v24 =	vadd.f32 v36, v24;
	v28 =	vadd.f32 v38, v31  }
0x370: {  	v51 =	vld [tilespmem:s11+$0x30];
	v10 =	vmul.f32 $4.000000000e+00, v10;
	v17 =	vadd.f32 v19, v17;
	v19 =	vadd.f32 v39, v29  }
0x371: {  	v46 =	vld [tilespmem:s11+$0x0];
	v8 =	vmul.f32 $1.600000000e+01, v8;
	v14 =	vadd.f32 v24, v14;
	v23 =	vadd.f32 v28, v23  }
0x372: {  	v48 =	vld [tilespmem:s11+$0x10];
	v55 =	vmul.f32 $4.000000000e+00, v12;
	v16 =	vadd.f32 v17, v16;
	v10 =	vadd.f32 v19, v10  }
0x373: {  	v57 =	vld [tilespmem:s11+$0x50];
	v15 =	vtrunc.f32 v15;
	v9 =	vadd.f32 v14, v9;
	v8 =	vadd.f32 v23, v8  }
0x374: {  	v54 =	vld [tilespmem:s11+$0x40];
	v15 =	vcvt.f32.s32 v15;
	v14 =	vadd.f32 v40, v40;
	v58 =	vadd.f32 v13, v13  }
0x375: {  	v37 =	vunpack.i.u.bf16.f32 v1;
	v17 =	vadd.f32 v45, v45;
	v13 =	vld.idx.msk [tilespmem:v5+s22+$0x0], $0xffff;
	v5 =	vadd.f32 v51, v53  }
0x376: {  	v4 =	vmul.f32 $4.000000000e+00, v4;
	v10 =	vadd.f32 v10, v47;
	v12 =	vadd.f32 v46, v14;
	v14 =	vld [tilespmem:s11+$0x60]  }
0x377: {  	v16 =	vmul.f32 $4.000000000e+00, v16;
	v59 =	vmul.f32 $4.000000000e+00, v9;
	v9 =	vadd.f32 v48, v50  }
0x378: {  	v11 =	vld.idx.msk [tilespmem:v11+s22+$0x0], $0xffff;
	v1 =	vunpack.i.l.bf16.f32 v1;
	v63 =	vadd.f32 v57, v58;
	v18 =	vadd.f32 v18, v5  }
0x379: {  	s13 =	simm.s32 $0x16C80;
	v61 =	vmul.f32 $4.000000000e+00, v8;
	v4 =	vadd.f32 v4, v12;
	v12 =	vld.idx.msk [tilespmem:v7+s22+$0x0], $0xffff;
	v9 =	vadd.f32 v16, v9  }
0x37a: {  	[tilespmem:s13+$0x70] =	vst v2;
	v62 =	vmul.f32 $4.000000000e+00, v10;
	v10 =	vadd.f32 v54, v56;
	v7 =	vld.idx.msk [tilespmem:v6+s22+$0x0], $0xffff;
	v6 =	vadd.f32 v55, v60  }
0x37b: {  	s12 =	simm.s32 $0x16D80;
	[tilespmem:s13+$0xFFFFFFF0] =	vst v0;
	v8 =	vld.idx.msk [tilespmem:v3+s22+$0x0], $0xffff;
	v3 =	vadd.f32 v61, v63;
	v2 =	vtrunc.f32 v4;
	v17 =	vadd.f32 v14, v17  }
0x37c: {  	[tilespmem:s12+$0x70] =	vst v37;
	v4 =	vtrunc.f32 v9;
	v9 =	vld.idx.msk [tilespmem:v34+s22+$0x0], $0xffff;
	v5 =	vtrunc.f32 v6;
	v6 =	vadd.f32 v59, v10  }
0x37d: {  	s14 =	simm.s32 $0x8;
	s15 =	simm.s32 $0x9600;
	[tilespmem:s12+$0xFFFFFFF0] =	vst v1;
	v10 =	vld.idx.msk [tilespmem:v15+s22+$0x0], $0xffff;
	v0 =	vcvt.f32.s32 v2;
	v14 =	vtrunc.f32 v18;
	v2 =	vadd.f32 v62, v17  }
.LBB2_11:
0x37e: {  	v15 =	vld [tilespmem:s15+$0xFFFFFFF0];
	v1 =	vtrunc.f32 v6;
	v16 =	vtrunc.f32 v3;
	v3 =	vunpack.i.u.bf16.f32 v13  }
0x37f: {  	v4 =	vcvt.f32.s32 v4;
	v17 =	vld [tilespmem:s15+$0xFFFFFEF0];
	v18 =	vtrunc.f32 v2;
	v2 =	vunpack.i.l.bf16.f32 v13;
	[tilespmem:s13+$0x0] =	vst v3  }
0x380: {  	s14 =	sadd.s32 $0x8, s14;
	v6 =	vcvt.f32.s32 v5;
	v3 =	vcvt.f32.s32 v14;
	v14 =	vunpack.i.u.bf16.f32 v12;
	v13 =	vld [tilespmem:s15+$0xFFFFFE70];
	[tilespmem:s13+$0xFFFFFF80] =	vst v2  }
0x381: {  	p2 =	slt.u32 s14, $0x78;
	v5 =	vcvt.f32.s32 v1;
	v12 =	vunpack.i.l.bf16.f32 v12;
	v2 =	vcvt.f32.s32 v16;
	v19 =	vld [tilespmem:s15+$0xFFFFFF70];
	[tilespmem:s13+$0x10] =	vst v14  }
0x382: {  	v1 =	vcvt.f32.s32 v18;
	v14 =	vld [tilespmem:s15+$0x70];
	[tilespmem:s13+$0xFFFFFF90] =	vst v12;
	v12 =	vunpack.i.u.bf16.f32 v7;
	v7 =	vunpack.i.l.bf16.f32 v7  }
0x383: {  	v18 =	vunpack.i.u.bf16.f32 v9;
	v16 =	vld [tilespmem:s15+$0x170];
	[tilespmem:s13+$0xFFFFFFA0] =	vst v7;
	v7 =	vunpack.i.u.bf16.f32 v8;
	v8 =	vunpack.i.l.bf16.f32 v8  }
0x384: {  	v9 =	vunpack.i.l.bf16.f32 v9;
	v20 =	vld [tilespmem:s15+$0xF0];
	[tilespmem:s13+$0x20] =	vst v12;
	v12 =	vunpack.i.u.bf16.f32 v10;
	v10 =	vunpack.i.l.bf16.f32 v10  }
0x385: {  	v21 =	vld [tilespmem:s15+$0xFFFFFE10];
	v13 =	vadd.f32 v13, v13;
	[tilespmem:s13+$0xFFFFFFB0] =	vst v8;
	v8 =	vunpack.i.u.bf16.f32 v11;
	v11 =	vunpack.i.l.bf16.f32 v11  }
0x386: {  	v22 =	vld [tilespmem:s15+$0x1F0];
	v19 =	vadd.f32 v19, v19;
	[tilespmem:s13+$0x30] =	vst v7  }
0x387: {  	v7 =	vld [tilespmem:s15+$0xFFFFFE20];
	v13 =	vadd.f32 v17, v13;
	v14 =	vadd.f32 v14, v14;
	[tilespmem:s13+$0xFFFFFFC0] =	vst v9  }
0x388: {  	v9 =	vld [tilespmem:s15+$0xFFFFFE30];
	v16 =	vadd.f32 v16, v16;
	[tilespmem:s13+$0x40] =	vst v18  }
0x389: {  	s11 =	sadd.s32 $0x100, s11;
	v15 =	vadd.f32 v15, v19;
	v17 =	vld [tilespmem:s15+$0xFFFFFE40];
	v14 =	vadd.f32 v20, v14;
	v13 =	vmul.f32 $4.000000000e+00, v13;
	[tilespmem:s13+$0xFFFFFFD0] =	vst v10  }
0x38a: {  	v10 =	vadd.f32 v21, v21;
	v18 =	vld [tilespmem:s11+$0xFFFFFFF0];
	[tilespmem:s13+$0x50] =	vst v12  }
0x38b: {  	v12 =	vld [tilespmem:s15+$0xFFFFFE50];
	v16 =	vadd.f32 v22, v16;
	v13 =	vadd.f32 v15, v13;
	v14 =	vmul.f32 $4.000000000e+00, v14;
	[tilespmem:s13+$0xFFFFFFE0] =	vst v11  }
0x38c: {  	v7 =	vadd.f32 v7, v7;
	v11 =	vld [tilespmem:s11+$0x70];
	[tilespmem:s13+$0x60] =	vst v8;
	s13 =	smov.u32 s12  }
0x38d: {  	v8 =	vadd.f32 v9, v9;
	v9 =	vld [tilespmem:s15+$0xFFFFFE60];
	v14 =	vadd.f32 v16, v14;
	v13 =	vmul.f32 $1.600000000e+01, v13  }
0x38e: {  	v15 =	vld [tilespmem:s15+$0xFFFFFE00];
	v16 =	vadd.f32 v17, v17  }
0x38f: {  	v17 =	vld [tilespmem:s15+$0xFFFFFE80];
	v18 =	vadd.f32 v18, v18;
	v13 =	vadd.f32 v14, v13  }
0x390: {  	v14 =	vld [tilespmem:s15+$0xFFFFFF00];
	v12 =	vadd.f32 v12, v12  }
0x391: {  	v19 =	vld [tilespmem:s15+$0x0];
	v11 =	vadd.f32 v11, v18;
	v13 =	vmul.f32 $4.000000000e+00, v13  }
0x392: {  	v18 =	vld [tilespmem:s15+$0xFFFFFE90];
	v9 =	vadd.f32 v9, v9  }
0x393: {  	v15 =	vadd.f32 v15, v15;
	v20 =	vld [tilespmem:s15+$0xFFFFFF10];
	v11 =	vadd.f32 v13, v11  }
0x394: {  	v13 =	vld [tilespmem:s15+$0x10]  }
0x395: {  	v15 =	vadd.f32 v17, v15;
	v14 =	vadd.f32 v14, v14;
	v17 =	vld [tilespmem:s15+$0xFFFFFEA0];
	v11 =	vtrunc.f32 v11  }
0x396: {  	v19 =	vadd.f32 v19, v19;
	v21 =	vld [tilespmem:s15+$0xFFFFFF20];
	v11 =	vcvt.f32.s32 v11  }
0x397: {  	v15 =	vmul.f32 $4.000000000e+00, v15;
	v10 =	vadd.f32 v18, v10;
	v18 =	vld [tilespmem:s15+$0x20]  }
0x398: {  	v20 =	vadd.f32 v20, v20;
	v22 =	vld [tilespmem:s15+$0xFFFFFEB0]  }
0x399: {  	v13 =	vadd.f32 v13, v13;
	v10 =	vmul.f32 $4.000000000e+00, v10;
	v23 =	vld [tilespmem:s15+$0xFFFFFF30]  }
0x39a: {  	v7 =	vadd.f32 v17, v7;
	v17 =	vld [tilespmem:s15+$0x30]  }
0x39b: {  	v21 =	vadd.f32 v21, v21;
	v24 =	vld [tilespmem:s15+$0xFFFFFEC0]  }
0x39c: {  	v18 =	vadd.f32 v18, v18;
	v7 =	vmul.f32 $4.000000000e+00, v7;
	v11 =	vld.idx.msk [tilespmem:v11+s22+$0x0], $0xffff  }
0x39d: {  	v8 =	vadd.f32 v22, v8;
	v22 =	vld [tilespmem:s15+$0xFFFFFF40]  }
0x39e: {  	v23 =	vadd.f32 v23, v23;
	v25 =	vld [tilespmem:s15+$0x40]  }
0x39f: {  	v17 =	vadd.f32 v17, v17;
	v8 =	vmul.f32 $4.000000000e+00, v8;
	v26 =	vld [tilespmem:s15+$0xFFFFFED0]  }
0x3a0: {  	v16 =	vadd.f32 v24, v16;
	v24 =	vld [tilespmem:s15+$0xFFFFFF50]  }
0x3a1: {  	v27 =	vld [tilespmem:s15+$0x50]  }
0x3a2: {  	s12 =	sadd.s32 $0x100, s12;
	v29 =	vunpack.i.u.bf16.f32 v11;
	v22 =	vadd.f32 v22, v22;
	v16 =	vmul.f32 $4.000000000e+00, v16;
	v28 =	vld [tilespmem:s15+$0xFFFFFEE0]  }
0x3a3: {  	v11 =	vunpack.i.l.bf16.f32 v11;
	v25 =	vadd.f32 v25, v25;
	v30 =	vld [tilespmem:s15+$0xFFFFFF60];
	[tilespmem:s12+$0x70] =	vst v29  }
0x3a4: {  	v12 =	vadd.f32 v26, v12;
	v26 =	vld [tilespmem:s15+$0x60];
	[tilespmem:s12+$0xFFFFFFF0] =	vst v11  }
0x3a5: {  	v11 =	vld [tilespmem:s15+$0xFFFFFF80];
	v24 =	vadd.f32 v24, v24  }
0x3a6: {  	v29 =	vld [tilespmem:s15+$0x80];
	v27 =	vadd.f32 v27, v27;
	v12 =	vmul.f32 $4.000000000e+00, v12  }
0x3a7: {  	v31 =	vld [tilespmem:s15+$0x100];
	v9 =	vadd.f32 v28, v9  }
0x3a8: {  	v28 =	vld [tilespmem:s15+$0xFFFFFF90];
	v30 =	vadd.f32 v30, v30  }
0x3a9: {  	v32 =	vld [tilespmem:s15+$0x90];
	v26 =	vadd.f32 v26, v26;
	v9 =	vmul.f32 $4.000000000e+00, v9  }
0x3aa: {  	v11 =	vadd.f32 v11, v14;
	v14 =	vld [tilespmem:s15+$0x110]  }
0x3ab: {  	v19 =	vadd.f32 v29, v19;
	v29 =	vld [tilespmem:s15+$0xFFFFFFA0]  }
0x3ac: {  	v31 =	vadd.f32 v31, v31;
	v11 =	vadd.f32 v11, v15;
	v15 =	vld [tilespmem:s15+$0xA0]  }
0x3ad: {  	v19 =	vmul.f32 $4.000000000e+00, v19;
	v20 =	vadd.f32 v28, v20;
	v28 =	vld [tilespmem:s15+$0x120]  }
0x3ae: {  	v11 =	vmul.f32 $1.600000000e+01, v11;
	v13 =	vadd.f32 v32, v13;
	v32 =	vld [tilespmem:s15+$0xFFFFFFB0]  }
0x3af: {  	v14 =	vadd.f32 v14, v14;
	v10 =	vadd.f32 v20, v10;
	v20 =	vld [tilespmem:s15+$0xB0]  }
0x3b0: {  	v13 =	vmul.f32 $4.000000000e+00, v13;
	v21 =	vadd.f32 v29, v21;
	v29 =	vld [tilespmem:s15+$0x130]  }
0x3b1: {  	v10 =	vmul.f32 $1.600000000e+01, v10;
	v15 =	vadd.f32 v15, v18;
	v18 =	vld [tilespmem:s15+$0xFFFFFFC0]  }
0x3b2: {  	v28 =	vadd.f32 v28, v28;
	v7 =	vadd.f32 v21, v7;
	v21 =	vld [tilespmem:s15+$0xC0]  }
0x3b3: {  	v15 =	vmul.f32 $4.000000000e+00, v15;
	v23 =	vadd.f32 v32, v23;
	v32 =	vld [tilespmem:s15+$0x140]  }
0x3b4: {  	v7 =	vmul.f32 $1.600000000e+01, v7;
	v17 =	vadd.f32 v20, v17;
	v20 =	vld [tilespmem:s15+$0xFFFFFFD0]  }
0x3b5: {  	v29 =	vadd.f32 v29, v29;
	v8 =	vadd.f32 v23, v8;
	v23 =	vld [tilespmem:s15+$0xD0]  }
0x3b6: {  	v17 =	vmul.f32 $4.000000000e+00, v17;
	v18 =	vadd.f32 v18, v22;
	v22 =	vld [tilespmem:s15+$0x150]  }
0x3b7: {  	v8 =	vmul.f32 $1.600000000e+01, v8;
	v21 =	vadd.f32 v21, v25;
	v25 =	vld [tilespmem:s15+$0xFFFFFFE0]  }
0x3b8: {  	v32 =	vadd.f32 v32, v32;
	v16 =	vadd.f32 v18, v16;
	v18 =	vld [tilespmem:s15+$0xE0]  }
0x3b9: {  	v21 =	vmul.f32 $4.000000000e+00, v21;
	v20 =	vadd.f32 v20, v24;
	v24 =	vld [tilespmem:s15+$0x160]  }
0x3ba: {  	v33 =	vld [tilespmem:s15+$0x180];
	v16 =	vmul.f32 $1.600000000e+01, v16;
	v23 =	vadd.f32 v23, v27  }
0x3bb: {  	v27 =	vld [tilespmem:s15+$0x190];
	v22 =	vadd.f32 v22, v22;
	v12 =	vadd.f32 v20, v12  }
0x3bc: {  	v20 =	vld [tilespmem:s15+$0x1A0];
	v23 =	vmul.f32 $4.000000000e+00, v23;
	v25 =	vadd.f32 v25, v30  }
0x3bd: {  	v30 =	vld [tilespmem:s15+$0x1B0];
	v12 =	vmul.f32 $1.600000000e+01, v12;
	v18 =	vadd.f32 v18, v26  }
0x3be: {  	v26 =	vld [tilespmem:s15+$0x1C0];
	v24 =	vadd.f32 v24, v24;
	v9 =	vadd.f32 v25, v9  }
0x3bf: {  	v25 =	vadd.f32 v33, v31;
	v31 =	vld [tilespmem:s15+$0x1D0];
	v18 =	vmul.f32 $4.000000000e+00, v18  }
0x3c0: {  	v14 =	vadd.f32 v27, v14;
	v27 =	vld [tilespmem:s15+$0x1E0];
	v9 =	vmul.f32 $1.600000000e+01, v9  }
0x3c1: {  	v33 =	vld [tilespmem:s11+$0xFFFFFF80];
	v19 =	vadd.f32 v25, v19;
	v20 =	vadd.f32 v20, v28  }
0x3c2: {  	v25 =	vld [tilespmem:s11+$0xFFFFFF90];
	v13 =	vadd.f32 v14, v13;
	v14 =	vadd.f32 v30, v29  }
0x3c3: {  	v28 =	vld [tilespmem:s11+$0xFFFFFFA0];
	v15 =	vadd.f32 v20, v15;
	v20 =	vadd.f32 v26, v32  }
0x3c4: {  	v26 =	vld [tilespmem:s11+$0xFFFFFFB0];
	v14 =	vadd.f32 v14, v17;
	v17 =	vadd.f32 v31, v22  }
0x3c5: {  	v22 =	vld [tilespmem:s11+$0xFFFFFFC0];
	v20 =	vadd.f32 v20, v21;
	v21 =	vadd.f32 v27, v24  }
0x3c6: {  	v11 =	vadd.f32 v19, v11;
	v19 =	vld [tilespmem:s11+$0xFFFFFFD0];
	v17 =	vadd.f32 v17, v23  }
0x3c7: {  	v10 =	vadd.f32 v13, v10;
	v13 =	vld [tilespmem:s11+$0xFFFFFFE0];
	v18 =	vadd.f32 v21, v18  }
0x3c8: {  	v11 =	vmul.f32 $4.000000000e+00, v11;
	v7 =	vadd.f32 v15, v7;
	v8 =	vadd.f32 v14, v8;
	v21 =	vld [tilespmem:s11+$0x0]  }
0x3c9: {  	v10 =	vmul.f32 $4.000000000e+00, v10;
	v15 =	vadd.f32 v20, v16;
	v12 =	vadd.f32 v17, v12;
	v14 =	vld [tilespmem:s11+$0x10]  }
0x3ca: {  	v16 =	vadd.f32 v33, v33;
	v20 =	vmul.f32 $4.000000000e+00, v7;
	v7 =	vadd.f32 v18, v9;
	v17 =	vld [tilespmem:s11+$0x20]  }
0x3cb: {  	v24 =	vmul.f32 $4.000000000e+00, v8;
	v9 =	vadd.f32 v25, v25;
	v18 =	vadd.f32 v28, v28;
	v23 =	vld [tilespmem:s11+$0x30]  }
0x3cc: {  	v8 =	vadd.f32 v26, v26;
	v15 =	vmul.f32 $4.000000000e+00, v15;
	v22 =	vadd.f32 v22, v22;
	v25 =	vld [tilespmem:s11+$0x40]  }
0x3cd: {  	v27 =	vmul.f32 $4.000000000e+00, v12;
	v19 =	vadd.f32 v19, v19;
	v28 =	vadd.f32 v13, v13;
	v26 =	vld [tilespmem:s11+$0x50]  }
0x3ce: {  	v12 =	vadd.f32 v21, v16;
	v16 =	vmul.f32 $4.000000000e+00, v7;
	v9 =	vadd.f32 v14, v9;
	v14 =	vld [tilespmem:s11+$0x60]  }
0x3cf: {  	v17 =	vadd.f32 v17, v18;
	v13 =	vld.idx.msk [tilespmem:v0+s22+$0x0], $0xffff  }
0x3d0: {  	v0 =	vadd.f32 v11, v12;
	v11 =	vadd.f32 v23, v8;
	v12 =	vld.idx.msk [tilespmem:v4+s22+$0x0], $0xffff  }
.Ltmp6:
0x3d1: {  	v4 =	vadd.f32 v10, v9;
	v10 =	vadd.f32 v25, v22;
	v7 =	vld.idx.msk [tilespmem:v6+s22+$0x0], $0xffff;
	(pc) =	sbr.rel @p2 .LBB2_11-.Ltmp6, $4  }
0x3d2: {  	v0 =	vtrunc.f32 v0;
	v6 =	vadd.f32 v20, v17;
	v17 =	vadd.f32 v26, v19;
	v8 =	vld.idx.msk [tilespmem:v3+s22+$0x0], $0xffff  }
0x3d3: {  	v4 =	vtrunc.f32 v4;
	v11 =	vadd.f32 v24, v11;
	v18 =	vadd.f32 v14, v28;
	v9 =	vld.idx.msk [tilespmem:v5+s22+$0x0], $0xffff  }
0x3d4: {  	v5 =	vtrunc.f32 v6;
	v6 =	vadd.f32 v15, v10;
	v3 =	vadd.f32 v27, v17;
	v10 =	vld.idx.msk [tilespmem:v2+s22+$0x0], $0xffff  }
0x3d5: {  	s15 =	sadd.s32 $0x400, s15;
	v0 =	vcvt.f32.s32 v0;
	v14 =	vtrunc.f32 v11;
	v2 =	vadd.f32 v16, v18;
	v11 =	vld.idx.msk [tilespmem:v1+s22+$0x0], $0xffff  }
0x3d6: {  	v1 =	vunpack.i.u.bf16.f32 v13  }
0x3d7: {  	v13 =	vunpack.i.l.bf16.f32 v13;
	[tilespmem:s13+$0x0] =	vst v1  }
0x3d8: {  	[tilespmem:s13+$0xFFFFFF80] =	vst v13;
	v1 =	vunpack.i.u.bf16.f32 v12  }
0x3d9: {  	v12 =	vunpack.i.l.bf16.f32 v12;
	[tilespmem:s13+$0x10] =	vst v1  }
0x3da: {  	[tilespmem:s13+$0xFFFFFF90] =	vst v12;
	v1 =	vunpack.i.l.bf16.f32 v7  }
0x3db: {  	v4 =	vcvt.f32.s32 v4;
	v7 =	vunpack.i.u.bf16.f32 v7;
	[tilespmem:s13+$0xFFFFFFA0] =	vst v1  }
0x3dc: {  	v1 =	vunpack.i.l.bf16.f32 v8;
	[tilespmem:s13+$0x20] =	vst v7  }
0x3dd: {  	v5 =	vcvt.f32.s32 v5;
	v7 =	vunpack.i.u.bf16.f32 v8;
	[tilespmem:s13+$0xFFFFFFB0] =	vst v1  }
0x3de: {  	v8 =	vunpack.i.u.bf16.f32 v9;
	[tilespmem:s13+$0x30] =	vst v7  }
0x3df: {  	v0 =	vld.idx.msk [tilespmem:v0+s22+$0x0], $0xffff;
	v1 =	vunpack.i.l.bf16.f32 v9;
	v7 =	vcvt.f32.s32 v14;
	[tilespmem:s13+$0x40] =	vst v8  }
0x3e0: {  	v8 =	vunpack.i.u.bf16.f32 v10;
	[tilespmem:s13+$0xFFFFFFC0] =	vst v1;
	v1 =	vtrunc.f32 v6  }
0x3e1: {  	v6 =	vunpack.i.l.bf16.f32 v10;
	[tilespmem:s13+$0x50] =	vst v8;
	v1 =	vcvt.f32.s32 v1;
	v4 =	vld.idx.msk [tilespmem:v4+s22+$0x0], $0xffff  }
0x3e2: {  	v3 =	vtrunc.f32 v3;
	v8 =	vunpack.i.u.bf16.f32 v11;
	[tilespmem:s13+$0xFFFFFFD0] =	vst v6  }
0x3e3: {  	v3 =	vcvt.f32.s32 v3;
	v6 =	vunpack.i.l.bf16.f32 v11;
	v5 =	vld.idx.msk [tilespmem:v5+s22+$0x0], $0xffff;
	[tilespmem:s13+$0x60] =	vst v8  }
0x3e4: {  	v2 =	vtrunc.f32 v2;
	[tilespmem:s13+$0xFFFFFFE0] =	vst v6;
	v6 =	vunpack.i.u.bf16.f32 v0  }
0x3e5: {  	v2 =	vcvt.f32.s32 v2;
	v0 =	vunpack.i.l.bf16.f32 v0;
	[tilespmem:s12+$0x0] =	vst v6;
	v7 =	vld.idx.msk [tilespmem:v7+s22+$0x0], $0xffff  }
0x3e6: {  	[tilespmem:s12+$0xFFFFFF80] =	vst v0;
	v0 =	vunpack.i.u.bf16.f32 v4  }
0x3e7: {  	v4 =	vunpack.i.l.bf16.f32 v4;
	v1 =	vld.idx.msk [tilespmem:v1+s22+$0x0], $0xffff;
	[tilespmem:s12+$0x10] =	vst v0  }
0x3e8: {  	[tilespmem:s12+$0xFFFFFF90] =	vst v4;
	v0 =	vunpack.i.l.bf16.f32 v5  }
0x3e9: {  	v3 =	vld.idx.msk [tilespmem:v3+s22+$0x0], $0xffff;
	v4 =	vunpack.i.u.bf16.f32 v5;
	[tilespmem:s12+$0xFFFFFFA0] =	vst v0  }
0x3ea: {  	[tilespmem:s12+$0x20] =	vst v4;
	v0 =	vunpack.i.l.bf16.f32 v7  }
0x3eb: {  	v2 =	vld.idx.msk [tilespmem:v2+s22+$0x0], $0xffff;
	v4 =	vunpack.i.u.bf16.f32 v7;
	[tilespmem:s12+$0xFFFFFFB0] =	vst v0  }
0x3ec: {  	[tilespmem:s12+$0x30] =	vst v4;
	v0 =	vunpack.i.l.bf16.f32 v1  }
0x3ed: {  	v1 =	vunpack.i.u.bf16.f32 v1;
	[tilespmem:s12+$0xFFFFFFC0] =	vst v0  }
0x3ee: {  	v0 =	vunpack.i.l.bf16.f32 v3;
	[tilespmem:s12+$0x40] =	vst v1  }
0x3ef: {  	v1 =	vunpack.i.u.bf16.f32 v3;
	[tilespmem:s12+$0xFFFFFFD0] =	vst v0  }
0x3f0: {  	v0 =	vunpack.i.l.bf16.f32 v2;
	[tilespmem:s12+$0x50] =	vst v1  }
0x3f1: {  	v1 =	vunpack.i.u.bf16.f32 v2;
	[tilespmem:s12+$0xFFFFFFE0] =	vst v0  }
0x3f2: {  	s11 =	sadd.s32 $0x400, s3;
	[tilespmem:s12+$0x60] =	vst v1  }
0x3f3: {  	[hbm4b:s11+s5] =	stream.linear.scatter [tilespmem:s30], [sflag:$0x7], $0x1000, $0x38;
	[tilespmem:$0x18C00] =	vst v63  }
0x3f4: {  	s14 =	simm.s32 @!p1 $0x8C00;
	s11 =	sadd.s32 @!p1 s7, s19  }
0x3f5: {  	s13 =	simm.s32 @!p1 $0x0;
	s12 =	sadd.s32 @!p1 s1, s11;
	s11 =	sadd.s32 @!p1 s11, s8  }
0x3f6: {  	[tilespmem:s14], [sflag:$0x3] =	stream.linear.gather @!p1 [hbm4b:s12+s13], $0x4000, $0x38;
	[tilespmem:$0x18C00] =	vst v63  }
0x3f7: {  	s12 =	simm.s32 @!p1 $0x100;
	s13 =	simm.s32 @!p1 $0x400;
	s14 =	simm.s32 @!p1 $0x12C00  }
0x3f8: {  	[tilespmem:s14], [sflag:$0x3] =	stream.strided.gather @!p1 [hbm4b:s11+s12], $0x1000, s13, s12, $0x38;
	[tilespmem:$0x18C00] =	vst v63  }
0x3f9: {  	_ =	swait.ge [sflag:s9], $0x4000  }
0x3fa: {  	[sflag:s9] =	ssyncset.done $0x0  }
0x3fb: {  	[sflag:s9] =	ssyncadd.s32 $0xFFFFC000  }
0x3fc: {  	_ =	swait.ge [sflag:s9], $0x1000  }
0x3fd: {  	[sflag:s9] =	ssyncset.done $0x0  }
0x3fe: {  	s11 =	simm.s32 @!p0 $0x8;
	[sflag:s9] =	ssyncadd.s32 $0xFFFFF000  }
0x3ff: {  	_ =	swait.ge @!p0 [sflag:s11], $0x1000  }
0x400: {  	[sflag:s11] =	ssyncset.done @!p0 $0x0  }
0x401: {  	s13 =	simm.s32 $0xCE00;
	[sflag:s11] =	ssyncadd.s32 @!p0 $0xFFFFF000  }
0x402: {  	v0 =	vld [tilespmem:s13+$0xFFFFFFF0]  }
0x403: {  	v1 =	vld [tilespmem:s13+$0xFFFFFEF0]  }
0x404: {  	v2 =	vld [tilespmem:s13+$0xFFFFFE70]  }
0x405: {  	v3 =	vld [tilespmem:s13+$0xFFFFFF70]  }
0x406: {  	v4 =	vld [tilespmem:s13+$0x70]  }
0x407: {  	v5 =	vld [tilespmem:s13+$0x170]  }
0x408: {  	v6 =	vld [tilespmem:s13+$0xF0]  }
0x409: {  	v7 =	vld [tilespmem:s13+$0xFFFFFE10]  }
0x40a: {  	v8 =	vld [tilespmem:s13+$0x1F0]  }
0x40b: {  	v9 =	vld [tilespmem:s13+$0xFFFFFE20]  }
0x40c: {  	v10 =	vld [tilespmem:s13+$0xFFFFFE40]  }
0x40d: {  	v11 =	vld [tilespmem:s13+$0xFFFFFE80]  }
0x40e: {  	v12 =	vld [tilespmem:s13+$0x0]  }
0x40f: {  	v13 =	vld [tilespmem:s13+$0xFFFFFF10]  }
0x410: {  	v14 =	vld [tilespmem:s13+$0xFFFFFEA0]  }
0x411: {  	v15 =	vld [tilespmem:s13+$0xFFFFFF20]  }
0x412: {  	v16 =	vld [tilespmem:s13+$0x20]  }
0x413: {  	v17 =	vld [tilespmem:s13+$0xFFFFFEB0]  }
0x414: {  	v18 =	vld [tilespmem:s13+$0xFFFFFF30]  }
0x415: {  	v19 =	vld [tilespmem:s13+$0x30]  }
0x416: {  	v20 =	vld [tilespmem:s13+$0xFFFFFEC0]  }
0x417: {  	v21 =	vld [tilespmem:s13+$0xFFFFFF40]  }
0x418: {  	v22 =	vld [tilespmem:s13+$0x40]  }
0x419: {  	v23 =	vld [tilespmem:s13+$0xFFFFFED0]  }
0x41a: {  	v24 =	vld [tilespmem:s13+$0xFFFFFF50]  }
0x41b: {  	v25 =	vld [tilespmem:s13+$0x50]  }
0x41c: {  	v26 =	vld [tilespmem:s13+$0xFFFFFEE0]  }
0x41d: {  	v27 =	vld [tilespmem:s13+$0xFFFFFF60]  }
0x41e: {  	v28 =	vld [tilespmem:s13+$0x60]  }
0x41f: {  	v29 =	vld [tilespmem:s13+$0xFFFFFF80]  }
0x420: {  	v30 =	vld [tilespmem:s13+$0x80]  }
0x421: {  	v31 =	vld [tilespmem:s13+$0x100]  }
0x422: {  	v32 =	vld [tilespmem:s13+$0xFFFFFF90]  }
0x423: {  	v33 =	vld [tilespmem:s13+$0x90]  }
0x424: {  	v34 =	vld [tilespmem:s13+$0x110]  }
0x425: {  	v35 =	vld [tilespmem:s13+$0xFFFFFFA0]  }
0x426: {  	v36 =	vld [tilespmem:s13+$0xA0]  }
0x427: {  	v37 =	vld [tilespmem:s13+$0x120]  }
0x428: {  	v38 =	vld [tilespmem:s13+$0xFFFFFFB0]  }
0x429: {  	v39 =	vld [tilespmem:s13+$0xB0]  }
0x42a: {  	v40 =	vld [tilespmem:s13+$0x130]  }
0x42b: {  	v41 =	vld [tilespmem:s13+$0xFFFFFFC0]  }
0x42c: {  	v42 =	vld [tilespmem:s13+$0xC0]  }
0x42d: {  	v43 =	vld [tilespmem:s13+$0x140]  }
0x42e: {  	v44 =	vld [tilespmem:s13+$0xFFFFFFD0]  }
0x42f: {  	v45 =	vld [tilespmem:s13+$0xD0]  }
0x430: {  	v46 =	vld [tilespmem:s13+$0x150]  }
0x431: {  	v47 =	vld [tilespmem:s13+$0xFFFFFFE0]  }
0x432: {  	v48 =	vld [tilespmem:s13+$0xE0]  }
0x433: {  	v49 =	vld [tilespmem:s13+$0x180]  }
0x434: {  	v59 =	vld [tilespmem:s13+$0x1A0]  }
0x435: {  	v60 =	vld [tilespmem:s13+$0x1B0]  }
0x436: {  	s15 =	simm.s32 $0xD200;
	v50 =	vld [tilespmem:s13+$0x1C0]  }
0x437: {  	v51 =	vld [tilespmem:s15+$0xFFFFFEF0]  }
0x438: {  	v54 =	vld [tilespmem:s15+$0xFFFFFE70]  }
0x439: {  	v55 =	vld [tilespmem:s15+$0xFFFFFF70]  }
0x43a: {  	v56 =	vld [tilespmem:s15+$0x70]  }
0x43b: {  	v58 =	vld [tilespmem:s15+$0xF0];
	v2 =	vadd.f32 v2, v2;
	v3 =	vadd.f32 v3, v3  }
0x43c: {  	v5 =	vadd.f32 v5, v5;
	v57 =	vadd.f32 v43, v43;
	v43 =	vld [tilespmem:s15+$0xFFFFFE60]  }
0x43d: {  	s14 =	simm.s32 $0x13C80;
	v1 =	vadd.f32 v1, v2;
	v2 =	vadd.f32 v4, v4;
	v4 =	vld [tilespmem:s13+$0xFFFFFE30]  }
0x43e: {  	v24 =	vadd.f32 v24, v24;
	v0 =	vadd.f32 v0, v3;
	v3 =	vld [tilespmem:s14+$0xFFFFFFF0]  }
0x43f: {  	v18 =	vadd.f32 v18, v18;
	v5 =	vadd.f32 v8, v5;
	v8 =	vld [tilespmem:s13+$0xFFFFFE60]  }
0x440: {  	v27 =	vadd.f32 v27, v27;
	v44 =	vadd.f32 v44, v24;
	v24 =	vld [tilespmem:s14+$0x40]  }
0x441: {  	v21 =	vadd.f32 v21, v21;
	v18 =	vadd.f32 v38, v18;
	v38 =	vld [tilespmem:s14+$0x50]  }
0x442: {  	v19 =	vadd.f32 v19, v19;
	v27 =	vadd.f32 v47, v27;
	v47 =	vld [tilespmem:s15+$0xFFFFFFF0]  }
0x443: {  	v25 =	vadd.f32 v25, v25;
	v21 =	vadd.f32 v41, v21;
	v41 =	vld [tilespmem:s15+$0xFFFFFE20]  }
0x444: {  	v28 =	vadd.f32 v28, v28;
	v19 =	vadd.f32 v39, v19;
	v39 =	vld [tilespmem:s15+$0xFFFFFE40]  }
0x445: {  	v31 =	vadd.f32 v31, v31;
	v25 =	vadd.f32 v45, v25;
	v45 =	vld [tilespmem:s15+$0xFFFFFF00]  }
0x446: {  	v28 =	vadd.f32 v48, v28;
	v48 =	vld [tilespmem:s15+$0xFFFFFE90];
	v2 =	vadd.f32 v6, v2;
	v1 =	vmul.f32 $4.000000000e+00, v1  }
0x447: {  	v9 =	vadd.f32 v9, v9;
	v53 =	vadd.f32 v49, v31;
	v49 =	vld [tilespmem:s15+$0xFFFFFF10]  }
0x448: {  	v22 =	vadd.f32 v22, v22;
	v6 =	vld [tilespmem:s13+$0xFFFFFE50];
	v0 =	vadd.f32 v0, v1;
	v1 =	vmul.f32 $4.000000000e+00, v2  }
0x449: {  	v37 =	vadd.f32 v37, v37;
	v2 =	vld [tilespmem:s14+$0x70];
	v4 =	vadd.f32 v4, v4  }
0x44a: {  	v9 =	vadd.f32 v14, v9;
	v1 =	vadd.f32 v5, v1;
	v5 =	vld [tilespmem:s13+$0xFFFFFE00]  }
0x44b: {  	v14 =	vadd.f32 v17, v4;
	v17 =	vadd.f32 v59, v37;
	v59 =	vld [tilespmem:s15+$0x1F0]  }
0x44c: {  	v22 =	vadd.f32 v42, v22;
	v0 =	vmul.f32 $1.600000000e+01, v0;
	v37 =	vadd.f32 v50, v57;
	v50 =	vld [tilespmem:s15+$0x10]  }
0x44d: {  	v3 =	vadd.f32 v3, v3;
	v6 =	vadd.f32 v6, v6;
	v57 =	vld [tilespmem:s15+$0x30]  }
0x44e: {  	v4 =	vadd.f32 v8, v8;
	v0 =	vadd.f32 v1, v0;
	v1 =	vld [tilespmem:s13+$0xFFFFFF00]  }
0x44f: {  	v22 =	vmul.f32 $4.000000000e+00, v22;
	v2 =	vadd.f32 v2, v3;
	v3 =	vld [tilespmem:s13+$0xFFFFFE90];
	v23 =	vadd.f32 v23, v6  }
0x450: {  	v6 =	vadd.f32 v12, v12;
	v12 =	vadd.f32 v26, v4;
	v26 =	vld [tilespmem:s13+$0x1D0]  }
0x451: {  	v7 =	vadd.f32 v7, v7;
	v14 =	vmul.f32 $4.000000000e+00, v14;
	v22 =	vadd.f32 v37, v22;
	v37 =	vld [tilespmem:s15+$0xFFFFFF80]  }
0x452: {  	v34 =	vadd.f32 v34, v34;
	v61 =	vadd.f32 v30, v6;
	v6 =	vld [tilespmem:s14+$0xFFFFFFA0]  }
0x453: {  	v31 =	vadd.f32 v54, v54;
	v0 =	vmul.f32 $4.000000000e+00, v0;
	v14 =	vadd.f32 v18, v14;
	v18 =	vld [tilespmem:s14+$0x10]  }
0x454: {  	v40 =	vadd.f32 v40, v40;
	v5 =	vadd.f32 v5, v5;
	v42 =	vmul.f32 $4.000000000e+00, v23;
	v23 =	vld [tilespmem:s14+$0x60]  }
0x455: {  	v31 =	vadd.f32 v51, v31;
	v0 =	vadd.f32 v0, v2;
	v2 =	vld [tilespmem:s13+$0x10]  }
0x456: {  	v12 =	vmul.f32 $4.000000000e+00, v12;
	v5 =	vadd.f32 v11, v5;
	v11 =	vld [tilespmem:s13+$0x160];
	v1 =	vadd.f32 v1, v1  }
0x457: {  	v52 =	vmul.f32 $4.000000000e+00, v61;
	v3 =	vadd.f32 v3, v7;
	v7 =	vadd.f32 v10, v10;
	v10 =	vld [tilespmem:s13+$0x190]  }
0x458: {  	v12 =	vadd.f32 v27, v12;
	v61 =	vadd.f32 v46, v46;
	v4 =	vmul.f32 $4.000000000e+00, v5;
	v5 =	vld [tilespmem:s14+$0xFFFFFF80]  }
0x459: {  	v1 =	vadd.f32 v29, v1;
	v27 =	vadd.f32 v53, v52;
	v52 =	vld [tilespmem:s15+$0xFFFFFEA0]  }
0x45a: {  	v29 =	vadd.f32 v56, v56;
	v26 =	vadd.f32 v26, v61;
	v53 =	vld [tilespmem:s15+$0xFFFFFF20]  }
0x45b: {  	v56 =	vld [tilespmem:s15+$0xFFFFFF30];
	v61 =	vadd.f32 v41, v41;
	v8 =	vadd.f32 v20, v7  }
0x45c: {  	v41 =	vld [tilespmem:s15+$0x90];
	v7 =	vadd.f32 v13, v13;
	v20 =	vadd.f32 v60, v40  }
0x45d: {  	v25 =	vmul.f32 $4.000000000e+00, v25;
	v13 =	vld [tilespmem:s13+$0x1E0];
	v6 =	vadd.f32 v6, v6;
	v2 =	vadd.f32 v2, v2  }
0x45e: {  	v9 =	vmul.f32 $4.000000000e+00, v9;
	v60 =	vld [tilespmem:s15+$0xFFFFFE10];
	v30 =	vadd.f32 v1, v4;
	v4 =	vadd.f32 v15, v15  }
0x45f: {  	v19 =	vmul.f32 $4.000000000e+00, v19;
	v40 =	vld [tilespmem:s15+$0xFFFFFF90];
	v29 =	vadd.f32 v58, v29;
	v25 =	vadd.f32 v26, v25  }
0x460: {  	v1 =	vmul.f32 $4.000000000e+00, v3;
	v26 =	vadd.f32 v45, v45;
	v3 =	vadd.f32 v32, v7;
	v7 =	vld [tilespmem:s14+$0xFFFFFF90]  }
0x461: {  	v14 =	vmul.f32 $1.600000000e+01, v14;
	v32 =	vld [tilespmem:s14+$0x0];
	v19 =	vadd.f32 v20, v19;
	v11 =	vadd.f32 v11, v11  }
0x462: {  	v0 =	vtrunc.f32 v0;
	v20 =	vld [tilespmem:s15+$0xFFFFFE30];
	v15 =	vadd.f32 v33, v2;
	v2 =	vadd.f32 v16, v16  }
0x463: {  	v8 =	vmul.f32 $4.000000000e+00, v8;
	v62 =	vadd.f32 v35, v4;
	v4 =	vld [tilespmem:s14+$0xFFFFFFC0];
	v10 =	vadd.f32 v10, v34  }
0x464: {  	v0 =	vcvt.f32.s32 v0;
	v35 =	vld [tilespmem:s14+$0x20];
	v34 =	vadd.f32 v55, v55;
	v16 =	vadd.f32 v3, v1  }
0x465: {  	v28 =	vmul.f32 $4.000000000e+00, v28;
	v55 =	vld [tilespmem:s15+$0xFFFFFEB0];
	v8 =	vadd.f32 v21, v8;
	v21 =	vadd.f32 v44, v42  }
0x466: {  	v30 =	vmul.f32 $1.600000000e+01, v30;
	v3 =	vld [tilespmem:s14+$0xFFFFFFB0];
	v14 =	vadd.f32 v19, v14;
	v5 =	vadd.f32 v5, v5  }
0x467: {  	v1 =	vld [tilespmem:s14+$0xFFFFFFD0];
	v63 =	vadd.f32 v36, v2;
	v9 =	vadd.f32 v62, v9;
	v15 =	vmul.f32 $4.000000000e+00, v15  }
0x468: {  	v31 =	vmul.f32 $4.000000000e+00, v31;
	v44 =	vld [tilespmem:s15+$0xFFFFFE80];
	v34 =	vadd.f32 v47, v34;
	v11 =	vadd.f32 v13, v11  }
0x469: {  	v42 =	vld [tilespmem:s15+$0x60];
	v27 =	vadd.f32 v27, v30;
	v10 =	vadd.f32 v10, v15  }
0x46a: {  	v0 =	vld.idx.msk [tilespmem:v0+s22+$0x0], $0xffff;
	v8 =	vmul.f32 $1.600000000e+01, v8;
	v31 =	vadd.f32 v34, v31;
	v11 =	vadd.f32 v11, v28  }
0x46b: {  	v2 =	vld [tilespmem:s14+$0xFFFFFFE0];
	v21 =	vmul.f32 $1.600000000e+01, v21;
	v7 =	vadd.f32 v7, v7;
	v5 =	vadd.f32 v32, v5  }
0x46c: {  	s11 =	simm.s32 $0x13D80;
	v36 =	vld [tilespmem:s14+$0x30];
	v54 =	vmul.f32 $4.000000000e+00, v27;
	v20 =	vadd.f32 v20, v20;
	v27 =	vadd.f32 v56, v56  }
0x46d: {  	v12 =	vmul.f32 $1.600000000e+01, v12;
	v62 =	vld [tilespmem:s11+$0xFFFFFFF0];
	v8 =	vadd.f32 v22, v8;
	v51 =	vadd.f32 v25, v21  }
0x46e: {  	v13 =	vld [tilespmem:s15+$0xFFFFFE00];
	v33 =	vmul.f32 $4.000000000e+00, v63;
	v6 =	vadd.f32 v35, v6;
	v4 =	vadd.f32 v4, v4  }
0x46f: {  	v47 =	vld [tilespmem:s15+$0x0];
	v16 =	vmul.f32 $1.600000000e+01, v16;
	v21 =	vadd.f32 v52, v61;
	v22 =	vadd.f32 v53, v53  }
0x470: {  	v15 =	vld [tilespmem:s15+$0x170];
	v25 =	vadd.f32 v57, v57;
	v17 =	vadd.f32 v17, v33  }
0x471: {  	v34 =	vld [tilespmem:s15+$0xFFFFFE50];
	v10 =	vadd.f32 v10, v16;
	v11 =	vadd.f32 v11, v12  }
0x472: {  	v29 =	vmul.f32 $4.000000000e+00, v29;
	v63 =	vld [tilespmem:s11+$0x70];
	v7 =	vadd.f32 v18, v7;
	v3 =	vadd.f32 v3, v3  }
0x473: {  	v14 =	vmul.f32 $4.000000000e+00, v14;
	v56 =	vld [tilespmem:s15+$0xFFFFFFE0];
	v5 =	vadd.f32 v54, v5;
	v58 =	vadd.f32 v1, v1  }
0x474: {  	v9 =	vmul.f32 $1.600000000e+01, v9;
	v52 =	vld [tilespmem:s15+$0x120];
	v18 =	vadd.f32 v55, v20;
	v16 =	vadd.f32 v49, v49  }
0x475: {  	v53 =	vld [tilespmem:s15+$0xFFFFFFD0];
	v31 =	vmul.f32 $1.600000000e+01, v31;
	v33 =	vadd.f32 v62, v62;
	v4 =	vadd.f32 v24, v4  }
0x476: {  	v57 =	vld [tilespmem:s15+$0x180];
	v8 =	vmul.f32 $4.000000000e+00, v8;
	v2 =	vadd.f32 v2, v2;
	v13 =	vadd.f32 v13, v13  }
0x477: {  	v61 =	vld [tilespmem:s15+$0x150];
	v19 =	vmul.f32 $4.000000000e+00, v51;
	v30 =	vadd.f32 v47, v47;
	v24 =	vadd.f32 v37, v26  }
0x478: {  	v12 =	vld [tilespmem:s15+$0x20];
	v21 =	vmul.f32 $4.000000000e+00, v21;
	v9 =	vadd.f32 v17, v9;
	v3 =	vadd.f32 v36, v3  }
0x479: {  	v49 =	vld [tilespmem:s15+$0x110];
	v10 =	vmul.f32 $4.000000000e+00, v10;
	v36 =	vadd.f32 v39, v39;
	v17 =	vadd.f32 v50, v50  }
0x47a: {  	v54 =	vld [tilespmem:s15+$0xD0];
	v11 =	vmul.f32 $4.000000000e+00, v11;
	v16 =	vadd.f32 v40, v16;
	v15 =	vadd.f32 v15, v15  }
0x47b: {  	v55 =	vld [tilespmem:s15+$0x130];
	v5 =	vtrunc.f32 v5;
	v46 =	vadd.f32 v63, v33;
	v2 =	vadd.f32 v23, v2  }
0x47c: {  	v62 =	vld [tilespmem:s15+$0xFFFFFEE0];
	v18 =	vmul.f32 $4.000000000e+00, v18;
	v4 =	vadd.f32 v8, v4;
	v13 =	vadd.f32 v44, v13  }
0x47d: {  	v47 =	vld [tilespmem:s15+$0xFFFFFFB0];
	v5 =	vcvt.f32.s32 v5;
	v7 =	vadd.f32 v10, v7;
	v3 =	vadd.f32 v14, v3  }
0x47e: {  	v39 =	vld [tilespmem:s15+$0x80];
	v9 =	vmul.f32 $4.000000000e+00, v9;
	v17 =	vadd.f32 v41, v17;
	v15 =	vadd.f32 v59, v15  }
0x47f: {  	v51 =	vld [tilespmem:s15+$0xC0];
	v11 =	vadd.f32 v11, v2;
	v2 =	vadd.f32 v60, v60;
	v13 =	vmul.f32 $4.000000000e+00, v13  }
0x480: {  	v63 =	vld [tilespmem:s15+$0xFFFFFF60];
	v12 =	vadd.f32 v12, v12;
	v4 =	vtrunc.f32 v4;
	v26 =	vadd.f32 v49, v49  }
0x481: {  	v44 =	vld [tilespmem:s15+$0xA0];
	v6 =	vadd.f32 v9, v6;
	v7 =	vtrunc.f32 v7;
	v15 =	vadd.f32 v15, v29  }
0x482: {  	v10 =	vld [tilespmem:s15+$0xFFFFFEC0];
	v3 =	vtrunc.f32 v3;
	v2 =	vadd.f32 v48, v2;
	v29 =	vadd.f32 v43, v43  }
0x483: {  	v14 =	vld [tilespmem:s15+$0x40];
	v17 =	vmul.f32 $4.000000000e+00, v17;
	v20 =	vadd.f32 v39, v30;
	v13 =	vadd.f32 v24, v13  }
0x484: {  	v50 =	vld [tilespmem:s15+$0xFFFFFFC0];
	v24 =	vadd.f32 v47, v27;
	v7 =	vcvt.f32.s32 v7;
	v11 =	vtrunc.f32 v11  }
0x485: {  	v60 =	vld [tilespmem:s15+$0x50];
	v3 =	vcvt.f32.s32 v3;
	v27 =	vadd.f32 v52, v52;
	v30 =	vadd.f32 v55, v55  }
0x486: {  	v9 =	vld [tilespmem:s15+$0xFFFFFF40];
	v12 =	vadd.f32 v44, v12;
	v6 =	vtrunc.f32 v6;
	v28 =	vadd.f32 v63, v63  }
0x487: {  	v43 =	vld [tilespmem:s15+$0xFFFFFFA0];
	v11 =	vcvt.f32.s32 v11;
	v15 =	vadd.f32 v15, v31;
	v10 =	vadd.f32 v10, v36  }
0x488: {  	v48 =	vld [tilespmem:s15+$0xB0];
	v29 =	vadd.f32 v62, v29;
	v45 =	vmul.f32 $4.000000000e+00, v2;
	v14 =	vadd.f32 v14, v14  }
0x489: {  	v41 =	vld [tilespmem:s11+$0xFFFFFF90];
	v2 =	vunpack.i.u.bf16.f32 v0;
	v18 =	vadd.f32 v24, v18;
	v31 =	vadd.f32 v42, v42  }
0x48a: {  	v62 =	vld [tilespmem:s15+$0x1B0];
	v23 =	vadd.f32 v60, v60;
	v15 =	vmul.f32 $4.000000000e+00, v15;
	v16 =	vadd.f32 v16, v45  }
0x48b: {  	v0 =	vunpack.i.l.bf16.f32 v0;
	v42 =	vld [tilespmem:s11+$0xFFFFFFA0];
	v9 =	vadd.f32 v9, v9;
	v14 =	vadd.f32 v51, v14  }
0x48c: {  	v44 =	vld [tilespmem:s11+$0xFFFFFFC0];
	v6 =	vcvt.f32.s32 v6;
	v22 =	vadd.f32 v43, v22;
	v15 =	vadd.f32 v15, v46  }
0x48d: {  	v60 =	vld [tilespmem:s15+$0x1A0];
	v10 =	vmul.f32 $4.000000000e+00, v10;
	v25 =	vadd.f32 v48, v25;
	v23 =	vadd.f32 v54, v23  }
0x48e: {  	v63 =	vld [tilespmem:s15+$0x160];
	v9 =	vadd.f32 v50, v9;
	v50 =	vadd.f32 v41, v41;
	v15 =	vtrunc.f32 v15  }
0x48f: {  	v49 =	vld [tilespmem:s11+$0x20];
	v21 =	vadd.f32 v22, v21;
	v22 =	vadd.f32 v56, v28;
	v15 =	vcvt.f32.s32 v15  }
0x490: {  	v8 =	vld [tilespmem:s15+$0xFFFFFED0];
	v29 =	vmul.f32 $4.000000000e+00, v29;
	v30 =	vadd.f32 v62, v30;
	v52 =	vadd.f32 v42, v42  }
0x491: {  	v59 =	vld [tilespmem:s15+$0xFFFFFF50];
	v25 =	vmul.f32 $4.000000000e+00, v25;
	v56 =	vadd.f32 v44, v44;
	v9 =	vadd.f32 v9, v10  }
0x492: {  	v12 =	vmul.f32 $4.000000000e+00, v12;
	v46 =	vld [tilespmem:s15+$0x100];
	v27 =	vadd.f32 v60, v27;
	v22 =	vadd.f32 v22, v29  }
0x493: {  	v36 =	vld [tilespmem:s15+$0x1C0];
	v18 =	vmul.f32 $1.600000000e+01, v18;
	v29 =	vadd.f32 v63, v63;
	v25 =	vadd.f32 v30, v25  }
0x494: {  	v10 =	vld [tilespmem:s15+$0xE0];
	v21 =	vmul.f32 $1.600000000e+01, v21;
	v60 =	vadd.f32 v49, v52;
	v12 =	vadd.f32 v27, v12  }
0x495: {  	v20 =	vmul.f32 $4.000000000e+00, v20;
	v18 =	vadd.f32 v25, v18;
	v1 =	vld.idx.msk [tilespmem:v15+s22+$0x0], $0xffff;
	v15 =	vadd.f32 v38, v58  }
0x496: {  	v13 =	vmul.f32 $1.600000000e+01, v13;
	v43 =	vld [tilespmem:s11+$0xFFFFFFB0];
	v12 =	vadd.f32 v12, v21;
	v38 =	vadd.f32 v34, v34  }
0x497: {  	v58 =	vld [tilespmem:s15+$0x140];
	v34 =	vcvt.f32.s32 v4;
	v4 =	vadd.f32 v46, v46;
	v15 =	vadd.f32 v19, v15  }
0x498: {  	v16 =	vmul.f32 $1.600000000e+01, v16;
	v8 =	vadd.f32 v8, v38;
	v19 =	vadd.f32 v59, v59;
	v59 =	vld [tilespmem:s15+$0x190]  }
0x499: {  	v14 =	vmul.f32 $4.000000000e+00, v14;
	v10 =	vadd.f32 v10, v31;
	v4 =	vadd.f32 v57, v4;
	v38 =	vld [tilespmem:s15+$0x1D0]  }
0x49a: {  	v39 =	vld [tilespmem:s15+$0x1E0];
	v31 =	vadd.f32 v61, v61;
	v8 =	vmul.f32 $4.000000000e+00, v8;
	v19 =	vadd.f32 v53, v19  }
0x49b: {  	v23 =	vmul.f32 $4.000000000e+00, v23;
	v4 =	vadd.f32 v4, v20;
	v53 =	vadd.f32 v43, v43  }
0x49c: {  	v40 =	vld [tilespmem:s11+$0xFFFFFF80];
	v9 =	vmul.f32 $1.600000000e+01, v9;
	v24 =	vadd.f32 v58, v58;
	v8 =	vadd.f32 v19, v8  }
0x49d: {  	v45 =	vld [tilespmem:s11+$0xFFFFFFE0];
	v47 =	vmul.f32 $1.600000000e+01, v22;
	v4 =	vadd.f32 v4, v13;
	v19 =	vadd.f32 v59, v26  }
0x49e: {  	v18 =	vmul.f32 $4.000000000e+00, v18;
	v13 =	vld [tilespmem:s11+$0xFFFFFFD0];
	v24 =	vadd.f32 v36, v24;
	v28 =	vadd.f32 v38, v31  }
0x49f: {  	v51 =	vld [tilespmem:s11+$0x30];
	v10 =	vmul.f32 $4.000000000e+00, v10;
	v17 =	vadd.f32 v19, v17;
	v19 =	vadd.f32 v39, v29  }
0x4a0: {  	v46 =	vld [tilespmem:s11+$0x0];
	v8 =	vmul.f32 $1.600000000e+01, v8;
	v14 =	vadd.f32 v24, v14;
	v23 =	vadd.f32 v28, v23  }
0x4a1: {  	v48 =	vld [tilespmem:s11+$0x10];
	v55 =	vmul.f32 $4.000000000e+00, v12;
	v16 =	vadd.f32 v17, v16;
	v10 =	vadd.f32 v19, v10  }
0x4a2: {  	v57 =	vld [tilespmem:s11+$0x50];
	v15 =	vtrunc.f32 v15;
	v9 =	vadd.f32 v14, v9;
	v8 =	vadd.f32 v23, v8  }
0x4a3: {  	v54 =	vld [tilespmem:s11+$0x40];
	v15 =	vcvt.f32.s32 v15;
	v14 =	vadd.f32 v40, v40;
	v58 =	vadd.f32 v13, v13  }
0x4a4: {  	v37 =	vunpack.i.u.bf16.f32 v1;
	v17 =	vadd.f32 v45, v45;
	v13 =	vld.idx.msk [tilespmem:v5+s22+$0x0], $0xffff;
	v5 =	vadd.f32 v51, v53  }
0x4a5: {  	v4 =	vmul.f32 $4.000000000e+00, v4;
	v10 =	vadd.f32 v10, v47;
	v12 =	vadd.f32 v46, v14;
	v14 =	vld [tilespmem:s11+$0x60]  }
0x4a6: {  	v16 =	vmul.f32 $4.000000000e+00, v16;
	v59 =	vmul.f32 $4.000000000e+00, v9;
	v9 =	vadd.f32 v48, v50  }
0x4a7: {  	v11 =	vld.idx.msk [tilespmem:v11+s22+$0x0], $0xffff;
	v1 =	vunpack.i.l.bf16.f32 v1;
	v63 =	vadd.f32 v57, v58;
	v18 =	vadd.f32 v18, v5  }
0x4a8: {  	s13 =	simm.s32 $0x17C80;
	v61 =	vmul.f32 $4.000000000e+00, v8;
	v4 =	vadd.f32 v4, v12;
	v12 =	vld.idx.msk [tilespmem:v7+s22+$0x0], $0xffff;
	v9 =	vadd.f32 v16, v9  }
0x4a9: {  	[tilespmem:s13+$0x70] =	vst v2;
	v62 =	vmul.f32 $4.000000000e+00, v10;
	v10 =	vadd.f32 v54, v56;
	v7 =	vld.idx.msk [tilespmem:v6+s22+$0x0], $0xffff;
	v6 =	vadd.f32 v55, v60  }
0x4aa: {  	s12 =	simm.s32 $0x17D80;
	[tilespmem:s13+$0xFFFFFFF0] =	vst v0;
	v8 =	vld.idx.msk [tilespmem:v3+s22+$0x0], $0xffff;
	v3 =	vadd.f32 v61, v63;
	v2 =	vtrunc.f32 v4;
	v17 =	vadd.f32 v14, v17  }
0x4ab: {  	[tilespmem:s12+$0x70] =	vst v37;
	v4 =	vtrunc.f32 v9;
	v9 =	vld.idx.msk [tilespmem:v34+s22+$0x0], $0xffff;
	v5 =	vtrunc.f32 v6;
	v6 =	vadd.f32 v59, v10  }
0x4ac: {  	s14 =	simm.s32 $0x8;
	s15 =	simm.s32 $0xD600;
	[tilespmem:s12+$0xFFFFFFF0] =	vst v1;
	v10 =	vld.idx.msk [tilespmem:v15+s22+$0x0], $0xffff;
	v0 =	vcvt.f32.s32 v2;
	v14 =	vtrunc.f32 v18;
	v2 =	vadd.f32 v62, v17  }
.LBB2_13:
0x4ad: {  	v15 =	vld [tilespmem:s15+$0xFFFFFFF0];
	v1 =	vtrunc.f32 v6;
	v16 =	vtrunc.f32 v3;
	v3 =	vunpack.i.u.bf16.f32 v13  }
0x4ae: {  	v4 =	vcvt.f32.s32 v4;
	v17 =	vld [tilespmem:s15+$0xFFFFFEF0];
	v18 =	vtrunc.f32 v2;
	v2 =	vunpack.i.l.bf16.f32 v13;
	[tilespmem:s13+$0x0] =	vst v3  }
0x4af: {  	s14 =	sadd.s32 $0x8, s14;
	v6 =	vcvt.f32.s32 v5;
	v3 =	vcvt.f32.s32 v14;
	v14 =	vunpack.i.u.bf16.f32 v12;
	v13 =	vld [tilespmem:s15+$0xFFFFFE70];
	[tilespmem:s13+$0xFFFFFF80] =	vst v2  }
0x4b0: {  	p0 =	slt.u32 s14, $0x78;
	v5 =	vcvt.f32.s32 v1;
	v12 =	vunpack.i.l.bf16.f32 v12;
	v2 =	vcvt.f32.s32 v16;
	v19 =	vld [tilespmem:s15+$0xFFFFFF70];
	[tilespmem:s13+$0x10] =	vst v14  }
0x4b1: {  	v1 =	vcvt.f32.s32 v18;
	v14 =	vld [tilespmem:s15+$0x70];
	[tilespmem:s13+$0xFFFFFF90] =	vst v12;
	v12 =	vunpack.i.u.bf16.f32 v7;
	v7 =	vunpack.i.l.bf16.f32 v7  }
0x4b2: {  	v18 =	vunpack.i.u.bf16.f32 v9;
	v16 =	vld [tilespmem:s15+$0x170];
	[tilespmem:s13+$0xFFFFFFA0] =	vst v7;
	v7 =	vunpack.i.u.bf16.f32 v8;
	v8 =	vunpack.i.l.bf16.f32 v8  }
0x4b3: {  	v9 =	vunpack.i.l.bf16.f32 v9;
	v20 =	vld [tilespmem:s15+$0xF0];
	[tilespmem:s13+$0x20] =	vst v12;
	v12 =	vunpack.i.u.bf16.f32 v10;
	v10 =	vunpack.i.l.bf16.f32 v10  }
0x4b4: {  	v21 =	vld [tilespmem:s15+$0xFFFFFE10];
	v13 =	vadd.f32 v13, v13;
	[tilespmem:s13+$0xFFFFFFB0] =	vst v8;
	v8 =	vunpack.i.u.bf16.f32 v11;
	v11 =	vunpack.i.l.bf16.f32 v11  }
0x4b5: {  	v22 =	vld [tilespmem:s15+$0x1F0];
	v19 =	vadd.f32 v19, v19;
	[tilespmem:s13+$0x30] =	vst v7  }
0x4b6: {  	v7 =	vld [tilespmem:s15+$0xFFFFFE20];
	v13 =	vadd.f32 v17, v13;
	v14 =	vadd.f32 v14, v14;
	[tilespmem:s13+$0xFFFFFFC0] =	vst v9  }
0x4b7: {  	v9 =	vld [tilespmem:s15+$0xFFFFFE30];
	v16 =	vadd.f32 v16, v16;
	[tilespmem:s13+$0x40] =	vst v18  }
0x4b8: {  	s11 =	sadd.s32 $0x100, s11;
	v15 =	vadd.f32 v15, v19;
	v17 =	vld [tilespmem:s15+$0xFFFFFE40];
	v14 =	vadd.f32 v20, v14;
	v13 =	vmul.f32 $4.000000000e+00, v13;
	[tilespmem:s13+$0xFFFFFFD0] =	vst v10  }
0x4b9: {  	v10 =	vadd.f32 v21, v21;
	v18 =	vld [tilespmem:s11+$0xFFFFFFF0];
	[tilespmem:s13+$0x50] =	vst v12  }
0x4ba: {  	v12 =	vld [tilespmem:s15+$0xFFFFFE50];
	v16 =	vadd.f32 v22, v16;
	v13 =	vadd.f32 v15, v13;
	v14 =	vmul.f32 $4.000000000e+00, v14;
	[tilespmem:s13+$0xFFFFFFE0] =	vst v11  }
0x4bb: {  	v7 =	vadd.f32 v7, v7;
	v11 =	vld [tilespmem:s11+$0x70];
	[tilespmem:s13+$0x60] =	vst v8;
	s13 =	smov.u32 s12  }
0x4bc: {  	v8 =	vadd.f32 v9, v9;
	v9 =	vld [tilespmem:s15+$0xFFFFFE60];
	v14 =	vadd.f32 v16, v14;
	v13 =	vmul.f32 $1.600000000e+01, v13  }
0x4bd: {  	v15 =	vld [tilespmem:s15+$0xFFFFFE00];
	v16 =	vadd.f32 v17, v17  }
0x4be: {  	v17 =	vld [tilespmem:s15+$0xFFFFFE80];
	v18 =	vadd.f32 v18, v18;
	v13 =	vadd.f32 v14, v13  }
0x4bf: {  	v14 =	vld [tilespmem:s15+$0xFFFFFF00];
	v12 =	vadd.f32 v12, v12  }
0x4c0: {  	v19 =	vld [tilespmem:s15+$0x0];
	v11 =	vadd.f32 v11, v18;
	v13 =	vmul.f32 $4.000000000e+00, v13  }
0x4c1: {  	v18 =	vld [tilespmem:s15+$0xFFFFFE90];
	v9 =	vadd.f32 v9, v9  }
0x4c2: {  	v15 =	vadd.f32 v15, v15;
	v20 =	vld [tilespmem:s15+$0xFFFFFF10];
	v11 =	vadd.f32 v13, v11  }
0x4c3: {  	v13 =	vld [tilespmem:s15+$0x10]  }
0x4c4: {  	v15 =	vadd.f32 v17, v15;
	v14 =	vadd.f32 v14, v14;
	v17 =	vld [tilespmem:s15+$0xFFFFFEA0];
	v11 =	vtrunc.f32 v11  }
0x4c5: {  	v19 =	vadd.f32 v19, v19;
	v21 =	vld [tilespmem:s15+$0xFFFFFF20];
	v11 =	vcvt.f32.s32 v11  }
0x4c6: {  	v15 =	vmul.f32 $4.000000000e+00, v15;
	v10 =	vadd.f32 v18, v10;
	v18 =	vld [tilespmem:s15+$0x20]  }
0x4c7: {  	v20 =	vadd.f32 v20, v20;
	v22 =	vld [tilespmem:s15+$0xFFFFFEB0]  }
0x4c8: {  	v13 =	vadd.f32 v13, v13;
	v10 =	vmul.f32 $4.000000000e+00, v10;
	v23 =	vld [tilespmem:s15+$0xFFFFFF30]  }
0x4c9: {  	v7 =	vadd.f32 v17, v7;
	v17 =	vld [tilespmem:s15+$0x30]  }
0x4ca: {  	v21 =	vadd.f32 v21, v21;
	v24 =	vld [tilespmem:s15+$0xFFFFFEC0]  }
0x4cb: {  	v18 =	vadd.f32 v18, v18;
	v7 =	vmul.f32 $4.000000000e+00, v7;
	v11 =	vld.idx.msk [tilespmem:v11+s22+$0x0], $0xffff  }
0x4cc: {  	v8 =	vadd.f32 v22, v8;
	v22 =	vld [tilespmem:s15+$0xFFFFFF40]  }
0x4cd: {  	v23 =	vadd.f32 v23, v23;
	v25 =	vld [tilespmem:s15+$0x40]  }
0x4ce: {  	v17 =	vadd.f32 v17, v17;
	v8 =	vmul.f32 $4.000000000e+00, v8;
	v26 =	vld [tilespmem:s15+$0xFFFFFED0]  }
0x4cf: {  	v16 =	vadd.f32 v24, v16;
	v24 =	vld [tilespmem:s15+$0xFFFFFF50]  }
0x4d0: {  	v27 =	vld [tilespmem:s15+$0x50]  }
0x4d1: {  	s12 =	sadd.s32 $0x100, s12;
	v29 =	vunpack.i.u.bf16.f32 v11;
	v22 =	vadd.f32 v22, v22;
	v16 =	vmul.f32 $4.000000000e+00, v16;
	v28 =	vld [tilespmem:s15+$0xFFFFFEE0]  }
0x4d2: {  	v11 =	vunpack.i.l.bf16.f32 v11;
	v25 =	vadd.f32 v25, v25;
	v30 =	vld [tilespmem:s15+$0xFFFFFF60];
	[tilespmem:s12+$0x70] =	vst v29  }
0x4d3: {  	v12 =	vadd.f32 v26, v12;
	v26 =	vld [tilespmem:s15+$0x60];
	[tilespmem:s12+$0xFFFFFFF0] =	vst v11  }
0x4d4: {  	v11 =	vld [tilespmem:s15+$0xFFFFFF80];
	v24 =	vadd.f32 v24, v24  }
0x4d5: {  	v29 =	vld [tilespmem:s15+$0x80];
	v27 =	vadd.f32 v27, v27;
	v12 =	vmul.f32 $4.000000000e+00, v12  }
0x4d6: {  	v31 =	vld [tilespmem:s15+$0x100];
	v9 =	vadd.f32 v28, v9  }
0x4d7: {  	v28 =	vld [tilespmem:s15+$0xFFFFFF90];
	v30 =	vadd.f32 v30, v30  }
0x4d8: {  	v32 =	vld [tilespmem:s15+$0x90];
	v26 =	vadd.f32 v26, v26;
	v9 =	vmul.f32 $4.000000000e+00, v9  }
0x4d9: {  	v11 =	vadd.f32 v11, v14;
	v14 =	vld [tilespmem:s15+$0x110]  }
0x4da: {  	v19 =	vadd.f32 v29, v19;
	v29 =	vld [tilespmem:s15+$0xFFFFFFA0]  }
0x4db: {  	v31 =	vadd.f32 v31, v31;
	v11 =	vadd.f32 v11, v15;
	v15 =	vld [tilespmem:s15+$0xA0]  }
0x4dc: {  	v19 =	vmul.f32 $4.000000000e+00, v19;
	v20 =	vadd.f32 v28, v20;
	v28 =	vld [tilespmem:s15+$0x120]  }
0x4dd: {  	v11 =	vmul.f32 $1.600000000e+01, v11;
	v13 =	vadd.f32 v32, v13;
	v32 =	vld [tilespmem:s15+$0xFFFFFFB0]  }
0x4de: {  	v14 =	vadd.f32 v14, v14;
	v10 =	vadd.f32 v20, v10;
	v20 =	vld [tilespmem:s15+$0xB0]  }
0x4df: {  	v13 =	vmul.f32 $4.000000000e+00, v13;
	v21 =	vadd.f32 v29, v21;
	v29 =	vld [tilespmem:s15+$0x130]  }
0x4e0: {  	v10 =	vmul.f32 $1.600000000e+01, v10;
	v15 =	vadd.f32 v15, v18;
	v18 =	vld [tilespmem:s15+$0xFFFFFFC0]  }
0x4e1: {  	v28 =	vadd.f32 v28, v28;
	v7 =	vadd.f32 v21, v7;
	v21 =	vld [tilespmem:s15+$0xC0]  }
0x4e2: {  	v15 =	vmul.f32 $4.000000000e+00, v15;
	v23 =	vadd.f32 v32, v23;
	v32 =	vld [tilespmem:s15+$0x140]  }
0x4e3: {  	v7 =	vmul.f32 $1.600000000e+01, v7;
	v17 =	vadd.f32 v20, v17;
	v20 =	vld [tilespmem:s15+$0xFFFFFFD0]  }
0x4e4: {  	v29 =	vadd.f32 v29, v29;
	v8 =	vadd.f32 v23, v8;
	v23 =	vld [tilespmem:s15+$0xD0]  }
0x4e5: {  	v17 =	vmul.f32 $4.000000000e+00, v17;
	v18 =	vadd.f32 v18, v22;
	v22 =	vld [tilespmem:s15+$0x150]  }
0x4e6: {  	v8 =	vmul.f32 $1.600000000e+01, v8;
	v21 =	vadd.f32 v21, v25;
	v25 =	vld [tilespmem:s15+$0xFFFFFFE0]  }
0x4e7: {  	v32 =	vadd.f32 v32, v32;
	v16 =	vadd.f32 v18, v16;
	v18 =	vld [tilespmem:s15+$0xE0]  }
0x4e8: {  	v21 =	vmul.f32 $4.000000000e+00, v21;
	v20 =	vadd.f32 v20, v24;
	v24 =	vld [tilespmem:s15+$0x160]  }
0x4e9: {  	v33 =	vld [tilespmem:s15+$0x180];
	v16 =	vmul.f32 $1.600000000e+01, v16;
	v23 =	vadd.f32 v23, v27  }
0x4ea: {  	v27 =	vld [tilespmem:s15+$0x190];
	v22 =	vadd.f32 v22, v22;
	v12 =	vadd.f32 v20, v12  }
0x4eb: {  	v20 =	vld [tilespmem:s15+$0x1A0];
	v23 =	vmul.f32 $4.000000000e+00, v23;
	v25 =	vadd.f32 v25, v30  }
0x4ec: {  	v30 =	vld [tilespmem:s15+$0x1B0];
	v12 =	vmul.f32 $1.600000000e+01, v12;
	v18 =	vadd.f32 v18, v26  }
0x4ed: {  	v26 =	vld [tilespmem:s15+$0x1C0];
	v24 =	vadd.f32 v24, v24;
	v9 =	vadd.f32 v25, v9  }
0x4ee: {  	v25 =	vadd.f32 v33, v31;
	v31 =	vld [tilespmem:s15+$0x1D0];
	v18 =	vmul.f32 $4.000000000e+00, v18  }
0x4ef: {  	v14 =	vadd.f32 v27, v14;
	v27 =	vld [tilespmem:s15+$0x1E0];
	v9 =	vmul.f32 $1.600000000e+01, v9  }
0x4f0: {  	v33 =	vld [tilespmem:s11+$0xFFFFFF80];
	v19 =	vadd.f32 v25, v19;
	v20 =	vadd.f32 v20, v28  }
0x4f1: {  	v25 =	vld [tilespmem:s11+$0xFFFFFF90];
	v13 =	vadd.f32 v14, v13;
	v14 =	vadd.f32 v30, v29  }
0x4f2: {  	v28 =	vld [tilespmem:s11+$0xFFFFFFA0];
	v15 =	vadd.f32 v20, v15;
	v20 =	vadd.f32 v26, v32  }
0x4f3: {  	v26 =	vld [tilespmem:s11+$0xFFFFFFB0];
	v14 =	vadd.f32 v14, v17;
	v17 =	vadd.f32 v31, v22  }
0x4f4: {  	v22 =	vld [tilespmem:s11+$0xFFFFFFC0];
	v20 =	vadd.f32 v20, v21;
	v21 =	vadd.f32 v27, v24  }
0x4f5: {  	v11 =	vadd.f32 v19, v11;
	v19 =	vld [tilespmem:s11+$0xFFFFFFD0];
	v17 =	vadd.f32 v17, v23  }
0x4f6: {  	v10 =	vadd.f32 v13, v10;
	v13 =	vld [tilespmem:s11+$0xFFFFFFE0];
	v18 =	vadd.f32 v21, v18  }
0x4f7: {  	v11 =	vmul.f32 $4.000000000e+00, v11;
	v7 =	vadd.f32 v15, v7;
	v8 =	vadd.f32 v14, v8;
	v21 =	vld [tilespmem:s11+$0x0]  }
0x4f8: {  	v10 =	vmul.f32 $4.000000000e+00, v10;
	v15 =	vadd.f32 v20, v16;
	v12 =	vadd.f32 v17, v12;
	v14 =	vld [tilespmem:s11+$0x10]  }
0x4f9: {  	v16 =	vadd.f32 v33, v33;
	v20 =	vmul.f32 $4.000000000e+00, v7;
	v7 =	vadd.f32 v18, v9;
	v17 =	vld [tilespmem:s11+$0x20]  }
0x4fa: {  	v24 =	vmul.f32 $4.000000000e+00, v8;
	v9 =	vadd.f32 v25, v25;
	v18 =	vadd.f32 v28, v28;
	v23 =	vld [tilespmem:s11+$0x30]  }
0x4fb: {  	v8 =	vadd.f32 v26, v26;
	v15 =	vmul.f32 $4.000000000e+00, v15;
	v22 =	vadd.f32 v22, v22;
	v25 =	vld [tilespmem:s11+$0x40]  }
0x4fc: {  	v27 =	vmul.f32 $4.000000000e+00, v12;
	v19 =	vadd.f32 v19, v19;
	v28 =	vadd.f32 v13, v13;
	v26 =	vld [tilespmem:s11+$0x50]  }
0x4fd: {  	v12 =	vadd.f32 v21, v16;
	v16 =	vmul.f32 $4.000000000e+00, v7;
	v9 =	vadd.f32 v14, v9;
	v14 =	vld [tilespmem:s11+$0x60]  }
0x4fe: {  	v17 =	vadd.f32 v17, v18;
	v13 =	vld.idx.msk [tilespmem:v0+s22+$0x0], $0xffff  }
0x4ff: {  	v0 =	vadd.f32 v11, v12;
	v11 =	vadd.f32 v23, v8;
	v12 =	vld.idx.msk [tilespmem:v4+s22+$0x0], $0xffff  }
.Ltmp7:
0x500: {  	v4 =	vadd.f32 v10, v9;
	v10 =	vadd.f32 v25, v22;
	v7 =	vld.idx.msk [tilespmem:v6+s22+$0x0], $0xffff;
	(pc) =	sbr.rel @p0 .LBB2_13-.Ltmp7, $4  }
0x501: {  	v0 =	vtrunc.f32 v0;
	v6 =	vadd.f32 v20, v17;
	v17 =	vadd.f32 v26, v19;
	v8 =	vld.idx.msk [tilespmem:v3+s22+$0x0], $0xffff  }
0x502: {  	v4 =	vtrunc.f32 v4;
	v11 =	vadd.f32 v24, v11;
	v18 =	vadd.f32 v14, v28;
	v9 =	vld.idx.msk [tilespmem:v5+s22+$0x0], $0xffff  }
0x503: {  	v5 =	vtrunc.f32 v6;
	v6 =	vadd.f32 v15, v10;
	v3 =	vadd.f32 v27, v17;
	v10 =	vld.idx.msk [tilespmem:v2+s22+$0x0], $0xffff  }
0x504: {  	s15 =	sadd.s32 $0x400, s15;
	v0 =	vcvt.f32.s32 v0;
	v14 =	vtrunc.f32 v11;
	v2 =	vadd.f32 v16, v18;
	v11 =	vld.idx.msk [tilespmem:v1+s22+$0x0], $0xffff  }
0x505: {  	v1 =	vunpack.i.u.bf16.f32 v13  }
0x506: {  	v38 =	vunpack.i.l.bf16.f32 v13;
	[tilespmem:s13+$0x0] =	vst v1  }
0x507: {  	v39 =	vunpack.i.u.bf16.f32 v12;
	[tilespmem:s13+$0xFFFFFF80] =	vst v38  }
0x508: {  	v40 =	vunpack.i.l.bf16.f32 v12;
	[tilespmem:s13+$0x10] =	vst v39  }
0x509: {  	v41 =	vunpack.i.l.bf16.f32 v7;
	[tilespmem:s13+$0xFFFFFF90] =	vst v40  }
0x50a: {  	v4 =	vcvt.f32.s32 v4;
	v42 =	vunpack.i.u.bf16.f32 v7;
	[tilespmem:s13+$0xFFFFFFA0] =	vst v41  }
0x50b: {  	v43 =	vunpack.i.l.bf16.f32 v8;
	[tilespmem:s13+$0x20] =	vst v42  }
0x50c: {  	v5 =	vcvt.f32.s32 v5;
	v44 =	vunpack.i.u.bf16.f32 v8;
	[tilespmem:s13+$0xFFFFFFB0] =	vst v43  }
0x50d: {  	v45 =	vunpack.i.l.bf16.f32 v9;
	[tilespmem:s13+$0x30] =	vst v44  }
0x50e: {  	v46 =	vcvt.f32.s32 v14;
	v0 =	vld.idx.msk [tilespmem:v0+s22+$0x0], $0xffff;
	v47 =	vunpack.i.u.bf16.f32 v9;
	[tilespmem:s13+$0xFFFFFFC0] =	vst v45  }
0x50f: {  	v48 =	vtrunc.f32 v6;
	v49 =	vunpack.i.l.bf16.f32 v10;
	[tilespmem:s13+$0x40] =	vst v47  }
0x510: {  	v1 =	vcvt.f32.s32 v48;
	v50 =	vunpack.i.u.bf16.f32 v10;
	[tilespmem:s13+$0xFFFFFFD0] =	vst v49;
	v4 =	vld.idx.msk [tilespmem:v4+s22+$0x0], $0xffff  }
0x511: {  	v3 =	vtrunc.f32 v3;
	v51 =	vunpack.i.l.bf16.f32 v11;
	[tilespmem:s13+$0x50] =	vst v50  }
0x512: {  	v3 =	vcvt.f32.s32 v3;
	v52 =	vunpack.i.u.bf16.f32 v11;
	[tilespmem:s13+$0xFFFFFFE0] =	vst v51;
	v5 =	vld.idx.msk [tilespmem:v5+s22+$0x0], $0xffff  }
0x513: {  	v2 =	vtrunc.f32 v2;
	[tilespmem:s13+$0x60] =	vst v52;
	v53 =	vunpack.i.u.bf16.f32 v0  }
0x514: {  	v2 =	vcvt.f32.s32 v2;
	v7 =	vld.idx.msk [tilespmem:v46+s22+$0x0], $0xffff;
	v0 =	vunpack.i.l.bf16.f32 v0;
	[tilespmem:s12+$0x0] =	vst v53  }
0x515: {  	[tilespmem:s12+$0xFFFFFF80] =	vst v0;
	v54 =	vunpack.i.u.bf16.f32 v4  }
0x516: {  	v1 =	vld.idx.msk [tilespmem:v1+s22+$0x0], $0xffff;
	v4 =	vunpack.i.l.bf16.f32 v4;
	[tilespmem:s12+$0x10] =	vst v54  }
0x517: {  	v55 =	vunpack.i.l.bf16.f32 v5;
	[tilespmem:s12+$0xFFFFFF90] =	vst v4  }
0x518: {  	v3 =	vld.idx.msk [tilespmem:v3+s22+$0x0], $0xffff;
	v56 =	vunpack.i.u.bf16.f32 v5;
	[tilespmem:s12+$0xFFFFFFA0] =	vst v55  }
0x519: {  	v57 =	vunpack.i.l.bf16.f32 v7;
	[tilespmem:s12+$0x20] =	vst v56  }
0x51a: {  	v2 =	vld.idx.msk [tilespmem:v2+s22+$0x0], $0xffff;
	v58 =	vunpack.i.u.bf16.f32 v7;
	[tilespmem:s12+$0xFFFFFFB0] =	vst v57  }
0x51b: {  	v59 =	vunpack.i.l.bf16.f32 v1;
	[tilespmem:s12+$0x30] =	vst v58  }
0x51c: {  	v1 =	vunpack.i.u.bf16.f32 v1;
	[tilespmem:s12+$0xFFFFFFC0] =	vst v59  }
0x51d: {  	v60 =	vunpack.i.l.bf16.f32 v3;
	[tilespmem:s12+$0x40] =	vst v1  }
.Ltmp8:
0x51e: {  	v61 =	vunpack.i.u.bf16.f32 v3;
	[tilespmem:s12+$0xFFFFFFD0] =	vst v60;
	(pc) =	sbr.rel @p1 .LBB2_16-.Ltmp8, $4  }
0x51f: {  	v62 =	vunpack.i.l.bf16.f32 v2;
	[tilespmem:s12+$0x50] =	vst v61  }
0x520: {  	v63 =	vunpack.i.u.bf16.f32 v2;
	[tilespmem:s12+$0xFFFFFFE0] =	vst v62  }
0x521: {  	s3 =	sadd.s32 $0x600, s3;
	[tilespmem:s12+$0x60] =	vst v63  }
0x522: {  	[hbm4b:s3+s5] =	stream.linear.scatter [tilespmem:s10], [sflag:$0x8], $0x1000, $0x38;
	[tilespmem:$0x18C00] =	vst v63  }
.Ltmp9:
0x523: {  	s3 =	sadd.s32 s7, s20;
	(pc) =	sbr.rel .LBB2_6-.Ltmp9, $4  }
0x524: {  	s7 =	sadd.s32 s1, s3  }
0x525: {  	[tilespmem:s31], [sflag:$0x4] =	stream.linear.gather [hbm4b:s7+s5], $0x4000, $0x38;
	[tilespmem:$0x18C00] =	vst v63  }
0x526: {  	s21 =	sadd.s32 $0x1, s21;
	s3 =	sadd.s32 s3, s8  }
0x527: {  	[tilespmem:s0], [sflag:$0x4] =	stream.strided.gather [hbm4b:s3+s23], $0x1000, s24, s23, $0x38;
	[tilespmem:$0x18C00] =	vst v63  }
.LBB2_17:
0x528: {  	_ =	sfence.sel $0x180000  }
0x529: {  	[bflag:$0x0] =	sbarrier.arrive $0xFFFF  }
0x52a: {  	_ =	strace $0x90000047  }
0x52b: {  	s0 =	stileid.u32;
	[bflag:$0x2] =	sbarrier.arrive $0xFFFF  }
0x52c: {  	p0 =	sne.s32 s0, $0x0;
	s0 =	rddreg [dreg:$0x3]  }
0x52d: {  	s0 =	sadd.s32 @!p0 $0x100000, s0  }
0x52e: {  	[sflag:s0] =	ssyncadd.tile.s32 @!p0 $0x1;
	_ =	shalt  }
.Lfunc_end2:
_tile_overlayer_lowered:
.L_overlay_start_2:
0x52f: {  	(tag) =	ssettag $0x2  }
0x530: {  	s0 =	rddreg [dreg:$0x0];
	s2 =	stileid.u32  }
0x531: {  	s1 =	rddreg [dreg:$0x1];
	p0 =	sne.s32 s2, $0x0  }
0x532: {  	s3 =	rddreg [dreg:$0x2];
	[bflag:$0x3] =	sbarrier.arrive $0xFFFF;
	s2 =	simm.s32 @!p0 $0x1C09  }
0x533: {  	[timem:s3], [sflag:s2] =	dma.local @!p0 [hbm:s0], s1  }
0x534: {  	s0 =	simm.s32 @!p0 $0x9  }
0x535: {  	_ =	swait.ge @!p0 [sflag:s0], s1  }
0x536: {  	s1 =	ssub.s32 @!p0 $0x0, s1;
	[sflag:s0] =	ssyncset.done @!p0 $0x0  }
0x537: {  	[sflag:s0] =	ssyncadd.s32 @!p0 s1  }
0x538: {  	[bflag:$0x3] =	sbarrier.arrive $0xFFFF  }
0x539: {  	_ =	shalt  }

</sc_bundles>
